<compile_context>
chip_gen: v7x
topology: tpu7x:2x2x1
jax: 0.10.2.dev20260603
libtpu: 0.0.44.dev20260713+nightly
codegen_flags: <defaults>
</compile_context>

<pallas_src>
import dataclasses
import functools

import jax
import jax.numpy as jnp
from jax import lax
from jax.experimental import pallas as pl
from jax.experimental.pallas import tpu as pltpu
from jax.experimental.pallas import tpu_sc as plsc

N = 10000
E = 320000
D = 128
H = 128
C = 16

NC = 2
NS = 16
NW = NC * NS
EW = E // NW
CH = 80
NCHUNK = EW // CH
NP = 10240
NRP = NP // NS
NZC = NRP // CH

f32 = jnp.float32
i32 = jnp.int32

_mesh = plsc.VectorSubcoreMesh(core_axis_name="c", subcore_axis_name="s")

_cp = pltpu.CompilerParams()
if "needs_layout_passes" in pltpu.CompilerParams.__dataclass_fields__:
    _cp = dataclasses.replace(_cp, needs_layout_passes=False)


@functools.partial(
    pl.kernel,
    out_type=(
        jax.ShapeDtypeStruct((NC, NS, NP), f32),
        jax.ShapeDtypeStruct((NC, NS, NP), f32),
    ),
    mesh=_mesh,
    scratch_types=[
        pltpu.VMEM((1, CH), i32),
        pltpu.VMEM((1, CH), i32),
        pltpu.VMEM((NP,), f32),
        pltpu.VMEM((NP,), f32),
    ],
    compiler_params=_cp,
)
def _sc_degcnt(src_hbm, dst_hbm, dego_hbm, degi_hbm, si_v, di_v, co_v, ci_v):
    cid = lax.axis_index("c")
    sid = lax.axis_index("s")
    wid = sid * NC + cid

    @pl.loop(0, NP, step=16)
    def _(j):
        co_v[pl.ds(j, 16)] = jnp.zeros((16,), f32)
        ci_v[pl.ds(j, 16)] = jnp.zeros((16,), f32)

    ones = jnp.full((16,), 1.0, f32)
    base = wid * EW

    @pl.loop(0, NCHUNK)
    def _(ck):
        off = base + ck * CH
        pltpu.sync_copy(src_hbm.at[pl.ds(off, CH)], si_v.at[0])
        pltpu.sync_copy(dst_hbm.at[pl.ds(off, CH)], di_v.at[0])

        @pl.loop(0, CH, step=16)
        def _(j):
            plsc.addupdate_scatter(co_v, [si_v[0, pl.ds(j, 16)]], ones)
            plsc.addupdate_scatter(ci_v, [di_v[0, pl.ds(j, 16)]], ones)

    pltpu.sync_copy(co_v, dego_hbm.at[cid, sid, :])
    pltpu.sync_copy(ci_v, degi_hbm.at[cid, sid, :])


@functools.partial(
    pl.kernel,
    out_type=jax.ShapeDtypeStruct((NC, NP, H), f32),
    mesh=_mesh,
    scratch_types=[
        pltpu.VMEM((1, CH), i32),
        pltpu.VMEM((1, CH), i32),
        pltpu.VMEM((1, CH), i32),
        pltpu.VMEM((1, CH), i32),
        pltpu.VMEM((CH, H), f32),
        pltpu.VMEM((CH, H), f32),
        pltpu.VMEM((CH, H), f32),
        pltpu.VMEM((NZC, CH), i32),
        pltpu.VMEM_SHARED((NP, H), f32),
        pltpu.SemaphoreType.DMA,
        pltpu.SemaphoreType.DMA,
    ],
)
def _sc_agg128(tbl_hbm, src_hbm, dst_hbm, agg_hbm, si0, di0, si1, di1,
               rows0, rows1, zrows_v, own_v, acc_sh, sem0, sem1):
    cid = lax.axis_index("c")
    sid = lax.axis_index("s")
    wid = sid * NC + cid
    s0 = sid * NRP

    @pl.loop(0, CH)
    def _(r):
        @pl.loop(0, H, step=16)
        def _(j):
            zrows_v[r, pl.ds(j, 16)] = jnp.zeros((16,), f32)

    @pl.loop(0, NZC)
    def _(k):
        @pl.loop(0, CH, step=16)
        def _(j):
            own_v[k, pl.ds(j, 16)] = s0 + k * CH + j + lax.iota(i32, 16)

    @pl.loop(0, NZC)
    def _(k):
        pltpu.sync_copy(zrows_v, acc_sh.at[own_v.at[k]])

    plsc.subcore_barrier()

    base = wid * EW

    pltpu.sync_copy(src_hbm.at[pl.ds(base, CH)], si0.at[0])
    pltpu.sync_copy(dst_hbm.at[pl.ds(base, CH)], di0.at[0])
    pltpu.async_copy(tbl_hbm.at[si0.at[0]], rows0, sem0)

    @pl.loop(0, NCHUNK - 1, step=2)
    def _(ci):
        off1 = base + (ci + 1) * CH
        pltpu.sync_copy(src_hbm.at[pl.ds(off1, CH)], si1.at[0])
        pltpu.sync_copy(dst_hbm.at[pl.ds(off1, CH)], di1.at[0])
        pltpu.async_copy(tbl_hbm.at[si1.at[0]], rows1, sem1)

        pltpu.make_async_copy(tbl_hbm.at[si0.at[0]], rows0, sem0).wait()
        pltpu.sync_copy(rows0, acc_sh.at[di0.at[0]], add=True)

        off2 = base + (ci + 2) * CH
        pltpu.sync_copy(src_hbm.at[pl.ds(off2, CH)], si0.at[0])
        pltpu.sync_copy(dst_hbm.at[pl.ds(off2, CH)], di0.at[0])
        pltpu.async_copy(tbl_hbm.at[si0.at[0]], rows0, sem0)

        pltpu.make_async_copy(tbl_hbm.at[si1.at[0]], rows1, sem1).wait()
        pltpu.sync_copy(rows1, acc_sh.at[di1.at[0]], add=True)

    pltpu.make_async_copy(tbl_hbm.at[si0.at[0]], rows0, sem0).wait()
    pltpu.sync_copy(rows0, acc_sh.at[di0.at[0]], add=True)

    plsc.subcore_barrier()

    @pl.loop(0, NZC)
    def _(k):
        pltpu.async_copy(acc_sh.at[own_v.at[k]], zrows_v, sem0).wait()
        pltpu.sync_copy(zrows_v, agg_hbm.at[cid, pl.ds(s0 + k * CH, CH), :])


_RB = 1000


def _mm1_body(x_ref, w_ref, o_ref):
    o_ref[...] = jnp.dot(x_ref[...], w_ref[...], preferred_element_type=f32)


def _tc_mm1(x, W1):
    return pl.pallas_call(
        _mm1_body,
        grid=(N // _RB,),
        in_specs=[
            pl.BlockSpec((_RB, D), lambda i: (i, 0)),
            pl.BlockSpec((D, H), lambda i: (0, 0)),
        ],
        out_specs=pl.BlockSpec((_RB, H), lambda i: (i, 0)),
        out_shape=jax.ShapeDtypeStruct((N, H), f32),
    )(x, W1)


def _norms_body(dego_ref, degi_ref, ns_ref, nd_ref):
    do = jnp.sum(dego_ref[...], axis=(0, 1))
    di = jnp.sum(degi_ref[...], axis=(0, 1))
    ns_ref[...] = jnp.where(do > 0, lax.rsqrt(do), 0.0)[:, None]
    nd_ref[...] = jnp.where(di > 0, lax.rsqrt(di), 0.0)[:, None]


def _tc_norms(dego, degi):
    return pl.pallas_call(
        _norms_body,
        grid=(1,),
        in_specs=[
            pl.BlockSpec((NC, NS, NP), lambda i: (0, 0, 0)),
            pl.BlockSpec((NC, NS, NP), lambda i: (0, 0, 0)),
        ],
        out_specs=[
            pl.BlockSpec((NP, 1), lambda i: (0, 0)),
            pl.BlockSpec((NP, 1), lambda i: (0, 0)),
        ],
        out_shape=[
            jax.ShapeDtypeStruct((NP, 1), f32),
            jax.ShapeDtypeStruct((NP, 1), f32),
        ],
    )(dego, degi)


def _scale_body(y_ref, ns_ref, o_ref):
    o_ref[...] = y_ref[...] * ns_ref[...]


def _tc_scale(y1, ns):
    return pl.pallas_call(
        _scale_body,
        grid=(N // _RB,),
        in_specs=[
            pl.BlockSpec((_RB, H), lambda i: (i, 0)),
            pl.BlockSpec((_RB, 1), lambda i: (i, 0)),
        ],
        out_specs=pl.BlockSpec((_RB, H), lambda i: (i, 0)),
        out_shape=jax.ShapeDtypeStruct((N, H), f32),
    )(y1, ns)


def _mid_body(agg_ref, nd_ref, ns_ref, b1_ref, o_ref):
    v = agg_ref[...]
    a = v[0] + v[1]
    h = jnp.maximum(a * nd_ref[...] + b1_ref[...][None, :], 0.0)
    o_ref[...] = h * ns_ref[...]


def _tc_mid(agg, nd, ns, b1):
    return pl.pallas_call(
        _mid_body,
        grid=(N // _RB,),
        in_specs=[
            pl.BlockSpec((NC, _RB, H), lambda i: (0, i, 0)),
            pl.BlockSpec((_RB, 1), lambda i: (i, 0)),
            pl.BlockSpec((_RB, 1), lambda i: (i, 0)),
            pl.BlockSpec((H,), lambda i: (0,)),
        ],
        out_specs=pl.BlockSpec((_RB, H), lambda i: (i, 0)),
        out_shape=jax.ShapeDtypeStruct((N, H), f32),
    )(agg, nd, ns, b1)


def _fin_body(agg_ref, nd_ref, w2_ref, b2_ref, o_ref):
    v = agg_ref[...]
    a = (v[0] + v[1]) * nd_ref[...]
    o_ref[...] = (jnp.dot(a, w2_ref[...], preferred_element_type=f32)
                  + b2_ref[...][None, :])


def _tc_fin(agg2, nd, W2, b2):
    return pl.pallas_call(
        _fin_body,
        grid=(N // _RB,),
        in_specs=[
            pl.BlockSpec((NC, _RB, H), lambda i: (0, i, 0)),
            pl.BlockSpec((_RB, 1), lambda i: (i, 0)),
            pl.BlockSpec((H, C), lambda i: (0, 0)),
            pl.BlockSpec((C,), lambda i: (0,)),
        ],
        out_specs=pl.BlockSpec((_RB, C), lambda i: (i, 0)),
        out_shape=jax.ShapeDtypeStruct((N, C), f32),
    )(agg2, nd, W2, b2)


def kernel(x, edge_index, W1, b1, W2, b2):
    src = edge_index[0]
    dst = edge_index[1]
    dego, degi = _sc_degcnt(src, dst)
    y1 = _tc_mm1(x, W1)
    ns, nd = _tc_norms(dego, degi)
    xs = _tc_scale(y1, ns[:N])
    agg = _sc_agg128(xs, src, dst)
    hs = _tc_mid(agg, nd[:N], ns[:N], b1)
    agg2 = _sc_agg128(hs, src, dst)
    return _tc_fin(agg2, nd[:N], W2, b2)

# --- scband reference (transcript-rebuilt; emitter-appended) ---
"""Pipeline reference for scband-gcn-20641612825049 (READ-ONLY COPY).

The authoritative reference and input builder live on the scoring server;
editing this copy changes nothing except your own understanding.
"""

import jax, jax.numpy as jnp
import numpy as np

N = 10000
E = 320000
D = 128
H = 128
C = 16


def setup_inputs(seed: int = 0) -> dict:
    key = jax.random.key(seed)
    k1, k2, k3, k4 = jax.random.split(key, 4)
    x = jax.random.normal(k1, (N, D), dtype=jnp.float32)
    edge_index = jax.random.randint(k2, (2, E), 0, N, dtype=jnp.int32)
    W1 = jax.random.normal(k3, (D, H), dtype=jnp.float32) * 0.05
    b1 = jnp.zeros((H,), dtype=jnp.float32)
    W2 = jax.random.normal(k4, (H, C), dtype=jnp.float32) * 0.05
    b2 = jnp.zeros((C,), dtype=jnp.float32)
    return {"x": x, "edge_index": edge_index, "W1": W1, "b1": b1, "W2": W2, "b2": b2}


def _gcn_conv(h, src, dst, W, b):
    # DGL GraphConv with norm='both': symmetric normalization
    ones = jnp.ones((E,), dtype=h.dtype)
    deg_out = jax.ops.segment_sum(ones, src, num_segments=N)
    deg_in = jax.ops.segment_sum(ones, dst, num_segments=N)
    norm_src = jnp.where(deg_out > 0, deg_out ** -0.5, 0.0)
    norm_dst = jnp.where(deg_in > 0, deg_in ** -0.5, 0.0)
    h = h * norm_src[:, None]
    msgs = jnp.take(h, src, axis=0)           # gather from source nodes
    agg = jax.ops.segment_sum(msgs, dst, num_segments=N)  # scatter-add to dst
    agg = agg * norm_dst[:, None]
    return agg @ W + b


def reference(x, edge_index, W1, b1, W2, b2):
    src = edge_index[0]
    dst = edge_index[1]
    # layer 1 + activation (act='relu'); dropout p=0.0 is a no-op
    h = _gcn_conv(x, src, dst, W1, b1)
    h = jax.nn.relu(h)
    # layer 2 (final layer, no activation)
    out = _gcn_conv(h, src, dst, W2, b2)
    return out

if __name__ == "__main__":
    import jax
    _d = setup_inputs()
    print(jax.jit(kernel)(*tuple(_d.values())))

</pallas_src>

<mosaic_0001>
#map = affine_map<(d0, d1) -> (0)>
#map1 = affine_map<(d0, d1) -> (0, 0, 0)>
module attributes {stable_mosaic.version = 14 : i64} {
  func.func @_sc_degcnt(%arg0: i32, %arg1: i32, %arg2: memref<320000xi32, #tpu.memory_space<hbm>>, %arg3: memref<320000xi32, #tpu.memory_space<hbm>>, %arg4: memref<2x16x10240xf32, #tpu.memory_space<hbm>>, %arg5: memref<2x16x10240xf32, #tpu.memory_space<hbm>>, %arg6: memref<1x80xi32, #tpu.memory_space<vmem>>, %arg7: memref<1x80xi32, #tpu.memory_space<vmem>>, %arg8: memref<10240xf32, #tpu.memory_space<vmem>>, %arg9: memref<10240xf32, #tpu.memory_space<vmem>>) attributes {dimension_semantics = [#tpu.dimension_semantics<core_parallel>, #tpu.dimension_semantics<subcore_parallel>], iteration_bounds = array<i64: 2, 16>, scalar_prefetch = 0 : i64, scratch_operands = 4 : i64, tpu.core_type = #tpu.core_type<sc_vector_subcore>, window_params = [{transform_indices = #map}, {transform_indices = #map}, {transform_indices = #map1}, {transform_indices = #map1}]} {
    %mul3A = arith.constant 2 : i32
    %mul3A_0 = arith.muli %arg1, %mul3A : i32
    %add3A = arith.addi %mul3A_0, %arg0 : i32
    %scan3A = arith.constant 0 : i32
    %scan3A_1 = arith.constant 640 : i32
    %scan3A_2 = arith.addi %scan3A, %scan3A_1 : i32
    %scan3A_3 = arith.constant 1 : i32
    scf.for %scan3A_13 = %scan3A to %scan3A_2 step %scan3A_3  : i32 {
      %mul3A_14 = arith.constant 16 : i32
      %mul3A_15 = arith.muli %scan3A_13, %mul3A_14 : i32
      %add3A_16 = arith.constant 0 : i32
      %add3A_17 = arith.addi %add3A_16, %mul3A_15 : i32
      %broadcast_in_dim3A_18 = arith.constant 0.000000e+00 : f32
      %broadcast_in_dim3A_19 = vector.broadcast %broadcast_in_dim3A_18 : f32 to vector<16xf32>
      %swap3A = arith.index_cast %add3A_17 : i32 to index
      %swap3A_20 = tpu.vector_load %arg8[%swap3A] {strides = array<i32>} : memref<10240xf32, #tpu.memory_space<vmem>>, vector<16xf32>,
      tpu.vector_store %arg8[%swap3A], %broadcast_in_dim3A_19 {strides = array<i32>} : memref<10240xf32, #tpu.memory_space<vmem>>, vector<16xf32>,
      %broadcast_in_dim3A_21 = arith.constant 0.000000e+00 : f32
      %broadcast_in_dim3A_22 = vector.broadcast %broadcast_in_dim3A_21 : f32 to vector<16xf32>
      %swap3A_23 = arith.index_cast %add3A_17 : i32 to index
      %swap3A_24 = tpu.vector_load %arg9[%swap3A_23] {strides = array<i32>} : memref<10240xf32, #tpu.memory_space<vmem>>, vector<16xf32>,
      tpu.vector_store %arg9[%swap3A_23], %broadcast_in_dim3A_22 {strides = array<i32>} : memref<10240xf32, #tpu.memory_space<vmem>>, vector<16xf32>,
    }
    %scan3A_4 = arith.constant 640 : i32
    %broadcast_in_dim3A = arith.constant 1.000000e+00 : f32
    %broadcast_in_dim3A_5 = vector.broadcast %broadcast_in_dim3A : f32 to vector<16xf32>
    %mul3A_6 = arith.constant 10000 : i32
    %mul3A_7 = arith.muli %add3A, %mul3A_6 : i32
    %scan3A_8 = arith.constant 0 : i32
    %scan3A_9 = arith.constant 125 : i32
    %scan3A_10 = arith.addi %scan3A_8, %scan3A_9 : i32
    %scan3A_11 = arith.constant 1 : i32
    scf.for %scan3A_13 = %scan3A_8 to %scan3A_10 step %scan3A_11  : i32 {
      %mul3A_14 = arith.constant 1 : i32
      %mul3A_15 = arith.muli %scan3A_13, %mul3A_14 : i32
      %add3A_16 = arith.constant 0 : i32
      %add3A_17 = arith.addi %add3A_16, %mul3A_15 : i32
      %mul3A_18 = arith.constant 80 : i32
      %mul3A_19 = arith.muli %add3A_17, %mul3A_18 : i32
      %add3A_20 = arith.addi %mul3A_7, %mul3A_19 : i32
      %run_scoped3A = arith.constant 0 : i32
      "tpu.region"() ({
        %run_scoped3A_27 = tpu.sem_alloc : memref<!tpu.dma_semaphore, #tpu.memory_space<semaphore_mem>>
        %dma_start3A = arith.constant 0 : i32
        %dma_start3A_28 = tpu.memref_slice %arg6[%run_scoped3A, %dma_start3A] : memref<1x80xi32, #tpu.memory_space<vmem>> -> memref<1x80xi32, #tpu.memory_space<vmem>>
        %dma_start3A_29 = tpu.memref_squeeze %dma_start3A_28 : memref<1x80xi32, #tpu.memory_space<vmem>> -> memref<80xi32, #tpu.memory_space<vmem>>
        %dma_start3A_30 = tpu.memref_slice %arg2[%add3A_20] : memref<320000xi32, #tpu.memory_space<hbm>> -> memref<80xi32, #tpu.memory_space<hbm>>
        %dma_start3A_31 = arith.constant 0 : i32
        %dma_start3A_32 = tpu.memref_slice %arg6[%run_scoped3A, %dma_start3A_31] : memref<1x80xi32, #tpu.memory_space<vmem>> -> memref<1x80xi32, #tpu.memory_space<vmem>>
        %dma_start3A_33 = tpu.memref_squeeze %dma_start3A_32 : memref<1x80xi32, #tpu.memory_space<vmem>> -> memref<80xi32, #tpu.memory_space<vmem>>
        %dma_start3A_34 = tpu.memref_slice %arg2[%add3A_20] : memref<320000xi32, #tpu.memory_space<hbm>> -> memref<80xi32, #tpu.memory_space<hbm>>
        tpu.enqueue_dma source(%dma_start3A_34 : memref<80xi32, #tpu.memory_space<hbm>>) target(%dma_start3A_33 : memref<80xi32, #tpu.memory_space<vmem>>) target_semaphore(%run_scoped3A_27 : memref<!tpu.dma_semaphore, #tpu.memory_space<semaphore_mem>>)
        %dma_wait3A = arith.constant 0 : i32
        %dma_wait3A_35 = tpu.memref_slice %arg6[%run_scoped3A, %dma_wait3A] : memref<1x80xi32, #tpu.memory_space<vmem>> -> memref<1x80xi32, #tpu.memory_space<vmem>>
        %dma_wait3A_36 = tpu.memref_squeeze %dma_wait3A_35 : memref<1x80xi32, #tpu.memory_space<vmem>> -> memref<80xi32, #tpu.memory_space<vmem>>
        %dma_wait3A_37 = tpu.memref_slice %arg2[%add3A_20] : memref<320000xi32, #tpu.memory_space<hbm>> -> memref<80xi32, #tpu.memory_space<hbm>>
        %dma_wait3A_38 = arith.constant 0 : i32
        %dma_wait3A_39 = tpu.memref_slice %arg6[%run_scoped3A, %dma_wait3A_38] : memref<1x80xi32, #tpu.memory_space<vmem>> -> memref<1x80xi32, #tpu.memory_space<vmem>>
        %dma_wait3A_40 = tpu.memref_squeeze %dma_wait3A_39 : memref<1x80xi32, #tpu.memory_space<vmem>> -> memref<80xi32, #tpu.memory_space<vmem>>
        %dma_wait3A_41 = tpu.memref_slice %arg2[%add3A_20] : memref<320000xi32, #tpu.memory_space<hbm>> -> memref<80xi32, #tpu.memory_space<hbm>>
        tpu.wait_dma2 semaphore(%run_scoped3A_27 : memref<!tpu.dma_semaphore, #tpu.memory_space<semaphore_mem>>) src(%dma_wait3A_41 : memref<80xi32, #tpu.memory_space<hbm>>) dst(%dma_wait3A_40 : memref<80xi32, #tpu.memory_space<vmem>>)
        tpu.yield
      }) : () -> ()
      %run_scoped3A_21 = arith.constant 0 : i32
      "tpu.region"() ({
        %run_scoped3A_27 = tpu.sem_alloc : memref<!tpu.dma_semaphore, #tpu.memory_space<semaphore_mem>>
        %dma_start3A = arith.constant 0 : i32
        %dma_start3A_28 = tpu.memref_slice %arg7[%run_scoped3A_21, %dma_start3A] : memref<1x80xi32, #tpu.memory_space<vmem>> -> memref<1x80xi32, #tpu.memory_space<vmem>>
        %dma_start3A_29 = tpu.memref_squeeze %dma_start3A_28 : memref<1x80xi32, #tpu.memory_space<vmem>> -> memref<80xi32, #tpu.memory_space<vmem>>
        %dma_start3A_30 = tpu.memref_slice %arg3[%add3A_20] : memref<320000xi32, #tpu.memory_space<hbm>> -> memref<80xi32, #tpu.memory_space<hbm>>
        %dma_start3A_31 = arith.constant 0 : i32
        %dma_start3A_32 = tpu.memref_slice %arg7[%run_scoped3A_21, %dma_start3A_31] : memref<1x80xi32, #tpu.memory_space<vmem>> -> memref<1x80xi32, #tpu.memory_space<vmem>>
        %dma_start3A_33 = tpu.memref_squeeze %dma_start3A_32 : memref<1x80xi32, #tpu.memory_space<vmem>> -> memref<80xi32, #tpu.memory_space<vmem>>
        %dma_start3A_34 = tpu.memref_slice %arg3[%add3A_20] : memref<320000xi32, #tpu.memory_space<hbm>> -> memref<80xi32, #tpu.memory_space<hbm>>
        tpu.enqueue_dma source(%dma_start3A_34 : memref<80xi32, #tpu.memory_space<hbm>>) target(%dma_start3A_33 : memref<80xi32, #tpu.memory_space<vmem>>) target_semaphore(%run_scoped3A_27 : memref<!tpu.dma_semaphore, #tpu.memory_space<semaphore_mem>>)
        %dma_wait3A = arith.constant 0 : i32
        %dma_wait3A_35 = tpu.memref_slice %arg7[%run_scoped3A_21, %dma_wait3A] : memref<1x80xi32, #tpu.memory_space<vmem>> -> memref<1x80xi32, #tpu.memory_space<vmem>>
        %dma_wait3A_36 = tpu.memref_squeeze %dma_wait3A_35 : memref<1x80xi32, #tpu.memory_space<vmem>> -> memref<80xi32, #tpu.memory_space<vmem>>
        %dma_wait3A_37 = tpu.memref_slice %arg3[%add3A_20] : memref<320000xi32, #tpu.memory_space<hbm>> -> memref<80xi32, #tpu.memory_space<hbm>>
        %dma_wait3A_38 = arith.constant 0 : i32
        %dma_wait3A_39 = tpu.memref_slice %arg7[%run_scoped3A_21, %dma_wait3A_38] : memref<1x80xi32, #tpu.memory_space<vmem>> -> memref<1x80xi32, #tpu.memory_space<vmem>>
        %dma_wait3A_40 = tpu.memref_squeeze %dma_wait3A_39 : memref<1x80xi32, #tpu.memory_space<vmem>> -> memref<80xi32, #tpu.memory_space<vmem>>
        %dma_wait3A_41 = tpu.memref_slice %arg3[%add3A_20] : memref<320000xi32, #tpu.memory_space<hbm>> -> memref<80xi32, #tpu.memory_space<hbm>>
        tpu.wait_dma2 semaphore(%run_scoped3A_27 : memref<!tpu.dma_semaphore, #tpu.memory_space<semaphore_mem>>) src(%dma_wait3A_41 : memref<80xi32, #tpu.memory_space<hbm>>) dst(%dma_wait3A_40 : memref<80xi32, #tpu.memory_space<vmem>>)
        tpu.yield
      }) : () -> ()
      %scan3A_22 = arith.constant 0 : i32
      %scan3A_23 = arith.constant 5 : i32
      %scan3A_24 = arith.addi %scan3A_22, %scan3A_23 : i32
      %scan3A_25 = arith.constant 1 : i32
      scf.for %scan3A_27 = %scan3A_22 to %scan3A_24 step %scan3A_25  : i32 {
        %mul3A_28 = arith.constant 16 : i32
        %mul3A_29 = arith.muli %scan3A_27, %mul3A_28 : i32
        %add3A_30 = arith.constant 0 : i32
        %add3A_31 = arith.addi %add3A_30, %mul3A_29 : i32
        %get3A = arith.constant 0 : i32
        %get3A_32 = arith.index_cast %get3A : i32 to index
        %get3A_33 = arith.index_cast %add3A_31 : i32 to index
        %get3A_34 = tpu.vector_load %arg6[%get3A_32, %get3A_33] {strides = array<i32>} : memref<1x80xi32, #tpu.memory_space<vmem>>, vector<16xi32>,
        tpu.vector_store_idx %arg8[%get3A_34], %broadcast_in_dim3A_5 {add = true} : memref<10240xf32, #tpu.memory_space<vmem>>[vector<16xi32>], vector<16xf32>,
        %get3A_35 = arith.constant 0 : i32
        %get3A_36 = arith.index_cast %get3A_35 : i32 to index
        %get3A_37 = arith.index_cast %add3A_31 : i32 to index
        %get3A_38 = tpu.vector_load %arg7[%get3A_36, %get3A_37] {strides = array<i32>} : memref<1x80xi32, #tpu.memory_space<vmem>>, vector<16xi32>,
        tpu.vector_store_idx %arg9[%get3A_38], %broadcast_in_dim3A_5 {add = true} : memref<10240xf32, #tpu.memory_space<vmem>>[vector<16xi32>], vector<16xf32>,
      }
      %scan3A_26 = arith.constant 5 : i32
    }
    %scan3A_12 = arith.constant 125 : i32
    "tpu.region"() ({
      %run_scoped3A = tpu.sem_alloc : memref<!tpu.dma_semaphore, #tpu.memory_space<semaphore_mem>>
      %dma_start3A = arith.constant 0 : i32
      %dma_start3A_13 = tpu.memref_slice %arg4[%arg0, %arg1, %dma_start3A] : memref<2x16x10240xf32, #tpu.memory_space<hbm>> -> memref<1x1x10240xf32, #tpu.memory_space<hbm>>
      %dma_start3A_14 = tpu.memref_squeeze %dma_start3A_13 : memref<1x1x10240xf32, #tpu.memory_space<hbm>> -> memref<10240xf32, #tpu.memory_space<hbm>>
      %dma_start3A_15 = arith.constant 0 : i32
      %dma_start3A_16 = tpu.memref_slice %arg4[%arg0, %arg1, %dma_start3A_15] : memref<2x16x10240xf32, #tpu.memory_space<hbm>> -> memref<1x1x10240xf32, #tpu.memory_space<hbm>>
      %dma_start3A_17 = tpu.memref_squeeze %dma_start3A_16 : memref<1x1x10240xf32, #tpu.memory_space<hbm>> -> memref<10240xf32, #tpu.memory_space<hbm>>
      tpu.enqueue_dma source(%arg8 : memref<10240xf32, #tpu.memory_space<vmem>>) target(%dma_start3A_17 : memref<10240xf32, #tpu.memory_space<hbm>>) target_semaphore(%run_scoped3A : memref<!tpu.dma_semaphore, #tpu.memory_space<semaphore_mem>>)
      %dma_wait3A = arith.constant 0 : i32
      %dma_wait3A_18 = tpu.memref_slice %arg4[%arg0, %arg1, %dma_wait3A] : memref<2x16x10240xf32, #tpu.memory_space<hbm>> -> memref<1x1x10240xf32, #tpu.memory_space<hbm>>
      %dma_wait3A_19 = tpu.memref_squeeze %dma_wait3A_18 : memref<1x1x10240xf32, #tpu.memory_space<hbm>> -> memref<10240xf32, #tpu.memory_space<hbm>>
      %dma_wait3A_20 = arith.constant 0 : i32
      %dma_wait3A_21 = tpu.memref_slice %arg4[%arg0, %arg1, %dma_wait3A_20] : memref<2x16x10240xf32, #tpu.memory_space<hbm>> -> memref<1x1x10240xf32, #tpu.memory_space<hbm>>
      %dma_wait3A_22 = tpu.memref_squeeze %dma_wait3A_21 : memref<1x1x10240xf32, #tpu.memory_space<hbm>> -> memref<10240xf32, #tpu.memory_space<hbm>>
      tpu.wait_dma2 semaphore(%run_scoped3A : memref<!tpu.dma_semaphore, #tpu.memory_space<semaphore_mem>>) src(%arg8 : memref<10240xf32, #tpu.memory_space<vmem>>) dst(%dma_wait3A_22 : memref<10240xf32, #tpu.memory_space<hbm>>)
      tpu.yield
    }) : () -> ()
    "tpu.region"() ({
      %run_scoped3A = tpu.sem_alloc : memref<!tpu.dma_semaphore, #tpu.memory_space<semaphore_mem>>
      %dma_start3A = arith.constant 0 : i32
      %dma_start3A_13 = tpu.memref_slice %arg5[%arg0, %arg1, %dma_start3A] : memref<2x16x10240xf32, #tpu.memory_space<hbm>> -> memref<1x1x10240xf32, #tpu.memory_space<hbm>>
      %dma_start3A_14 = tpu.memref_squeeze %dma_start3A_13 : memref<1x1x10240xf32, #tpu.memory_space<hbm>> -> memref<10240xf32, #tpu.memory_space<hbm>>
      %dma_start3A_15 = arith.constant 0 : i32
      %dma_start3A_16 = tpu.memref_slice %arg5[%arg0, %arg1, %dma_start3A_15] : memref<2x16x10240xf32, #tpu.memory_space<hbm>> -> memref<1x1x10240xf32, #tpu.memory_space<hbm>>
      %dma_start3A_17 = tpu.memref_squeeze %dma_start3A_16 : memref<1x1x10240xf32, #tpu.memory_space<hbm>> -> memref<10240xf32, #tpu.memory_space<hbm>>
      tpu.enqueue_dma source(%arg9 : memref<10240xf32, #tpu.memory_space<vmem>>) target(%dma_start3A_17 : memref<10240xf32, #tpu.memory_space<hbm>>) target_semaphore(%run_scoped3A : memref<!tpu.dma_semaphore, #tpu.memory_space<semaphore_mem>>)
      %dma_wait3A = arith.constant 0 : i32
      %dma_wait3A_18 = tpu.memref_slice %arg5[%arg0, %arg1, %dma_wait3A] : memref<2x16x10240xf32, #tpu.memory_space<hbm>> -> memref<1x1x10240xf32, #tpu.memory_space<hbm>>
      %dma_wait3A_19 = tpu.memref_squeeze %dma_wait3A_18 : memref<1x1x10240xf32, #tpu.memory_space<hbm>> -> memref<10240xf32, #tpu.memory_space<hbm>>
      %dma_wait3A_20 = arith.constant 0 : i32
      %dma_wait3A_21 = tpu.memref_slice %arg5[%arg0, %arg1, %dma_wait3A_20] : memref<2x16x10240xf32, #tpu.memory_space<hbm>> -> memref<1x1x10240xf32, #tpu.memory_space<hbm>>
      %dma_wait3A_22 = tpu.memref_squeeze %dma_wait3A_21 : memref<1x1x10240xf32, #tpu.memory_space<hbm>> -> memref<10240xf32, #tpu.memory_space<hbm>>
      tpu.wait_dma2 semaphore(%run_scoped3A : memref<!tpu.dma_semaphore, #tpu.memory_space<semaphore_mem>>) src(%arg9 : memref<10240xf32, #tpu.memory_space<vmem>>) dst(%dma_wait3A_22 : memref<10240xf32, #tpu.memory_space<hbm>>)
      tpu.yield
    }) : () -> ()
    return
  }
}

#map = affine_map<(d0, d1) -> (0, 0)>
#map1 = affine_map<(d0, d1) -> (0)>
#map2 = affine_map<(d0, d1) -> (0, 0, 0)>
module attributes {stable_mosaic.version = 14 : i64} {
  func.func @_sc_agg128(%arg0: i32, %arg1: i32, %arg2: memref<10000x128xf32, #tpu.memory_space<hbm>>, %arg3: memref<320000xi32, #tpu.memory_space<hbm>>, %arg4: memref<320000xi32, #tpu.memory_space<hbm>>, %arg5: memref<2x10240x128xf32, #tpu.memory_space<hbm>>, %arg6: memref<1x80xi32, #tpu.memory_space<vmem>>, %arg7: memref<1x80xi32, #tpu.memory_space<vmem>>, %arg8: memref<1x80xi32, #tpu.memory_space<vmem>>, %arg9: memref<1x80xi32, #tpu.memory_space<vmem>>, %arg10: memref<80x128xf32, #tpu.memory_space<vmem>>, %arg11: memref<80x128xf32, #tpu.memory_space<vmem>>, %arg12: memref<80x128xf32, #tpu.memory_space<vmem>>, %arg13: memref<8x80xi32, #tpu.memory_space<vmem>>, %arg14: memref<10240x128xf32, #tpu.memory_space<vmem_shared>>, %arg15: memref<!tpu.dma_semaphore, #tpu.memory_space<semaphore_mem>>, %arg16: memref<!tpu.dma_semaphore, #tpu.memory_space<semaphore_mem>>) attributes {dimension_semantics = [#tpu.dimension_semantics<core_parallel>, #tpu.dimension_semantics<subcore_parallel>], iteration_bounds = array<i64: 2, 16>, scalar_prefetch = 0 : i64, scratch_operands = 11 : i64, tpu.core_type = #tpu.core_type<sc_vector_subcore>, window_params = [{transform_indices = #map}, {transform_indices = #map1}, {transform_indices = #map1}, {transform_indices = #map2}]} {
    %mul3A = arith.constant 2 : i32
    %mul3A_0 = arith.muli %arg1, %mul3A : i32
    %add3A = arith.addi %mul3A_0, %arg0 : i32
    %mul3A_1 = arith.constant 640 : i32
    %mul3A_2 = arith.muli %arg1, %mul3A_1 : i32
    %scan3A = arith.constant 0 : i32
    %scan3A_3 = arith.constant 80 : i32
    %scan3A_4 = arith.addi %scan3A, %scan3A_3 : i32
    %scan3A_5 = arith.constant 1 : i32
    scf.for %scan3A_44 = %scan3A to %scan3A_4 step %scan3A_5  : i32 {
      %mul3A_45 = arith.constant 1 : i32
      %mul3A_46 = arith.muli %scan3A_44, %mul3A_45 : i32
      %add3A_47 = arith.constant 0 : i32
      %add3A_48 = arith.addi %add3A_47, %mul3A_46 : i32
      %scan3A_49 = arith.constant 0 : i32
      %scan3A_50 = arith.constant 8 : i32
      %scan3A_51 = arith.addi %scan3A_49, %scan3A_50 : i32
      %scan3A_52 = arith.constant 1 : i32
      scf.for %scan3A_54 = %scan3A_49 to %scan3A_51 step %scan3A_52  : i32 {
        %mul3A_55 = arith.constant 16 : i32
        %mul3A_56 = arith.muli %scan3A_54, %mul3A_55 : i32
        %add3A_57 = arith.constant 0 : i32
        %add3A_58 = arith.addi %add3A_57, %mul3A_56 : i32
        %broadcast_in_dim3A = arith.constant 0.000000e+00 : f32
        %broadcast_in_dim3A_59 = vector.broadcast %broadcast_in_dim3A : f32 to vector<16xf32>
        %swap3A = arith.index_cast %add3A_48 : i32 to index
        %swap3A_60 = arith.index_cast %add3A_58 : i32 to index
        %swap3A_61 = tpu.vector_load %arg12[%swap3A, %swap3A_60] {strides = array<i32>} : memref<80x128xf32, #tpu.memory_space<vmem>>, vector<1x16xf32>,
        %swap3A_62 = vector.shape_cast %swap3A_61 : vector<1x16xf32> to vector<16xf32>
        %swap3A_63 = vector.shape_cast %broadcast_in_dim3A_59 : vector<16xf32> to vector<1x16xf32>
        tpu.vector_store %arg12[%swap3A, %swap3A_60], %swap3A_63 {strides = array<i32>} : memref<80x128xf32, #tpu.memory_space<vmem>>, vector<1x16xf32>,
      }
      %scan3A_53 = arith.constant 8 : i32
    }
    %scan3A_6 = arith.constant 80 : i32
    %scan3A_7 = arith.constant 0 : i32
    %scan3A_8 = arith.constant 8 : i32
    %scan3A_9 = arith.addi %scan3A_7, %scan3A_8 : i32
    %scan3A_10 = arith.constant 1 : i32
    scf.for %scan3A_44 = %scan3A_7 to %scan3A_9 step %scan3A_10  : i32 {
      %mul3A_45 = arith.constant 1 : i32
      %mul3A_46 = arith.muli %scan3A_44, %mul3A_45 : i32
      %add3A_47 = arith.constant 0 : i32
      %add3A_48 = arith.addi %add3A_47, %mul3A_46 : i32
      %scan3A_49 = arith.constant 0 : i32
      %scan3A_50 = arith.constant 5 : i32
      %scan3A_51 = arith.addi %scan3A_49, %scan3A_50 : i32
      %scan3A_52 = arith.constant 1 : i32
      scf.for %scan3A_54 = %scan3A_49 to %scan3A_51 step %scan3A_52  : i32 {
        %mul3A_55 = arith.constant 16 : i32
        %mul3A_56 = arith.muli %scan3A_54, %mul3A_55 : i32
        %add3A_57 = arith.constant 0 : i32
        %add3A_58 = arith.addi %add3A_57, %mul3A_56 : i32
        %mul3A_59 = arith.constant 80 : i32
        %mul3A_60 = arith.muli %add3A_48, %mul3A_59 : i32
        %add3A_61 = arith.addi %mul3A_2, %mul3A_60 : i32
        %add3A_62 = arith.addi %add3A_61, %add3A_58 : i32
        %iota3A = tpu.iota {dimensions = array<i32: 0>} : vector<16xi32>
        %add3A_63 = vector.broadcast %add3A_62 : i32 to vector<16xi32>
        %add3A_64 = arith.addi %add3A_63, %iota3A : vector<16xi32>
        %swap3A = arith.index_cast %add3A_48 : i32 to index
        %swap3A_65 = arith.index_cast %add3A_58 : i32 to index
        %swap3A_66 = tpu.vector_load %arg13[%swap3A, %swap3A_65] {strides = array<i32>} : memref<8x80xi32, #tpu.memory_space<vmem>>, vector<1x16xi32>,
        %swap3A_67 = vector.shape_cast %swap3A_66 : vector<1x16xi32> to vector<16xi32>
        %swap3A_68 = vector.shape_cast %add3A_64 : vector<16xi32> to vector<1x16xi32>
        tpu.vector_store %arg13[%swap3A, %swap3A_65], %swap3A_68 {strides = array<i32>} : memref<8x80xi32, #tpu.memory_space<vmem>>, vector<1x16xi32>,
      }
      %scan3A_53 = arith.constant 5 : i32
    }
    %scan3A_11 = arith.constant 8 : i32
    %scan3A_12 = arith.constant 0 : i32
    %scan3A_13 = arith.constant 8 : i32
    %scan3A_14 = arith.addi %scan3A_12, %scan3A_13 : i32
    %scan3A_15 = arith.constant 1 : i32
    scf.for %scan3A_44 = %scan3A_12 to %scan3A_14 step %scan3A_15  : i32 {
      %mul3A_45 = arith.constant 1 : i32
      %mul3A_46 = arith.muli %scan3A_44, %mul3A_45 : i32
      %add3A_47 = arith.constant 0 : i32
      %add3A_48 = arith.addi %add3A_47, %mul3A_46 : i32
      "tpu.region"() ({
        %run_scoped3A_49 = tpu.sem_alloc : memref<!tpu.dma_semaphore, #tpu.memory_space<semaphore_mem>>
        %dma_start3A_50 = arith.constant 0 : i32
        %dma_start3A_51 = tpu.memref_slice %arg13[%add3A_48, %dma_start3A_50] : memref<8x80xi32, #tpu.memory_space<vmem>> -> memref<1x80xi32, #tpu.memory_space<vmem>>
        %dma_start3A_52 = tpu.memref_squeeze %dma_start3A_51 : memref<1x80xi32, #tpu.memory_space<vmem>> -> memref<80xi32, #tpu.memory_space<vmem>>
        %dma_start3A_53 = arith.constant 0 : i32
        %dma_start3A_54 = arith.constant 0 : i32
        %dma_start3A_55 = tpu.memref_slice %arg14[%dma_start3A_53, %dma_start3A_54] : memref<10240x128xf32, #tpu.memory_space<vmem_shared>> -> memref<10240x128xf32, #tpu.memory_space<vmem_shared>>
        tpu.enqueue_indirect_dma source(%arg12 : memref<80x128xf32, #tpu.memory_space<vmem>>) target(%dma_start3A_55 : memref<10240x128xf32, #tpu.memory_space<vmem_shared>>) offsets(%dma_start3A_52 : memref<80xi32, #tpu.memory_space<vmem>>) semaphore(%run_scoped3A_49 : memref<!tpu.dma_semaphore, #tpu.memory_space<semaphore_mem>>)
        %dma_wait3A_56 = arith.constant 0 : i32
        %dma_wait3A_57 = tpu.memref_slice %arg13[%add3A_48, %dma_wait3A_56] : memref<8x80xi32, #tpu.memory_space<vmem>> -> memref<1x80xi32, #tpu.memory_space<vmem>>
        %dma_wait3A_58 = tpu.memref_squeeze %dma_wait3A_57 : memref<1x80xi32, #tpu.memory_space<vmem>> -> memref<80xi32, #tpu.memory_space<vmem>>
        %dma_wait3A_59 = arith.constant 0 : i32
        %dma_wait3A_60 = arith.constant 0 : i32
        %dma_wait3A_61 = tpu.memref_slice %arg14[%dma_wait3A_59, %dma_wait3A_60] : memref<10240x128xf32, #tpu.memory_space<vmem_shared>> -> memref<10240x128xf32, #tpu.memory_space<vmem_shared>>
        tpu.wait_indirect_dma semaphore(%run_scoped3A_49 : memref<!tpu.dma_semaphore, #tpu.memory_space<semaphore_mem>>) src(%arg12 : memref<80x128xf32, #tpu.memory_space<vmem>>) dst(%dma_wait3A_61 : memref<10240x128xf32, #tpu.memory_space<vmem_shared>>)
        tpu.yield
      }) : () -> ()
    }
    %scan3A_16 = arith.constant 8 : i32
    %barrier3A = arith.constant 0 : index
    tpu.barrier barrier_id(%barrier3A)
    %mul3A_17 = arith.constant 10000 : i32
    %mul3A_18 = arith.muli %add3A, %mul3A_17 : i32
    %run_scoped3A = arith.constant 0 : i32
    "tpu.region"() ({
      %run_scoped3A_44 = tpu.sem_alloc : memref<!tpu.dma_semaphore, #tpu.memory_space<semaphore_mem>>
      %dma_start3A_45 = arith.constant 0 : i32
      %dma_start3A_46 = tpu.memref_slice %arg6[%run_scoped3A, %dma_start3A_45] : memref<1x80xi32, #tpu.memory_space<vmem>> -> memref<1x80xi32, #tpu.memory_space<vmem>>
      %dma_start3A_47 = tpu.memref_squeeze %dma_start3A_46 : memref<1x80xi32, #tpu.memory_space<vmem>> -> memref<80xi32, #tpu.memory_space<vmem>>
      %dma_start3A_48 = tpu.memref_slice %arg3[%mul3A_18] : memref<320000xi32, #tpu.memory_space<hbm>> -> memref<80xi32, #tpu.memory_space<hbm>>
      %dma_start3A_49 = arith.constant 0 : i32
      %dma_start3A_50 = tpu.memref_slice %arg6[%run_scoped3A, %dma_start3A_49] : memref<1x80xi32, #tpu.memory_space<vmem>> -> memref<1x80xi32, #tpu.memory_space<vmem>>
      %dma_start3A_51 = tpu.memref_squeeze %dma_start3A_50 : memref<1x80xi32, #tpu.memory_space<vmem>> -> memref<80xi32, #tpu.memory_space<vmem>>
      %dma_start3A_52 = tpu.memref_slice %arg3[%mul3A_18] : memref<320000xi32, #tpu.memory_space<hbm>> -> memref<80xi32, #tpu.memory_space<hbm>>
      tpu.enqueue_dma source(%dma_start3A_52 : memref<80xi32, #tpu.memory_space<hbm>>) target(%dma_start3A_51 : memref<80xi32, #tpu.memory_space<vmem>>) target_semaphore(%run_scoped3A_44 : memref<!tpu.dma_semaphore, #tpu.memory_space<semaphore_mem>>)
      %dma_wait3A_53 = arith.constant 0 : i32
      %dma_wait3A_54 = tpu.memref_slice %arg6[%run_scoped3A, %dma_wait3A_53] : memref<1x80xi32, #tpu.memory_space<vmem>> -> memref<1x80xi32, #tpu.memory_space<vmem>>
      %dma_wait3A_55 = tpu.memref_squeeze %dma_wait3A_54 : memref<1x80xi32, #tpu.memory_space<vmem>> -> memref<80xi32, #tpu.memory_space<vmem>>
      %dma_wait3A_56 = tpu.memref_slice %arg3[%mul3A_18] : memref<320000xi32, #tpu.memory_space<hbm>> -> memref<80xi32, #tpu.memory_space<hbm>>
      %dma_wait3A_57 = arith.constant 0 : i32
      %dma_wait3A_58 = tpu.memref_slice %arg6[%run_scoped3A, %dma_wait3A_57] : memref<1x80xi32, #tpu.memory_space<vmem>> -> memref<1x80xi32, #tpu.memory_space<vmem>>
      %dma_wait3A_59 = tpu.memref_squeeze %dma_wait3A_58 : memref<1x80xi32, #tpu.memory_space<vmem>> -> memref<80xi32, #tpu.memory_space<vmem>>
      %dma_wait3A_60 = tpu.memref_slice %arg3[%mul3A_18] : memref<320000xi32, #tpu.memory_space<hbm>> -> memref<80xi32, #tpu.memory_space<hbm>>
      tpu.wait_dma2 semaphore(%run_scoped3A_44 : memref<!tpu.dma_semaphore, #tpu.memory_space<semaphore_mem>>) src(%dma_wait3A_60 : memref<80xi32, #tpu.memory_space<hbm>>) dst(%dma_wait3A_59 : memref<80xi32, #tpu.memory_space<vmem>>)
      tpu.yield
    }) : () -> ()
    %run_scoped3A_19 = arith.constant 0 : i32
    "tpu.region"() ({
      %run_scoped3A_44 = tpu.sem_alloc : memref<!tpu.dma_semaphore, #tpu.memory_space<semaphore_mem>>
      %dma_start3A_45 = arith.constant 0 : i32
      %dma_start3A_46 = tpu.memref_slice %arg7[%run_scoped3A_19, %dma_start3A_45] : memref<1x80xi32, #tpu.memory_space<vmem>> -> memref<1x80xi32, #tpu.memory_space<vmem>>
      %dma_start3A_47 = tpu.memref_squeeze %dma_start3A_46 : memref<1x80xi32, #tpu.memory_space<vmem>> -> memref<80xi32, #tpu.memory_space<vmem>>
      %dma_start3A_48 = tpu.memref_slice %arg4[%mul3A_18] : memref<320000xi32, #tpu.memory_space<hbm>> -> memref<80xi32, #tpu.memory_space<hbm>>
      %dma_start3A_49 = arith.constant 0 : i32
      %dma_start3A_50 = tpu.memref_slice %arg7[%run_scoped3A_19, %dma_start3A_49] : memref<1x80xi32, #tpu.memory_space<vmem>> -> memref<1x80xi32, #tpu.memory_space<vmem>>
      %dma_start3A_51 = tpu.memref_squeeze %dma_start3A_50 : memref<1x80xi32, #tpu.memory_space<vmem>> -> memref<80xi32, #tpu.memory_space<vmem>>
      %dma_start3A_52 = tpu.memref_slice %arg4[%mul3A_18] : memref<320000xi32, #tpu.memory_space<hbm>> -> memref<80xi32, #tpu.memory_space<hbm>>
      tpu.enqueue_dma source(%dma_start3A_52 : memref<80xi32, #tpu.memory_space<hbm>>) target(%dma_start3A_51 : memref<80xi32, #tpu.memory_space<vmem>>) target_semaphore(%run_scoped3A_44 : memref<!tpu.dma_semaphore, #tpu.memory_space<semaphore_mem>>)
      %dma_wait3A_53 = arith.constant 0 : i32
      %dma_wait3A_54 = tpu.memref_slice %arg7[%run_scoped3A_19, %dma_wait3A_53] : memref<1x80xi32, #tpu.memory_space<vmem>> -> memref<1x80xi32, #tpu.memory_space<vmem>>
      %dma_wait3A_55 = tpu.memref_squeeze %dma_wait3A_54 : memref<1x80xi32, #tpu.memory_space<vmem>> -> memref<80xi32, #tpu.memory_space<vmem>>
      %dma_wait3A_56 = tpu.memref_slice %arg4[%mul3A_18] : memref<320000xi32, #tpu.memory_space<hbm>> -> memref<80xi32, #tpu.memory_space<hbm>>
      %dma_wait3A_57 = arith.constant 0 : i32
      %dma_wait3A_58 = tpu.memref_slice %arg7[%run_scoped3A_19, %dma_wait3A_57] : memref<1x80xi32, #tpu.memory_space<vmem>> -> memref<1x80xi32, #tpu.memory_space<vmem>>
      %dma_wait3A_59 = tpu.memref_squeeze %dma_wait3A_58 : memref<1x80xi32, #tpu.memory_space<vmem>> -> memref<80xi32, #tpu.memory_space<vmem>>
      %dma_wait3A_60 = tpu.memref_slice %arg4[%mul3A_18] : memref<320000xi32, #tpu.memory_space<hbm>> -> memref<80xi32, #tpu.memory_space<hbm>>
      tpu.wait_dma2 semaphore(%run_scoped3A_44 : memref<!tpu.dma_semaphore, #tpu.memory_space<semaphore_mem>>) src(%dma_wait3A_60 : memref<80xi32, #tpu.memory_space<hbm>>) dst(%dma_wait3A_59 : memref<80xi32, #tpu.memory_space<vmem>>)
      tpu.yield
    }) : () -> ()
    %dma_start3A = arith.constant 0 : i32
    %dma_start3A_20 = arith.constant 0 : i32
    %dma_start3A_21 = tpu.memref_slice %arg6[%dma_start3A, %dma_start3A_20] : memref<1x80xi32, #tpu.memory_space<vmem>> -> memref<1x80xi32, #tpu.memory_space<vmem>>
    %dma_start3A_22 = tpu.memref_squeeze %dma_start3A_21 : memref<1x80xi32, #tpu.memory_space<vmem>> -> memref<80xi32, #tpu.memory_space<vmem>>
    %dma_start3A_23 = arith.constant 0 : i32
    %dma_start3A_24 = arith.constant 0 : i32
    %dma_start3A_25 = tpu.memref_slice %arg2[%dma_start3A_23, %dma_start3A_24] : memref<10000x128xf32, #tpu.memory_space<hbm>> -> memref<10000x128xf32, #tpu.memory_space<hbm>>
    tpu.enqueue_indirect_dma source(%dma_start3A_25 : memref<10000x128xf32, #tpu.memory_space<hbm>>) target(%arg10 : memref<80x128xf32, #tpu.memory_space<vmem>>) offsets(%dma_start3A_22 : memref<80xi32, #tpu.memory_space<vmem>>) semaphore(%arg15 : memref<!tpu.dma_semaphore, #tpu.memory_space<semaphore_mem>>)
    %scan3A_26 = arith.constant 0 : i32
    %scan3A_27 = arith.constant 62 : i32
    %scan3A_28 = arith.addi %scan3A_26, %scan3A_27 : i32
    %scan3A_29 = arith.constant 1 : i32
    scf.for %scan3A_44 = %scan3A_26 to %scan3A_28 step %scan3A_29  : i32 {
      %mul3A_45 = arith.constant 2 : i32
      %mul3A_46 = arith.muli %scan3A_44, %mul3A_45 : i32
      %add3A_47 = arith.constant 0 : i32
      %add3A_48 = arith.addi %add3A_47, %mul3A_46 : i32
      %add3A_49 = arith.constant 1 : i32
      %add3A_50 = arith.addi %add3A_48, %add3A_49 : i32
      %mul3A_51 = arith.constant 80 : i32
      %mul3A_52 = arith.muli %add3A_50, %mul3A_51 : i32
      %add3A_53 = arith.addi %mul3A_18, %mul3A_52 : i32
      %run_scoped3A_54 = arith.constant 0 : i32
      "tpu.region"() ({
        %run_scoped3A_93 = tpu.sem_alloc : memref<!tpu.dma_semaphore, #tpu.memory_space<semaphore_mem>>
        %dma_start3A_94 = arith.constant 0 : i32
        %dma_start3A_95 = tpu.memref_slice %arg8[%run_scoped3A_54, %dma_start3A_94] : memref<1x80xi32, #tpu.memory_space<vmem>> -> memref<1x80xi32, #tpu.memory_space<vmem>>
        %dma_start3A_96 = tpu.memref_squeeze %dma_start3A_95 : memref<1x80xi32, #tpu.memory_space<vmem>> -> memref<80xi32, #tpu.memory_space<vmem>>
        %dma_start3A_97 = tpu.memref_slice %arg3[%add3A_53] : memref<320000xi32, #tpu.memory_space<hbm>> -> memref<80xi32, #tpu.memory_space<hbm>>
        %dma_start3A_98 = arith.constant 0 : i32
        %dma_start3A_99 = tpu.memref_slice %arg8[%run_scoped3A_54, %dma_start3A_98] : memref<1x80xi32, #tpu.memory_space<vmem>> -> memref<1x80xi32, #tpu.memory_space<vmem>>
        %dma_start3A_100 = tpu.memref_squeeze %dma_start3A_99 : memref<1x80xi32, #tpu.memory_space<vmem>> -> memref<80xi32, #tpu.memory_space<vmem>>
        %dma_start3A_101 = tpu.memref_slice %arg3[%add3A_53] : memref<320000xi32, #tpu.memory_space<hbm>> -> memref<80xi32, #tpu.memory_space<hbm>>
        tpu.enqueue_dma source(%dma_start3A_101 : memref<80xi32, #tpu.memory_space<hbm>>) target(%dma_start3A_100 : memref<80xi32, #tpu.memory_space<vmem>>) target_semaphore(%run_scoped3A_93 : memref<!tpu.dma_semaphore, #tpu.memory_space<semaphore_mem>>)
        %dma_wait3A_102 = arith.constant 0 : i32
        %dma_wait3A_103 = tpu.memref_slice %arg8[%run_scoped3A_54, %dma_wait3A_102] : memref<1x80xi32, #tpu.memory_space<vmem>> -> memref<1x80xi32, #tpu.memory_space<vmem>>
        %dma_wait3A_104 = tpu.memref_squeeze %dma_wait3A_103 : memref<1x80xi32, #tpu.memory_space<vmem>> -> memref<80xi32, #tpu.memory_space<vmem>>
        %dma_wait3A_105 = tpu.memref_slice %arg3[%add3A_53] : memref<320000xi32, #tpu.memory_space<hbm>> -> memref<80xi32, #tpu.memory_space<hbm>>
        %dma_wait3A_106 = arith.constant 0 : i32
        %dma_wait3A_107 = tpu.memref_slice %arg8[%run_scoped3A_54, %dma_wait3A_106] : memref<1x80xi32, #tpu.memory_space<vmem>> -> memref<1x80xi32, #tpu.memory_space<vmem>>
        %dma_wait3A_108 = tpu.memref_squeeze %dma_wait3A_107 : memref<1x80xi32, #tpu.memory_space<vmem>> -> memref<80xi32, #tpu.memory_space<vmem>>
        %dma_wait3A_109 = tpu.memref_slice %arg3[%add3A_53] : memref<320000xi32, #tpu.memory_space<hbm>> -> memref<80xi32, #tpu.memory_space<hbm>>
        tpu.wait_dma2 semaphore(%run_scoped3A_93 : memref<!tpu.dma_semaphore, #tpu.memory_space<semaphore_mem>>) src(%dma_wait3A_109 : memref<80xi32, #tpu.memory_space<hbm>>) dst(%dma_wait3A_108 : memref<80xi32, #tpu.memory_space<vmem>>)
        tpu.yield
      }) : () -> ()
      %run_scoped3A_55 = arith.constant 0 : i32
      "tpu.region"() ({
        %run_scoped3A_93 = tpu.sem_alloc : memref<!tpu.dma_semaphore, #tpu.memory_space<semaphore_mem>>
        %dma_start3A_94 = arith.constant 0 : i32
        %dma_start3A_95 = tpu.memref_slice %arg9[%run_scoped3A_55, %dma_start3A_94] : memref<1x80xi32, #tpu.memory_space<vmem>> -> memref<1x80xi32, #tpu.memory_space<vmem>>
        %dma_start3A_96 = tpu.memref_squeeze %dma_start3A_95 : memref<1x80xi32, #tpu.memory_space<vmem>> -> memref<80xi32, #tpu.memory_space<vmem>>
        %dma_start3A_97 = tpu.memref_slice %arg4[%add3A_53] : memref<320000xi32, #tpu.memory_space<hbm>> -> memref<80xi32, #tpu.memory_space<hbm>>
        %dma_start3A_98 = arith.constant 0 : i32
        %dma_start3A_99 = tpu.memref_slice %arg9[%run_scoped3A_55, %dma_start3A_98] : memref<1x80xi32, #tpu.memory_space<vmem>> -> memref<1x80xi32, #tpu.memory_space<vmem>>
        %dma_start3A_100 = tpu.memref_squeeze %dma_start3A_99 : memref<1x80xi32, #tpu.memory_space<vmem>> -> memref<80xi32, #tpu.memory_space<vmem>>
        %dma_start3A_101 = tpu.memref_slice %arg4[%add3A_53] : memref<320000xi32, #tpu.memory_space<hbm>> -> memref<80xi32, #tpu.memory_space<hbm>>
        tpu.enqueue_dma source(%dma_start3A_101 : memref<80xi32, #tpu.memory_space<hbm>>) target(%dma_start3A_100 : memref<80xi32, #tpu.memory_space<vmem>>) target_semaphore(%run_scoped3A_93 : memref<!tpu.dma_semaphore, #tpu.memory_space<semaphore_mem>>)
        %dma_wait3A_102 = arith.constant 0 : i32
        %dma_wait3A_103 = tpu.memref_slice %arg9[%run_scoped3A_55, %dma_wait3A_102] : memref<1x80xi32, #tpu.memory_space<vmem>> -> memref<1x80xi32, #tpu.memory_space<vmem>>
        %dma_wait3A_104 = tpu.memref_squeeze %dma_wait3A_103 : memref<1x80xi32, #tpu.memory_space<vmem>> -> memref<80xi32, #tpu.memory_space<vmem>>
        %dma_wait3A_105 = tpu.memref_slice %arg4[%add3A_53] : memref<320000xi32, #tpu.memory_space<hbm>> -> memref<80xi32, #tpu.memory_space<hbm>>
        %dma_wait3A_106 = arith.constant 0 : i32
        %dma_wait3A_107 = tpu.memref_slice %arg9[%run_scoped3A_55, %dma_wait3A_106] : memref<1x80xi32, #tpu.memory_space<vmem>> -> memref<1x80xi32, #tpu.memory_space<vmem>>
        %dma_wait3A_108 = tpu.memref_squeeze %dma_wait3A_107 : memref<1x80xi32, #tpu.memory_space<vmem>> -> memref<80xi32, #tpu.memory_space<vmem>>
        %dma_wait3A_109 = tpu.memref_slice %arg4[%add3A_53] : memref<320000xi32, #tpu.memory_space<hbm>> -> memref<80xi32, #tpu.memory_space<hbm>>
        tpu.wait_dma2 semaphore(%run_scoped3A_93 : memref<!tpu.dma_semaphore, #tpu.memory_space<semaphore_mem>>) src(%dma_wait3A_109 : memref<80xi32, #tpu.memory_space<hbm>>) dst(%dma_wait3A_108 : memref<80xi32, #tpu.memory_space<vmem>>)
        tpu.yield
      }) : () -> ()
      %dma_start3A_56 = arith.constant 0 : i32
      %dma_start3A_57 = arith.constant 0 : i32
      %dma_start3A_58 = tpu.memref_slice %arg8[%dma_start3A_56, %dma_start3A_57] : memref<1x80xi32, #tpu.memory_space<vmem>> -> memref<1x80xi32, #tpu.memory_space<vmem>>
      %dma_start3A_59 = tpu.memref_squeeze %dma_start3A_58 : memref<1x80xi32, #tpu.memory_space<vmem>> -> memref<80xi32, #tpu.memory_space<vmem>>
      %dma_start3A_60 = arith.constant 0 : i32
      %dma_start3A_61 = arith.constant 0 : i32
      %dma_start3A_62 = tpu.memref_slice %arg2[%dma_start3A_60, %dma_start3A_61] : memref<10000x128xf32, #tpu.memory_space<hbm>> -> memref<10000x128xf32, #tpu.memory_space<hbm>>
      tpu.enqueue_indirect_dma source(%dma_start3A_62 : memref<10000x128xf32, #tpu.memory_space<hbm>>) target(%arg11 : memref<80x128xf32, #tpu.memory_space<vmem>>) offsets(%dma_start3A_59 : memref<80xi32, #tpu.memory_space<vmem>>) semaphore(%arg16 : memref<!tpu.dma_semaphore, #tpu.memory_space<semaphore_mem>>)
      %dma_wait3A_63 = arith.constant 0 : i32
      %dma_wait3A_64 = arith.constant 0 : i32
      %dma_wait3A_65 = tpu.memref_slice %arg6[%dma_wait3A_63, %dma_wait3A_64] : memref<1x80xi32, #tpu.memory_space<vmem>> -> memref<1x80xi32, #tpu.memory_space<vmem>>
      %dma_wait3A_66 = tpu.memref_squeeze %dma_wait3A_65 : memref<1x80xi32, #tpu.memory_space<vmem>> -> memref<80xi32, #tpu.memory_space<vmem>>
      %dma_wait3A_67 = arith.constant 0 : i32
      %dma_wait3A_68 = arith.constant 0 : i32
      %dma_wait3A_69 = tpu.memref_slice %arg2[%dma_wait3A_67, %dma_wait3A_68] : memref<10000x128xf32, #tpu.memory_space<hbm>> -> memref<10000x128xf32, #tpu.memory_space<hbm>>
      tpu.wait_indirect_dma semaphore(%arg15 : memref<!tpu.dma_semaphore, #tpu.memory_space<semaphore_mem>>) src(%dma_wait3A_69 : memref<10000x128xf32, #tpu.memory_space<hbm>>) dst(%arg10 : memref<80x128xf32, #tpu.memory_space<vmem>>)
      %run_scoped3A_70 = arith.constant 0 : i32
      "tpu.region"() ({
        %run_scoped3A_93 = tpu.sem_alloc : memref<!tpu.dma_semaphore, #tpu.memory_space<semaphore_mem>>
        %dma_start3A_94 = arith.constant 0 : i32
        %dma_start3A_95 = tpu.memref_slice %arg7[%run_scoped3A_70, %dma_start3A_94] : memref<1x80xi32, #tpu.memory_space<vmem>> -> memref<1x80xi32, #tpu.memory_space<vmem>>
        %dma_start3A_96 = tpu.memref_squeeze %dma_start3A_95 : memref<1x80xi32, #tpu.memory_space<vmem>> -> memref<80xi32, #tpu.memory_space<vmem>>
        %dma_start3A_97 = arith.constant 0 : i32
        %dma_start3A_98 = arith.constant 0 : i32
        %dma_start3A_99 = tpu.memref_slice %arg14[%dma_start3A_97, %dma_start3A_98] : memref<10240x128xf32, #tpu.memory_space<vmem_shared>> -> memref<10240x128xf32, #tpu.memory_space<vmem_shared>>
        tpu.enqueue_indirect_dma source(%arg10 : memref<80x128xf32, #tpu.memory_space<vmem>>) target(%dma_start3A_99 : memref<10240x128xf32, #tpu.memory_space<vmem_shared>>) offsets(%dma_start3A_96 : memref<80xi32, #tpu.memory_space<vmem>>) semaphore(%run_scoped3A_93 : memref<!tpu.dma_semaphore, #tpu.memory_space<semaphore_mem>>) {add = true}
        %dma_wait3A_100 = arith.constant 0 : i32
        %dma_wait3A_101 = tpu.memref_slice %arg7[%run_scoped3A_70, %dma_wait3A_100] : memref<1x80xi32, #tpu.memory_space<vmem>> -> memref<1x80xi32, #tpu.memory_space<vmem>>
        %dma_wait3A_102 = tpu.memref_squeeze %dma_wait3A_101 : memref<1x80xi32, #tpu.memory_space<vmem>> -> memref<80xi32, #tpu.memory_space<vmem>>
        %dma_wait3A_103 = arith.constant 0 : i32
        %dma_wait3A_104 = arith.constant 0 : i32
        %dma_wait3A_105 = tpu.memref_slice %arg14[%dma_wait3A_103, %dma_wait3A_104] : memref<10240x128xf32, #tpu.memory_space<vmem_shared>> -> memref<10240x128xf32, #tpu.memory_space<vmem_shared>>
        tpu.wait_indirect_dma semaphore(%run_scoped3A_93 : memref<!tpu.dma_semaphore, #tpu.memory_space<semaphore_mem>>) src(%arg10 : memref<80x128xf32, #tpu.memory_space<vmem>>) dst(%dma_wait3A_105 : memref<10240x128xf32, #tpu.memory_space<vmem_shared>>)
        tpu.yield
      }) : () -> ()
      %add3A_71 = arith.constant 2 : i32
      %add3A_72 = arith.addi %add3A_48, %add3A_71 : i32
      %mul3A_73 = arith.constant 80 : i32
      %mul3A_74 = arith.muli %add3A_72, %mul3A_73 : i32
      %add3A_75 = arith.addi %mul3A_18, %mul3A_74 : i32
      %run_scoped3A_76 = arith.constant 0 : i32
      "tpu.region"() ({
        %run_scoped3A_93 = tpu.sem_alloc : memref<!tpu.dma_semaphore, #tpu.memory_space<semaphore_mem>>
        %dma_start3A_94 = arith.constant 0 : i32
        %dma_start3A_95 = tpu.memref_slice %arg6[%run_scoped3A_76, %dma_start3A_94] : memref<1x80xi32, #tpu.memory_space<vmem>> -> memref<1x80xi32, #tpu.memory_space<vmem>>
        %dma_start3A_96 = tpu.memref_squeeze %dma_start3A_95 : memref<1x80xi32, #tpu.memory_space<vmem>> -> memref<80xi32, #tpu.memory_space<vmem>>
        %dma_start3A_97 = tpu.memref_slice %arg3[%add3A_75] : memref<320000xi32, #tpu.memory_space<hbm>> -> memref<80xi32, #tpu.memory_space<hbm>>
        %dma_start3A_98 = arith.constant 0 : i32
        %dma_start3A_99 = tpu.memref_slice %arg6[%run_scoped3A_76, %dma_start3A_98] : memref<1x80xi32, #tpu.memory_space<vmem>> -> memref<1x80xi32, #tpu.memory_space<vmem>>
        %dma_start3A_100 = tpu.memref_squeeze %dma_start3A_99 : memref<1x80xi32, #tpu.memory_space<vmem>> -> memref<80xi32, #tpu.memory_space<vmem>>
        %dma_start3A_101 = tpu.memref_slice %arg3[%add3A_75] : memref<320000xi32, #tpu.memory_space<hbm>> -> memref<80xi32, #tpu.memory_space<hbm>>
        tpu.enqueue_dma source(%dma_start3A_101 : memref<80xi32, #tpu.memory_space<hbm>>) target(%dma_start3A_100 : memref<80xi32, #tpu.memory_space<vmem>>) target_semaphore(%run_scoped3A_93 : memref<!tpu.dma_semaphore, #tpu.memory_space<semaphore_mem>>)
        %dma_wait3A_102 = arith.constant 0 : i32
        %dma_wait3A_103 = tpu.memref_slice %arg6[%run_scoped3A_76, %dma_wait3A_102] : memref<1x80xi32, #tpu.memory_space<vmem>> -> memref<1x80xi32, #tpu.memory_space<vmem>>
        %dma_wait3A_104 = tpu.memref_squeeze %dma_wait3A_103 : memref<1x80xi32, #tpu.memory_space<vmem>> -> memref<80xi32, #tpu.memory_space<vmem>>
        %dma_wait3A_105 = tpu.memref_slice %arg3[%add3A_75] : memref<320000xi32, #tpu.memory_space<hbm>> -> memref<80xi32, #tpu.memory_space<hbm>>
        %dma_wait3A_106 = arith.constant 0 : i32
        %dma_wait3A_107 = tpu.memref_slice %arg6[%run_scoped3A_76, %dma_wait3A_106] : memref<1x80xi32, #tpu.memory_space<vmem>> -> memref<1x80xi32, #tpu.memory_space<vmem>>
        %dma_wait3A_108 = tpu.memref_squeeze %dma_wait3A_107 : memref<1x80xi32, #tpu.memory_space<vmem>> -> memref<80xi32, #tpu.memory_space<vmem>>
        %dma_wait3A_109 = tpu.memref_slice %arg3[%add3A_75] : memref<320000xi32, #tpu.memory_space<hbm>> -> memref<80xi32, #tpu.memory_space<hbm>>
        tpu.wait_dma2 semaphore(%run_scoped3A_93 : memref<!tpu.dma_semaphore, #tpu.memory_space<semaphore_mem>>) src(%dma_wait3A_109 : memref<80xi32, #tpu.memory_space<hbm>>) dst(%dma_wait3A_108 : memref<80xi32, #tpu.memory_space<vmem>>)
        tpu.yield
      }) : () -> ()
      %run_scoped3A_77 = arith.constant 0 : i32
      "tpu.region"() ({
        %run_scoped3A_93 = tpu.sem_alloc : memref<!tpu.dma_semaphore, #tpu.memory_space<semaphore_mem>>
        %dma_start3A_94 = arith.constant 0 : i32
        %dma_start3A_95 = tpu.memref_slice %arg7[%run_scoped3A_77, %dma_start3A_94] : memref<1x80xi32, #tpu.memory_space<vmem>> -> memref<1x80xi32, #tpu.memory_space<vmem>>
        %dma_start3A_96 = tpu.memref_squeeze %dma_start3A_95 : memref<1x80xi32, #tpu.memory_space<vmem>> -> memref<80xi32, #tpu.memory_space<vmem>>
        %dma_start3A_97 = tpu.memref_slice %arg4[%add3A_75] : memref<320000xi32, #tpu.memory_space<hbm>> -> memref<80xi32, #tpu.memory_space<hbm>>
        %dma_start3A_98 = arith.constant 0 : i32
        %dma_start3A_99 = tpu.memref_slice %arg7[%run_scoped3A_77, %dma_start3A_98] : memref<1x80xi32, #tpu.memory_space<vmem>> -> memref<1x80xi32, #tpu.memory_space<vmem>>
        %dma_start3A_100 = tpu.memref_squeeze %dma_start3A_99 : memref<1x80xi32, #tpu.memory_space<vmem>> -> memref<80xi32, #tpu.memory_space<vmem>>
        %dma_start3A_101 = tpu.memref_slice %arg4[%add3A_75] : memref<320000xi32, #tpu.memory_space<hbm>> -> memref<80xi32, #tpu.memory_space<hbm>>
        tpu.enqueue_dma source(%dma_start3A_101 : memref<80xi32, #tpu.memory_space<hbm>>) target(%dma_start3A_100 : memref<80xi32, #tpu.memory_space<vmem>>) target_semaphore(%run_scoped3A_93 : memref<!tpu.dma_semaphore, #tpu.memory_space<semaphore_mem>>)
        %dma_wait3A_102 = arith.constant 0 : i32
        %dma_wait3A_103 = tpu.memref_slice %arg7[%run_scoped3A_77, %dma_wait3A_102] : memref<1x80xi32, #tpu.memory_space<vmem>> -> memref<1x80xi32, #tpu.memory_space<vmem>>
        %dma_wait3A_104 = tpu.memref_squeeze %dma_wait3A_103 : memref<1x80xi32, #tpu.memory_space<vmem>> -> memref<80xi32, #tpu.memory_space<vmem>>
        %dma_wait3A_105 = tpu.memref_slice %arg4[%add3A_75] : memref<320000xi32, #tpu.memory_space<hbm>> -> memref<80xi32, #tpu.memory_space<hbm>>
        %dma_wait3A_106 = arith.constant 0 : i32
        %dma_wait3A_107 = tpu.memref_slice %arg7[%run_scoped3A_77, %dma_wait3A_106] : memref<1x80xi32, #tpu.memory_space<vmem>> -> memref<1x80xi32, #tpu.memory_space<vmem>>
        %dma_wait3A_108 = tpu.memref_squeeze %dma_wait3A_107 : memref<1x80xi32, #tpu.memory_space<vmem>> -> memref<80xi32, #tpu.memory_space<vmem>>
        %dma_wait3A_109 = tpu.memref_slice %arg4[%add3A_75] : memref<320000xi32, #tpu.memory_space<hbm>> -> memref<80xi32, #tpu.memory_space<hbm>>
        tpu.wait_dma2 semaphore(%run_scoped3A_93 : memref<!tpu.dma_semaphore, #tpu.memory_space<semaphore_mem>>) src(%dma_wait3A_109 : memref<80xi32, #tpu.memory_space<hbm>>) dst(%dma_wait3A_108 : memref<80xi32, #tpu.memory_space<vmem>>)
        tpu.yield
      }) : () -> ()
      %dma_start3A_78 = arith.constant 0 : i32
      %dma_start3A_79 = arith.constant 0 : i32
      %dma_start3A_80 = tpu.memref_slice %arg6[%dma_start3A_78, %dma_start3A_79] : memref<1x80xi32, #tpu.memory_space<vmem>> -> memref<1x80xi32, #tpu.memory_space<vmem>>
      %dma_start3A_81 = tpu.memref_squeeze %dma_start3A_80 : memref<1x80xi32, #tpu.memory_space<vmem>> -> memref<80xi32, #tpu.memory_space<vmem>>
      %dma_start3A_82 = arith.constant 0 : i32
      %dma_start3A_83 = arith.constant 0 : i32
      %dma_start3A_84 = tpu.memref_slice %arg2[%dma_start3A_82, %dma_start3A_83] : memref<10000x128xf32, #tpu.memory_space<hbm>> -> memref<10000x128xf32, #tpu.memory_space<hbm>>
      tpu.enqueue_indirect_dma source(%dma_start3A_84 : memref<10000x128xf32, #tpu.memory_space<hbm>>) target(%arg10 : memref<80x128xf32, #tpu.memory_space<vmem>>) offsets(%dma_start3A_81 : memref<80xi32, #tpu.memory_space<vmem>>) semaphore(%arg15 : memref<!tpu.dma_semaphore, #tpu.memory_space<semaphore_mem>>)
      %dma_wait3A_85 = arith.constant 0 : i32
      %dma_wait3A_86 = arith.constant 0 : i32
      %dma_wait3A_87 = tpu.memref_slice %arg8[%dma_wait3A_85, %dma_wait3A_86] : memref<1x80xi32, #tpu.memory_space<vmem>> -> memref<1x80xi32, #tpu.memory_space<vmem>>
      %dma_wait3A_88 = tpu.memref_squeeze %dma_wait3A_87 : memref<1x80xi32, #tpu.memory_space<vmem>> -> memref<80xi32, #tpu.memory_space<vmem>>
      %dma_wait3A_89 = arith.constant 0 : i32
      %dma_wait3A_90 = arith.constant 0 : i32
      %dma_wait3A_91 = tpu.memref_slice %arg2[%dma_wait3A_89, %dma_wait3A_90] : memref<10000x128xf32, #tpu.memory_space<hbm>> -> memref<10000x128xf32, #tpu.memory_space<hbm>>
      tpu.wait_indirect_dma semaphore(%arg16 : memref<!tpu.dma_semaphore, #tpu.memory_space<semaphore_mem>>) src(%dma_wait3A_91 : memref<10000x128xf32, #tpu.memory_space<hbm>>) dst(%arg11 : memref<80x128xf32, #tpu.memory_space<vmem>>)
      %run_scoped3A_92 = arith.constant 0 : i32
      "tpu.region"() ({
        %run_scoped3A_93 = tpu.sem_alloc : memref<!tpu.dma_semaphore, #tpu.memory_space<semaphore_mem>>
        %dma_start3A_94 = arith.constant 0 : i32
        %dma_start3A_95 = tpu.memref_slice %arg9[%run_scoped3A_92, %dma_start3A_94] : memref<1x80xi32, #tpu.memory_space<vmem>> -> memref<1x80xi32, #tpu.memory_space<vmem>>
        %dma_start3A_96 = tpu.memref_squeeze %dma_start3A_95 : memref<1x80xi32, #tpu.memory_space<vmem>> -> memref<80xi32, #tpu.memory_space<vmem>>
        %dma_start3A_97 = arith.constant 0 : i32
        %dma_start3A_98 = arith.constant 0 : i32
        %dma_start3A_99 = tpu.memref_slice %arg14[%dma_start3A_97, %dma_start3A_98] : memref<10240x128xf32, #tpu.memory_space<vmem_shared>> -> memref<10240x128xf32, #tpu.memory_space<vmem_shared>>
        tpu.enqueue_indirect_dma source(%arg11 : memref<80x128xf32, #tpu.memory_space<vmem>>) target(%dma_start3A_99 : memref<10240x128xf32, #tpu.memory_space<vmem_shared>>) offsets(%dma_start3A_96 : memref<80xi32, #tpu.memory_space<vmem>>) semaphore(%run_scoped3A_93 : memref<!tpu.dma_semaphore, #tpu.memory_space<semaphore_mem>>) {add = true}
        %dma_wait3A_100 = arith.constant 0 : i32
        %dma_wait3A_101 = tpu.memref_slice %arg9[%run_scoped3A_92, %dma_wait3A_100] : memref<1x80xi32, #tpu.memory_space<vmem>> -> memref<1x80xi32, #tpu.memory_space<vmem>>
        %dma_wait3A_102 = tpu.memref_squeeze %dma_wait3A_101 : memref<1x80xi32, #tpu.memory_space<vmem>> -> memref<80xi32, #tpu.memory_space<vmem>>
        %dma_wait3A_103 = arith.constant 0 : i32
        %dma_wait3A_104 = arith.constant 0 : i32
        %dma_wait3A_105 = tpu.memref_slice %arg14[%dma_wait3A_103, %dma_wait3A_104] : memref<10240x128xf32, #tpu.memory_space<vmem_shared>> -> memref<10240x128xf32, #tpu.memory_space<vmem_shared>>
        tpu.wait_indirect_dma semaphore(%run_scoped3A_93 : memref<!tpu.dma_semaphore, #tpu.memory_space<semaphore_mem>>) src(%arg11 : memref<80x128xf32, #tpu.memory_space<vmem>>) dst(%dma_wait3A_105 : memref<10240x128xf32, #tpu.memory_space<vmem_shared>>)
        tpu.yield
      }) : () -> ()
    }
    %scan3A_30 = arith.constant 62 : i32
    %dma_wait3A = arith.constant 0 : i32
    %dma_wait3A_31 = arith.constant 0 : i32
    %dma_wait3A_32 = tpu.memref_slice %arg6[%dma_wait3A, %dma_wait3A_31] : memref<1x80xi32, #tpu.memory_space<vmem>> -> memref<1x80xi32, #tpu.memory_space<vmem>>
    %dma_wait3A_33 = tpu.memref_squeeze %dma_wait3A_32 : memref<1x80xi32, #tpu.memory_space<vmem>> -> memref<80xi32, #tpu.memory_space<vmem>>
    %dma_wait3A_34 = arith.constant 0 : i32
    %dma_wait3A_35 = arith.constant 0 : i32
    %dma_wait3A_36 = tpu.memref_slice %arg2[%dma_wait3A_34, %dma_wait3A_35] : memref<10000x128xf32, #tpu.memory_space<hbm>> -> memref<10000x128xf32, #tpu.memory_space<hbm>>
    tpu.wait_indirect_dma semaphore(%arg15 : memref<!tpu.dma_semaphore, #tpu.memory_space<semaphore_mem>>) src(%dma_wait3A_36 : memref<10000x128xf32, #tpu.memory_space<hbm>>) dst(%arg10 : memref<80x128xf32, #tpu.memory_space<vmem>>)
    %run_scoped3A_37 = arith.constant 0 : i32
    "tpu.region"() ({
      %run_scoped3A_44 = tpu.sem_alloc : memref<!tpu.dma_semaphore, #tpu.memory_space<semaphore_mem>>
      %dma_start3A_45 = arith.constant 0 : i32
      %dma_start3A_46 = tpu.memref_slice %arg7[%run_scoped3A_37, %dma_start3A_45] : memref<1x80xi32, #tpu.memory_space<vmem>> -> memref<1x80xi32, #tpu.memory_space<vmem>>
      %dma_start3A_47 = tpu.memref_squeeze %dma_start3A_46 : memref<1x80xi32, #tpu.memory_space<vmem>> -> memref<80xi32, #tpu.memory_space<vmem>>
      %dma_start3A_48 = arith.constant 0 : i32
      %dma_start3A_49 = arith.constant 0 : i32
      %dma_start3A_50 = tpu.memref_slice %arg14[%dma_start3A_48, %dma_start3A_49] : memref<10240x128xf32, #tpu.memory_space<vmem_shared>> -> memref<10240x128xf32, #tpu.memory_space<vmem_shared>>
      tpu.enqueue_indirect_dma source(%arg10 : memref<80x128xf32, #tpu.memory_space<vmem>>) target(%dma_start3A_50 : memref<10240x128xf32, #tpu.memory_space<vmem_shared>>) offsets(%dma_start3A_47 : memref<80xi32, #tpu.memory_space<vmem>>) semaphore(%run_scoped3A_44 : memref<!tpu.dma_semaphore, #tpu.memory_space<semaphore_mem>>) {add = true}
      %dma_wait3A_51 = arith.constant 0 : i32
      %dma_wait3A_52 = tpu.memref_slice %arg7[%run_scoped3A_37, %dma_wait3A_51] : memref<1x80xi32, #tpu.memory_space<vmem>> -> memref<1x80xi32, #tpu.memory_space<vmem>>
      %dma_wait3A_53 = tpu.memref_squeeze %dma_wait3A_52 : memref<1x80xi32, #tpu.memory_space<vmem>> -> memref<80xi32, #tpu.memory_space<vmem>>
      %dma_wait3A_54 = arith.constant 0 : i32
      %dma_wait3A_55 = arith.constant 0 : i32
      %dma_wait3A_56 = tpu.memref_slice %arg14[%dma_wait3A_54, %dma_wait3A_55] : memref<10240x128xf32, #tpu.memory_space<vmem_shared>> -> memref<10240x128xf32, #tpu.memory_space<vmem_shared>>
      tpu.wait_indirect_dma semaphore(%run_scoped3A_44 : memref<!tpu.dma_semaphore, #tpu.memory_space<semaphore_mem>>) src(%arg10 : memref<80x128xf32, #tpu.memory_space<vmem>>) dst(%dma_wait3A_56 : memref<10240x128xf32, #tpu.memory_space<vmem_shared>>)
      tpu.yield
    }) : () -> ()
    %barrier3A_38 = arith.constant 0 : index
    tpu.barrier barrier_id(%barrier3A_38)
    %scan3A_39 = arith.constant 0 : i32
    %scan3A_40 = arith.constant 8 : i32
    %scan3A_41 = arith.addi %scan3A_39, %scan3A_40 : i32
    %scan3A_42 = arith.constant 1 : i32
    scf.for %scan3A_44 = %scan3A_39 to %scan3A_41 step %scan3A_42  : i32 {
      %mul3A_45 = arith.constant 1 : i32
      %mul3A_46 = arith.muli %scan3A_44, %mul3A_45 : i32
      %add3A_47 = arith.constant 0 : i32
      %add3A_48 = arith.addi %add3A_47, %mul3A_46 : i32
      %dma_start3A_49 = arith.constant 0 : i32
      %dma_start3A_50 = tpu.memref_slice %arg13[%add3A_48, %dma_start3A_49] : memref<8x80xi32, #tpu.memory_space<vmem>> -> memref<1x80xi32, #tpu.memory_space<vmem>>
      %dma_start3A_51 = tpu.memref_squeeze %dma_start3A_50 : memref<1x80xi32, #tpu.memory_space<vmem>> -> memref<80xi32, #tpu.memory_space<vmem>>
      %dma_start3A_52 = arith.constant 0 : i32
      %dma_start3A_53 = arith.constant 0 : i32
      %dma_start3A_54 = tpu.memref_slice %arg14[%dma_start3A_52, %dma_start3A_53] : memref<10240x128xf32, #tpu.memory_space<vmem_shared>> -> memref<10240x128xf32, #tpu.memory_space<vmem_shared>>
      tpu.enqueue_indirect_dma source(%dma_start3A_54 : memref<10240x128xf32, #tpu.memory_space<vmem_shared>>) target(%arg12 : memref<80x128xf32, #tpu.memory_space<vmem>>) offsets(%dma_start3A_51 : memref<80xi32, #tpu.memory_space<vmem>>) semaphore(%arg15 : memref<!tpu.dma_semaphore, #tpu.memory_space<semaphore_mem>>)
      %dma_wait3A_55 = arith.constant 0 : i32
      %dma_wait3A_56 = tpu.memref_slice %arg13[%add3A_48, %dma_wait3A_55] : memref<8x80xi32, #tpu.memory_space<vmem>> -> memref<1x80xi32, #tpu.memory_space<vmem>>
      %dma_wait3A_57 = tpu.memref_squeeze %dma_wait3A_56 : memref<1x80xi32, #tpu.memory_space<vmem>> -> memref<80xi32, #tpu.memory_space<vmem>>
      %dma_wait3A_58 = arith.constant 0 : i32
      %dma_wait3A_59 = arith.constant 0 : i32
      %dma_wait3A_60 = tpu.memref_slice %arg14[%dma_wait3A_58, %dma_wait3A_59] : memref<10240x128xf32, #tpu.memory_space<vmem_shared>> -> memref<10240x128xf32, #tpu.memory_space<vmem_shared>>
      tpu.wait_indirect_dma semaphore(%arg15 : memref<!tpu.dma_semaphore, #tpu.memory_space<semaphore_mem>>) src(%dma_wait3A_60 : memref<10240x128xf32, #tpu.memory_space<vmem_shared>>) dst(%arg12 : memref<80x128xf32, #tpu.memory_space<vmem>>)
      %mul3A_61 = arith.constant 80 : i32
      %mul3A_62 = arith.muli %add3A_48, %mul3A_61 : i32
      %add3A_63 = arith.addi %mul3A_2, %mul3A_62 : i32
      "tpu.region"() ({
        %run_scoped3A_64 = tpu.sem_alloc : memref<!tpu.dma_semaphore, #tpu.memory_space<semaphore_mem>>
        %dma_start3A_65 = arith.constant 0 : i32
        %dma_start3A_66 = tpu.memref_slice %arg5[%arg0, %add3A_63, %dma_start3A_65] : memref<2x10240x128xf32, #tpu.memory_space<hbm>> -> memref<1x80x128xf32, #tpu.memory_space<hbm>>
        %dma_start3A_67 = tpu.memref_squeeze %dma_start3A_66 : memref<1x80x128xf32, #tpu.memory_space<hbm>> -> memref<80x128xf32, #tpu.memory_space<hbm>>
        %dma_start3A_68 = arith.constant 0 : i32
        %dma_start3A_69 = tpu.memref_slice %arg5[%arg0, %add3A_63, %dma_start3A_68] : memref<2x10240x128xf32, #tpu.memory_space<hbm>> -> memref<1x80x128xf32, #tpu.memory_space<hbm>>
        %dma_start3A_70 = tpu.memref_squeeze %dma_start3A_69 : memref<1x80x128xf32, #tpu.memory_space<hbm>> -> memref<80x128xf32, #tpu.memory_space<hbm>>
        tpu.enqueue_dma source(%arg12 : memref<80x128xf32, #tpu.memory_space<vmem>>) target(%dma_start3A_70 : memref<80x128xf32, #tpu.memory_space<hbm>>) target_semaphore(%run_scoped3A_64 : memref<!tpu.dma_semaphore, #tpu.memory_space<semaphore_mem>>)
        %dma_wait3A_71 = arith.constant 0 : i32
        %dma_wait3A_72 = tpu.memref_slice %arg5[%arg0, %add3A_63, %dma_wait3A_71] : memref<2x10240x128xf32, #tpu.memory_space<hbm>> -> memref<1x80x128xf32, #tpu.memory_space<hbm>>
        %dma_wait3A_73 = tpu.memref_squeeze %dma_wait3A_72 : memref<1x80x128xf32, #tpu.memory_space<hbm>> -> memref<80x128xf32, #tpu.memory_space<hbm>>
        %dma_wait3A_74 = arith.constant 0 : i32
        %dma_wait3A_75 = tpu.memref_slice %arg5[%arg0, %add3A_63, %dma_wait3A_74] : memref<2x10240x128xf32, #tpu.memory_space<hbm>> -> memref<1x80x128xf32, #tpu.memory_space<hbm>>
        %dma_wait3A_76 = tpu.memref_squeeze %dma_wait3A_75 : memref<1x80x128xf32, #tpu.memory_space<hbm>> -> memref<80x128xf32, #tpu.memory_space<hbm>>
        tpu.wait_dma2 semaphore(%run_scoped3A_64 : memref<!tpu.dma_semaphore, #tpu.memory_space<semaphore_mem>>) src(%arg12 : memref<80x128xf32, #tpu.memory_space<vmem>>) dst(%dma_wait3A_76 : memref<80x128xf32, #tpu.memory_space<hbm>>)
        tpu.yield
      }) : () -> ()
    }
    %scan3A_43 = arith.constant 8 : i32
    return
  }
}

#map = affine_map<(d0, d1) -> (0, 0)>
#map1 = affine_map<(d0, d1) -> (0)>
#map2 = affine_map<(d0, d1) -> (0, 0, 0)>
module attributes {stable_mosaic.version = 14 : i64} {
  func.func @_sc_agg128(%arg0: i32, %arg1: i32, %arg2: memref<10000x128xf32, #tpu.memory_space<hbm>>, %arg3: memref<320000xi32, #tpu.memory_space<hbm>>, %arg4: memref<320000xi32, #tpu.memory_space<hbm>>, %arg5: memref<2x10240x128xf32, #tpu.memory_space<hbm>>, %arg6: memref<1x80xi32, #tpu.memory_space<vmem>>, %arg7: memref<1x80xi32, #tpu.memory_space<vmem>>, %arg8: memref<1x80xi32, #tpu.memory_space<vmem>>, %arg9: memref<1x80xi32, #tpu.memory_space<vmem>>, %arg10: memref<80x128xf32, #tpu.memory_space<vmem>>, %arg11: memref<80x128xf32, #tpu.memory_space<vmem>>, %arg12: memref<80x128xf32, #tpu.memory_space<vmem>>, %arg13: memref<8x80xi32, #tpu.memory_space<vmem>>, %arg14: memref<10240x128xf32, #tpu.memory_space<vmem_shared>>, %arg15: memref<!tpu.dma_semaphore, #tpu.memory_space<semaphore_mem>>, %arg16: memref<!tpu.dma_semaphore, #tpu.memory_space<semaphore_mem>>) attributes {dimension_semantics = [#tpu.dimension_semantics<core_parallel>, #tpu.dimension_semantics<subcore_parallel>], iteration_bounds = array<i64: 2, 16>, scalar_prefetch = 0 : i64, scratch_operands = 11 : i64, tpu.core_type = #tpu.core_type<sc_vector_subcore>, window_params = [{transform_indices = #map}, {transform_indices = #map1}, {transform_indices = #map1}, {transform_indices = #map2}]} {
    %mul3A = arith.constant 2 : i32
    %mul3A_0 = arith.muli %arg1, %mul3A : i32
    %add3A = arith.addi %mul3A_0, %arg0 : i32
    %mul3A_1 = arith.constant 640 : i32
    %mul3A_2 = arith.muli %arg1, %mul3A_1 : i32
    %scan3A = arith.constant 0 : i32
    %scan3A_3 = arith.constant 80 : i32
    %scan3A_4 = arith.addi %scan3A, %scan3A_3 : i32
    %scan3A_5 = arith.constant 1 : i32
    scf.for %scan3A_44 = %scan3A to %scan3A_4 step %scan3A_5  : i32 {
      %mul3A_45 = arith.constant 1 : i32
      %mul3A_46 = arith.muli %scan3A_44, %mul3A_45 : i32
      %add3A_47 = arith.constant 0 : i32
      %add3A_48 = arith.addi %add3A_47, %mul3A_46 : i32
      %scan3A_49 = arith.constant 0 : i32
      %scan3A_50 = arith.constant 8 : i32
      %scan3A_51 = arith.addi %scan3A_49, %scan3A_50 : i32
      %scan3A_52 = arith.constant 1 : i32
      scf.for %scan3A_54 = %scan3A_49 to %scan3A_51 step %scan3A_52  : i32 {
        %mul3A_55 = arith.constant 16 : i32
        %mul3A_56 = arith.muli %scan3A_54, %mul3A_55 : i32
        %add3A_57 = arith.constant 0 : i32
        %add3A_58 = arith.addi %add3A_57, %mul3A_56 : i32
        %broadcast_in_dim3A = arith.constant 0.000000e+00 : f32
        %broadcast_in_dim3A_59 = vector.broadcast %broadcast_in_dim3A : f32 to vector<16xf32>
        %swap3A = arith.index_cast %add3A_48 : i32 to index
        %swap3A_60 = arith.index_cast %add3A_58 : i32 to index
        %swap3A_61 = tpu.vector_load %arg12[%swap3A, %swap3A_60] {strides = array<i32>} : memref<80x128xf32, #tpu.memory_space<vmem>>, vector<1x16xf32>,
        %swap3A_62 = vector.shape_cast %swap3A_61 : vector<1x16xf32> to vector<16xf32>
        %swap3A_63 = vector.shape_cast %broadcast_in_dim3A_59 : vector<16xf32> to vector<1x16xf32>
        tpu.vector_store %arg12[%swap3A, %swap3A_60], %swap3A_63 {strides = array<i32>} : memref<80x128xf32, #tpu.memory_space<vmem>>, vector<1x16xf32>,
      }
      %scan3A_53 = arith.constant 8 : i32
    }
    %scan3A_6 = arith.constant 80 : i32
    %scan3A_7 = arith.constant 0 : i32
    %scan3A_8 = arith.constant 8 : i32
    %scan3A_9 = arith.addi %scan3A_7, %scan3A_8 : i32
    %scan3A_10 = arith.constant 1 : i32
    scf.for %scan3A_44 = %scan3A_7 to %scan3A_9 step %scan3A_10  : i32 {
      %mul3A_45 = arith.constant 1 : i32
      %mul3A_46 = arith.muli %scan3A_44, %mul3A_45 : i32
      %add3A_47 = arith.constant 0 : i32
      %add3A_48 = arith.addi %add3A_47, %mul3A_46 : i32
      %scan3A_49 = arith.constant 0 : i32
      %scan3A_50 = arith.constant 5 : i32
      %scan3A_51 = arith.addi %scan3A_49, %scan3A_50 : i32
      %scan3A_52 = arith.constant 1 : i32
      scf.for %scan3A_54 = %scan3A_49 to %scan3A_51 step %scan3A_52  : i32 {
        %mul3A_55 = arith.constant 16 : i32
        %mul3A_56 = arith.muli %scan3A_54, %mul3A_55 : i32
        %add3A_57 = arith.constant 0 : i32
        %add3A_58 = arith.addi %add3A_57, %mul3A_56 : i32
        %mul3A_59 = arith.constant 80 : i32
        %mul3A_60 = arith.muli %add3A_48, %mul3A_59 : i32
        %add3A_61 = arith.addi %mul3A_2, %mul3A_60 : i32
        %add3A_62 = arith.addi %add3A_61, %add3A_58 : i32
        %iota3A = tpu.iota {dimensions = array<i32: 0>} : vector<16xi32>
        %add3A_63 = vector.broadcast %add3A_62 : i32 to vector<16xi32>
        %add3A_64 = arith.addi %add3A_63, %iota3A : vector<16xi32>
        %swap3A = arith.index_cast %add3A_48 : i32 to index
        %swap3A_65 = arith.index_cast %add3A_58 : i32 to index
        %swap3A_66 = tpu.vector_load %arg13[%swap3A, %swap3A_65] {strides = array<i32>} : memref<8x80xi32, #tpu.memory_space<vmem>>, vector<1x16xi32>,
        %swap3A_67 = vector.shape_cast %swap3A_66 : vector<1x16xi32> to vector<16xi32>
        %swap3A_68 = vector.shape_cast %add3A_64 : vector<16xi32> to vector<1x16xi32>
        tpu.vector_store %arg13[%swap3A, %swap3A_65], %swap3A_68 {strides = array<i32>} : memref<8x80xi32, #tpu.memory_space<vmem>>, vector<1x16xi32>,
      }
      %scan3A_53 = arith.constant 5 : i32
    }
    %scan3A_11 = arith.constant 8 : i32
    %scan3A_12 = arith.constant 0 : i32
    %scan3A_13 = arith.constant 8 : i32
    %scan3A_14 = arith.addi %scan3A_12, %scan3A_13 : i32
    %scan3A_15 = arith.constant 1 : i32
    scf.for %scan3A_44 = %scan3A_12 to %scan3A_14 step %scan3A_15  : i32 {
      %mul3A_45 = arith.constant 1 : i32
      %mul3A_46 = arith.muli %scan3A_44, %mul3A_45 : i32
      %add3A_47 = arith.constant 0 : i32
      %add3A_48 = arith.addi %add3A_47, %mul3A_46 : i32
      "tpu.region"() ({
        %run_scoped3A_49 = tpu.sem_alloc : memref<!tpu.dma_semaphore, #tpu.memory_space<semaphore_mem>>
        %dma_start3A_50 = arith.constant 0 : i32
        %dma_start3A_51 = tpu.memref_slice %arg13[%add3A_48, %dma_start3A_50] : memref<8x80xi32, #tpu.memory_space<vmem>> -> memref<1x80xi32, #tpu.memory_space<vmem>>
        %dma_start3A_52 = tpu.memref_squeeze %dma_start3A_51 : memref<1x80xi32, #tpu.memory_space<vmem>> -> memref<80xi32, #tpu.memory_space<vmem>>
        %dma_start3A_53 = arith.constant 0 : i32
        %dma_start3A_54 = arith.constant 0 : i32
        %dma_start3A_55 = tpu.memref_slice %arg14[%dma_start3A_53, %dma_start3A_54] : memref<10240x128xf32, #tpu.memory_space<vmem_shared>> -> memref<10240x128xf32, #tpu.memory_space<vmem_shared>>
        tpu.enqueue_indirect_dma source(%arg12 : memref<80x128xf32, #tpu.memory_space<vmem>>) target(%dma_start3A_55 : memref<10240x128xf32, #tpu.memory_space<vmem_shared>>) offsets(%dma_start3A_52 : memref<80xi32, #tpu.memory_space<vmem>>) semaphore(%run_scoped3A_49 : memref<!tpu.dma_semaphore, #tpu.memory_space<semaphore_mem>>)
        %dma_wait3A_56 = arith.constant 0 : i32
        %dma_wait3A_57 = tpu.memref_slice %arg13[%add3A_48, %dma_wait3A_56] : memref<8x80xi32, #tpu.memory_space<vmem>> -> memref<1x80xi32, #tpu.memory_space<vmem>>
        %dma_wait3A_58 = tpu.memref_squeeze %dma_wait3A_57 : memref<1x80xi32, #tpu.memory_space<vmem>> -> memref<80xi32, #tpu.memory_space<vmem>>
        %dma_wait3A_59 = arith.constant 0 : i32
        %dma_wait3A_60 = arith.constant 0 : i32
        %dma_wait3A_61 = tpu.memref_slice %arg14[%dma_wait3A_59, %dma_wait3A_60] : memref<10240x128xf32, #tpu.memory_space<vmem_shared>> -> memref<10240x128xf32, #tpu.memory_space<vmem_shared>>
        tpu.wait_indirect_dma semaphore(%run_scoped3A_49 : memref<!tpu.dma_semaphore, #tpu.memory_space<semaphore_mem>>) src(%arg12 : memref<80x128xf32, #tpu.memory_space<vmem>>) dst(%dma_wait3A_61 : memref<10240x128xf32, #tpu.memory_space<vmem_shared>>)
        tpu.yield
      }) : () -> ()
    }
    %scan3A_16 = arith.constant 8 : i32
    %barrier3A = arith.constant 0 : index
    tpu.barrier barrier_id(%barrier3A)
    %mul3A_17 = arith.constant 10000 : i32
    %mul3A_18 = arith.muli %add3A, %mul3A_17 : i32
    %run_scoped3A = arith.constant 0 : i32
    "tpu.region"() ({
      %run_scoped3A_44 = tpu.sem_alloc : memref<!tpu.dma_semaphore, #tpu.memory_space<semaphore_mem>>
      %dma_start3A_45 = arith.constant 0 : i32
      %dma_start3A_46 = tpu.memref_slice %arg6[%run_scoped3A, %dma_start3A_45] : memref<1x80xi32, #tpu.memory_space<vmem>> -> memref<1x80xi32, #tpu.memory_space<vmem>>
      %dma_start3A_47 = tpu.memref_squeeze %dma_start3A_46 : memref<1x80xi32, #tpu.memory_space<vmem>> -> memref<80xi32, #tpu.memory_space<vmem>>
      %dma_start3A_48 = tpu.memref_slice %arg3[%mul3A_18] : memref<320000xi32, #tpu.memory_space<hbm>> -> memref<80xi32, #tpu.memory_space<hbm>>
      %dma_start3A_49 = arith.constant 0 : i32
      %dma_start3A_50 = tpu.memref_slice %arg6[%run_scoped3A, %dma_start3A_49] : memref<1x80xi32, #tpu.memory_space<vmem>> -> memref<1x80xi32, #tpu.memory_space<vmem>>
      %dma_start3A_51 = tpu.memref_squeeze %dma_start3A_50 : memref<1x80xi32, #tpu.memory_space<vmem>> -> memref<80xi32, #tpu.memory_space<vmem>>
      %dma_start3A_52 = tpu.memref_slice %arg3[%mul3A_18] : memref<320000xi32, #tpu.memory_space<hbm>> -> memref<80xi32, #tpu.memory_space<hbm>>
      tpu.enqueue_dma source(%dma_start3A_52 : memref<80xi32, #tpu.memory_space<hbm>>) target(%dma_start3A_51 : memref<80xi32, #tpu.memory_space<vmem>>) target_semaphore(%run_scoped3A_44 : memref<!tpu.dma_semaphore, #tpu.memory_space<semaphore_mem>>)
      %dma_wait3A_53 = arith.constant 0 : i32
      %dma_wait3A_54 = tpu.memref_slice %arg6[%run_scoped3A, %dma_wait3A_53] : memref<1x80xi32, #tpu.memory_space<vmem>> -> memref<1x80xi32, #tpu.memory_space<vmem>>
      %dma_wait3A_55 = tpu.memref_squeeze %dma_wait3A_54 : memref<1x80xi32, #tpu.memory_space<vmem>> -> memref<80xi32, #tpu.memory_space<vmem>>
      %dma_wait3A_56 = tpu.memref_slice %arg3[%mul3A_18] : memref<320000xi32, #tpu.memory_space<hbm>> -> memref<80xi32, #tpu.memory_space<hbm>>
      %dma_wait3A_57 = arith.constant 0 : i32
      %dma_wait3A_58 = tpu.memref_slice %arg6[%run_scoped3A, %dma_wait3A_57] : memref<1x80xi32, #tpu.memory_space<vmem>> -> memref<1x80xi32, #tpu.memory_space<vmem>>
      %dma_wait3A_59 = tpu.memref_squeeze %dma_wait3A_58 : memref<1x80xi32, #tpu.memory_space<vmem>> -> memref<80xi32, #tpu.memory_space<vmem>>
      %dma_wait3A_60 = tpu.memref_slice %arg3[%mul3A_18] : memref<320000xi32, #tpu.memory_space<hbm>> -> memref<80xi32, #tpu.memory_space<hbm>>
      tpu.wait_dma2 semaphore(%run_scoped3A_44 : memref<!tpu.dma_semaphore, #tpu.memory_space<semaphore_mem>>) src(%dma_wait3A_60 : memref<80xi32, #tpu.memory_space<hbm>>) dst(%dma_wait3A_59 : memref<80xi32, #tpu.memory_space<vmem>>)
      tpu.yield
    }) : () -> ()
    %run_scoped3A_19 = arith.constant 0 : i32
    "tpu.region"() ({
      %run_scoped3A_44 = tpu.sem_alloc : memref<!tpu.dma_semaphore, #tpu.memory_space<semaphore_mem>>
      %dma_start3A_45 = arith.constant 0 : i32
      %dma_start3A_46 = tpu.memref_slice %arg7[%run_scoped3A_19, %dma_start3A_45] : memref<1x80xi32, #tpu.memory_space<vmem>> -> memref<1x80xi32, #tpu.memory_space<vmem>>
      %dma_start3A_47 = tpu.memref_squeeze %dma_start3A_46 : memref<1x80xi32, #tpu.memory_space<vmem>> -> memref<80xi32, #tpu.memory_space<vmem>>
      %dma_start3A_48 = tpu.memref_slice %arg4[%mul3A_18] : memref<320000xi32, #tpu.memory_space<hbm>> -> memref<80xi32, #tpu.memory_space<hbm>>
      %dma_start3A_49 = arith.constant 0 : i32
      %dma_start3A_50 = tpu.memref_slice %arg7[%run_scoped3A_19, %dma_start3A_49] : memref<1x80xi32, #tpu.memory_space<vmem>> -> memref<1x80xi32, #tpu.memory_space<vmem>>
      %dma_start3A_51 = tpu.memref_squeeze %dma_start3A_50 : memref<1x80xi32, #tpu.memory_space<vmem>> -> memref<80xi32, #tpu.memory_space<vmem>>
      %dma_start3A_52 = tpu.memref_slice %arg4[%mul3A_18] : memref<320000xi32, #tpu.memory_space<hbm>> -> memref<80xi32, #tpu.memory_space<hbm>>
      tpu.enqueue_dma source(%dma_start3A_52 : memref<80xi32, #tpu.memory_space<hbm>>) target(%dma_start3A_51 : memref<80xi32, #tpu.memory_space<vmem>>) target_semaphore(%run_scoped3A_44 : memref<!tpu.dma_semaphore, #tpu.memory_space<semaphore_mem>>)
      %dma_wait3A_53 = arith.constant 0 : i32
      %dma_wait3A_54 = tpu.memref_slice %arg7[%run_scoped3A_19, %dma_wait3A_53] : memref<1x80xi32, #tpu.memory_space<vmem>> -> memref<1x80xi32, #tpu.memory_space<vmem>>
      %dma_wait3A_55 = tpu.memref_squeeze %dma_wait3A_54 : memref<1x80xi32, #tpu.memory_space<vmem>> -> memref<80xi32, #tpu.memory_space<vmem>>
      %dma_wait3A_56 = tpu.memref_slice %arg4[%mul3A_18] : memref<320000xi32, #tpu.memory_space<hbm>> -> memref<80xi32, #tpu.memory_space<hbm>>
      %dma_wait3A_57 = arith.constant 0 : i32
      %dma_wait3A_58 = tpu.memref_slice %arg7[%run_scoped3A_19, %dma_wait3A_57] : memref<1x80xi32, #tpu.memory_space<vmem>> -> memref<1x80xi32, #tpu.memory_space<vmem>>
      %dma_wait3A_59 = tpu.memref_squeeze %dma_wait3A_58 : memref<1x80xi32, #tpu.memory_space<vmem>> -> memref<80xi32, #tpu.memory_space<vmem>>
      %dma_wait3A_60 = tpu.memref_slice %arg4[%mul3A_18] : memref<320000xi32, #tpu.memory_space<hbm>> -> memref<80xi32, #tpu.memory_space<hbm>>
      tpu.wait_dma2 semaphore(%run_scoped3A_44 : memref<!tpu.dma_semaphore, #tpu.memory_space<semaphore_mem>>) src(%dma_wait3A_60 : memref<80xi32, #tpu.memory_space<hbm>>) dst(%dma_wait3A_59 : memref<80xi32, #tpu.memory_space<vmem>>)
      tpu.yield
    }) : () -> ()
    %dma_start3A = arith.constant 0 : i32
    %dma_start3A_20 = arith.constant 0 : i32
    %dma_start3A_21 = tpu.memref_slice %arg6[%dma_start3A, %dma_start3A_20] : memref<1x80xi32, #tpu.memory_space<vmem>> -> memref<1x80xi32, #tpu.memory_space<vmem>>
    %dma_start3A_22 = tpu.memref_squeeze %dma_start3A_21 : memref<1x80xi32, #tpu.memory_space<vmem>> -> memref<80xi32, #tpu.memory_space<vmem>>
    %dma_start3A_23 = arith.constant 0 : i32
    %dma_start3A_24 = arith.constant 0 : i32
    %dma_start3A_25 = tpu.memref_slice %arg2[%dma_start3A_23, %dma_start3A_24] : memref<10000x128xf32, #tpu.memory_space<hbm>> -> memref<10000x128xf32, #tpu.memory_space<hbm>>
    tpu.enqueue_indirect_dma source(%dma_start3A_25 : memref<10000x128xf32, #tpu.memory_space<hbm>>) target(%arg10 : memref<80x128xf32, #tpu.memory_space<vmem>>) offsets(%dma_start3A_22 : memref<80xi32, #tpu.memory_space<vmem>>) semaphore(%arg15 : memref<!tpu.dma_semaphore, #tpu.memory_space<semaphore_mem>>)
    %scan3A_26 = arith.constant 0 : i32
    %scan3A_27 = arith.constant 62 : i32
    %scan3A_28 = arith.addi %scan3A_26, %scan3A_27 : i32
    %scan3A_29 = arith.constant 1 : i32
    scf.for %scan3A_44 = %scan3A_26 to %scan3A_28 step %scan3A_29  : i32 {
      %mul3A_45 = arith.constant 2 : i32
      %mul3A_46 = arith.muli %scan3A_44, %mul3A_45 : i32
      %add3A_47 = arith.constant 0 : i32
      %add3A_48 = arith.addi %add3A_47, %mul3A_46 : i32
      %add3A_49 = arith.constant 1 : i32
      %add3A_50 = arith.addi %add3A_48, %add3A_49 : i32
      %mul3A_51 = arith.constant 80 : i32
      %mul3A_52 = arith.muli %add3A_50, %mul3A_51 : i32
      %add3A_53 = arith.addi %mul3A_18, %mul3A_52 : i32
      %run_scoped3A_54 = arith.constant 0 : i32
      "tpu.region"() ({
        %run_scoped3A_93 = tpu.sem_alloc : memref<!tpu.dma_semaphore, #tpu.memory_space<semaphore_mem>>
        %dma_start3A_94 = arith.constant 0 : i32
        %dma_start3A_95 = tpu.memref_slice %arg8[%run_scoped3A_54, %dma_start3A_94] : memref<1x80xi32, #tpu.memory_space<vmem>> -> memref<1x80xi32, #tpu.memory_space<vmem>>
        %dma_start3A_96 = tpu.memref_squeeze %dma_start3A_95 : memref<1x80xi32, #tpu.memory_space<vmem>> -> memref<80xi32, #tpu.memory_space<vmem>>
        %dma_start3A_97 = tpu.memref_slice %arg3[%add3A_53] : memref<320000xi32, #tpu.memory_space<hbm>> -> memref<80xi32, #tpu.memory_space<hbm>>
        %dma_start3A_98 = arith.constant 0 : i32
        %dma_start3A_99 = tpu.memref_slice %arg8[%run_scoped3A_54, %dma_start3A_98] : memref<1x80xi32, #tpu.memory_space<vmem>> -> memref<1x80xi32, #tpu.memory_space<vmem>>
        %dma_start3A_100 = tpu.memref_squeeze %dma_start3A_99 : memref<1x80xi32, #tpu.memory_space<vmem>> -> memref<80xi32, #tpu.memory_space<vmem>>
        %dma_start3A_101 = tpu.memref_slice %arg3[%add3A_53] : memref<320000xi32, #tpu.memory_space<hbm>> -> memref<80xi32, #tpu.memory_space<hbm>>
        tpu.enqueue_dma source(%dma_start3A_101 : memref<80xi32, #tpu.memory_space<hbm>>) target(%dma_start3A_100 : memref<80xi32, #tpu.memory_space<vmem>>) target_semaphore(%run_scoped3A_93 : memref<!tpu.dma_semaphore, #tpu.memory_space<semaphore_mem>>)
        %dma_wait3A_102 = arith.constant 0 : i32
        %dma_wait3A_103 = tpu.memref_slice %arg8[%run_scoped3A_54, %dma_wait3A_102] : memref<1x80xi32, #tpu.memory_space<vmem>> -> memref<1x80xi32, #tpu.memory_space<vmem>>
        %dma_wait3A_104 = tpu.memref_squeeze %dma_wait3A_103 : memref<1x80xi32, #tpu.memory_space<vmem>> -> memref<80xi32, #tpu.memory_space<vmem>>
        %dma_wait3A_105 = tpu.memref_slice %arg3[%add3A_53] : memref<320000xi32, #tpu.memory_space<hbm>> -> memref<80xi32, #tpu.memory_space<hbm>>
        %dma_wait3A_106 = arith.constant 0 : i32
        %dma_wait3A_107 = tpu.memref_slice %arg8[%run_scoped3A_54, %dma_wait3A_106] : memref<1x80xi32, #tpu.memory_space<vmem>> -> memref<1x80xi32, #tpu.memory_space<vmem>>
        %dma_wait3A_108 = tpu.memref_squeeze %dma_wait3A_107 : memref<1x80xi32, #tpu.memory_space<vmem>> -> memref<80xi32, #tpu.memory_space<vmem>>
        %dma_wait3A_109 = tpu.memref_slice %arg3[%add3A_53] : memref<320000xi32, #tpu.memory_space<hbm>> -> memref<80xi32, #tpu.memory_space<hbm>>
        tpu.wait_dma2 semaphore(%run_scoped3A_93 : memref<!tpu.dma_semaphore, #tpu.memory_space<semaphore_mem>>) src(%dma_wait3A_109 : memref<80xi32, #tpu.memory_space<hbm>>) dst(%dma_wait3A_108 : memref<80xi32, #tpu.memory_space<vmem>>)
        tpu.yield
      }) : () -> ()
      %run_scoped3A_55 = arith.constant 0 : i32
      "tpu.region"() ({
        %run_scoped3A_93 = tpu.sem_alloc : memref<!tpu.dma_semaphore, #tpu.memory_space<semaphore_mem>>
        %dma_start3A_94 = arith.constant 0 : i32
        %dma_start3A_95 = tpu.memref_slice %arg9[%run_scoped3A_55, %dma_start3A_94] : memref<1x80xi32, #tpu.memory_space<vmem>> -> memref<1x80xi32, #tpu.memory_space<vmem>>
        %dma_start3A_96 = tpu.memref_squeeze %dma_start3A_95 : memref<1x80xi32, #tpu.memory_space<vmem>> -> memref<80xi32, #tpu.memory_space<vmem>>
        %dma_start3A_97 = tpu.memref_slice %arg4[%add3A_53] : memref<320000xi32, #tpu.memory_space<hbm>> -> memref<80xi32, #tpu.memory_space<hbm>>
        %dma_start3A_98 = arith.constant 0 : i32
        %dma_start3A_99 = tpu.memref_slice %arg9[%run_scoped3A_55, %dma_start3A_98] : memref<1x80xi32, #tpu.memory_space<vmem>> -> memref<1x80xi32, #tpu.memory_space<vmem>>
        %dma_start3A_100 = tpu.memref_squeeze %dma_start3A_99 : memref<1x80xi32, #tpu.memory_space<vmem>> -> memref<80xi32, #tpu.memory_space<vmem>>
        %dma_start3A_101 = tpu.memref_slice %arg4[%add3A_53] : memref<320000xi32, #tpu.memory_space<hbm>> -> memref<80xi32, #tpu.memory_space<hbm>>
        tpu.enqueue_dma source(%dma_start3A_101 : memref<80xi32, #tpu.memory_space<hbm>>) target(%dma_start3A_100 : memref<80xi32, #tpu.memory_space<vmem>>) target_semaphore(%run_scoped3A_93 : memref<!tpu.dma_semaphore, #tpu.memory_space<semaphore_mem>>)
        %dma_wait3A_102 = arith.constant 0 : i32
        %dma_wait3A_103 = tpu.memref_slice %arg9[%run_scoped3A_55, %dma_wait3A_102] : memref<1x80xi32, #tpu.memory_space<vmem>> -> memref<1x80xi32, #tpu.memory_space<vmem>>
        %dma_wait3A_104 = tpu.memref_squeeze %dma_wait3A_103 : memref<1x80xi32, #tpu.memory_space<vmem>> -> memref<80xi32, #tpu.memory_space<vmem>>
        %dma_wait3A_105 = tpu.memref_slice %arg4[%add3A_53] : memref<320000xi32, #tpu.memory_space<hbm>> -> memref<80xi32, #tpu.memory_space<hbm>>
        %dma_wait3A_106 = arith.constant 0 : i32
        %dma_wait3A_107 = tpu.memref_slice %arg9[%run_scoped3A_55, %dma_wait3A_106] : memref<1x80xi32, #tpu.memory_space<vmem>> -> memref<1x80xi32, #tpu.memory_space<vmem>>
        %dma_wait3A_108 = tpu.memref_squeeze %dma_wait3A_107 : memref<1x80xi32, #tpu.memory_space<vmem>> -> memref<80xi32, #tpu.memory_space<vmem>>
        %dma_wait3A_109 = tpu.memref_slice %arg4[%add3A_53] : memref<320000xi32, #tpu.memory_space<hbm>> -> memref<80xi32, #tpu.memory_space<hbm>>
        tpu.wait_dma2 semaphore(%run_scoped3A_93 : memref<!tpu.dma_semaphore, #tpu.memory_space<semaphore_mem>>) src(%dma_wait3A_109 : memref<80xi32, #tpu.memory_space<hbm>>) dst(%dma_wait3A_108 : memref<80xi32, #tpu.memory_space<vmem>>)
        tpu.yield
      }) : () -> ()
      %dma_start3A_56 = arith.constant 0 : i32
      %dma_start3A_57 = arith.constant 0 : i32
      %dma_start3A_58 = tpu.memref_slice %arg8[%dma_start3A_56, %dma_start3A_57] : memref<1x80xi32, #tpu.memory_space<vmem>> -> memref<1x80xi32, #tpu.memory_space<vmem>>
      %dma_start3A_59 = tpu.memref_squeeze %dma_start3A_58 : memref<1x80xi32, #tpu.memory_space<vmem>> -> memref<80xi32, #tpu.memory_space<vmem>>
      %dma_start3A_60 = arith.constant 0 : i32
      %dma_start3A_61 = arith.constant 0 : i32
      %dma_start3A_62 = tpu.memref_slice %arg2[%dma_start3A_60, %dma_start3A_61] : memref<10000x128xf32, #tpu.memory_space<hbm>> -> memref<10000x128xf32, #tpu.memory_space<hbm>>
      tpu.enqueue_indirect_dma source(%dma_start3A_62 : memref<10000x128xf32, #tpu.memory_space<hbm>>) target(%arg11 : memref<80x128xf32, #tpu.memory_space<vmem>>) offsets(%dma_start3A_59 : memref<80xi32, #tpu.memory_space<vmem>>) semaphore(%arg16 : memref<!tpu.dma_semaphore, #tpu.memory_space<semaphore_mem>>)
      %dma_wait3A_63 = arith.constant 0 : i32
      %dma_wait3A_64 = arith.constant 0 : i32
      %dma_wait3A_65 = tpu.memref_slice %arg6[%dma_wait3A_63, %dma_wait3A_64] : memref<1x80xi32, #tpu.memory_space<vmem>> -> memref<1x80xi32, #tpu.memory_space<vmem>>
      %dma_wait3A_66 = tpu.memref_squeeze %dma_wait3A_65 : memref<1x80xi32, #tpu.memory_space<vmem>> -> memref<80xi32, #tpu.memory_space<vmem>>
      %dma_wait3A_67 = arith.constant 0 : i32
      %dma_wait3A_68 = arith.constant 0 : i32
      %dma_wait3A_69 = tpu.memref_slice %arg2[%dma_wait3A_67, %dma_wait3A_68] : memref<10000x128xf32, #tpu.memory_space<hbm>> -> memref<10000x128xf32, #tpu.memory_space<hbm>>
      tpu.wait_indirect_dma semaphore(%arg15 : memref<!tpu.dma_semaphore, #tpu.memory_space<semaphore_mem>>) src(%dma_wait3A_69 : memref<10000x128xf32, #tpu.memory_space<hbm>>) dst(%arg10 : memref<80x128xf32, #tpu.memory_space<vmem>>)
      %run_scoped3A_70 = arith.constant 0 : i32
      "tpu.region"() ({
        %run_scoped3A_93 = tpu.sem_alloc : memref<!tpu.dma_semaphore, #tpu.memory_space<semaphore_mem>>
        %dma_start3A_94 = arith.constant 0 : i32
        %dma_start3A_95 = tpu.memref_slice %arg7[%run_scoped3A_70, %dma_start3A_94] : memref<1x80xi32, #tpu.memory_space<vmem>> -> memref<1x80xi32, #tpu.memory_space<vmem>>
        %dma_start3A_96 = tpu.memref_squeeze %dma_start3A_95 : memref<1x80xi32, #tpu.memory_space<vmem>> -> memref<80xi32, #tpu.memory_space<vmem>>
        %dma_start3A_97 = arith.constant 0 : i32
        %dma_start3A_98 = arith.constant 0 : i32
        %dma_start3A_99 = tpu.memref_slice %arg14[%dma_start3A_97, %dma_start3A_98] : memref<10240x128xf32, #tpu.memory_space<vmem_shared>> -> memref<10240x128xf32, #tpu.memory_space<vmem_shared>>
        tpu.enqueue_indirect_dma source(%arg10 : memref<80x128xf32, #tpu.memory_space<vmem>>) target(%dma_start3A_99 : memref<10240x128xf32, #tpu.memory_space<vmem_shared>>) offsets(%dma_start3A_96 : memref<80xi32, #tpu.memory_space<vmem>>) semaphore(%run_scoped3A_93 : memref<!tpu.dma_semaphore, #tpu.memory_space<semaphore_mem>>) {add = true}
        %dma_wait3A_100 = arith.constant 0 : i32
        %dma_wait3A_101 = tpu.memref_slice %arg7[%run_scoped3A_70, %dma_wait3A_100] : memref<1x80xi32, #tpu.memory_space<vmem>> -> memref<1x80xi32, #tpu.memory_space<vmem>>
        %dma_wait3A_102 = tpu.memref_squeeze %dma_wait3A_101 : memref<1x80xi32, #tpu.memory_space<vmem>> -> memref<80xi32, #tpu.memory_space<vmem>>
        %dma_wait3A_103 = arith.constant 0 : i32
        %dma_wait3A_104 = arith.constant 0 : i32
        %dma_wait3A_105 = tpu.memref_slice %arg14[%dma_wait3A_103, %dma_wait3A_104] : memref<10240x128xf32, #tpu.memory_space<vmem_shared>> -> memref<10240x128xf32, #tpu.memory_space<vmem_shared>>
        tpu.wait_indirect_dma semaphore(%run_scoped3A_93 : memref<!tpu.dma_semaphore, #tpu.memory_space<semaphore_mem>>) src(%arg10 : memref<80x128xf32, #tpu.memory_space<vmem>>) dst(%dma_wait3A_105 : memref<10240x128xf32, #tpu.memory_space<vmem_shared>>)
        tpu.yield
      }) : () -> ()
      %add3A_71 = arith.constant 2 : i32
      %add3A_72 = arith.addi %add3A_48, %add3A_71 : i32
      %mul3A_73 = arith.constant 80 : i32
      %mul3A_74 = arith.muli %add3A_72, %mul3A_73 : i32
      %add3A_75 = arith.addi %mul3A_18, %mul3A_74 : i32
      %run_scoped3A_76 = arith.constant 0 : i32
      "tpu.region"() ({
        %run_scoped3A_93 = tpu.sem_alloc : memref<!tpu.dma_semaphore, #tpu.memory_space<semaphore_mem>>
        %dma_start3A_94 = arith.constant 0 : i32
        %dma_start3A_95 = tpu.memref_slice %arg6[%run_scoped3A_76, %dma_start3A_94] : memref<1x80xi32, #tpu.memory_space<vmem>> -> memref<1x80xi32, #tpu.memory_space<vmem>>
        %dma_start3A_96 = tpu.memref_squeeze %dma_start3A_95 : memref<1x80xi32, #tpu.memory_space<vmem>> -> memref<80xi32, #tpu.memory_space<vmem>>
        %dma_start3A_97 = tpu.memref_slice %arg3[%add3A_75] : memref<320000xi32, #tpu.memory_space<hbm>> -> memref<80xi32, #tpu.memory_space<hbm>>
        %dma_start3A_98 = arith.constant 0 : i32
        %dma_start3A_99 = tpu.memref_slice %arg6[%run_scoped3A_76, %dma_start3A_98] : memref<1x80xi32, #tpu.memory_space<vmem>> -> memref<1x80xi32, #tpu.memory_space<vmem>>
        %dma_start3A_100 = tpu.memref_squeeze %dma_start3A_99 : memref<1x80xi32, #tpu.memory_space<vmem>> -> memref<80xi32, #tpu.memory_space<vmem>>
        %dma_start3A_101 = tpu.memref_slice %arg3[%add3A_75] : memref<320000xi32, #tpu.memory_space<hbm>> -> memref<80xi32, #tpu.memory_space<hbm>>
        tpu.enqueue_dma source(%dma_start3A_101 : memref<80xi32, #tpu.memory_space<hbm>>) target(%dma_start3A_100 : memref<80xi32, #tpu.memory_space<vmem>>) target_semaphore(%run_scoped3A_93 : memref<!tpu.dma_semaphore, #tpu.memory_space<semaphore_mem>>)
        %dma_wait3A_102 = arith.constant 0 : i32
        %dma_wait3A_103 = tpu.memref_slice %arg6[%run_scoped3A_76, %dma_wait3A_102] : memref<1x80xi32, #tpu.memory_space<vmem>> -> memref<1x80xi32, #tpu.memory_space<vmem>>
        %dma_wait3A_104 = tpu.memref_squeeze %dma_wait3A_103 : memref<1x80xi32, #tpu.memory_space<vmem>> -> memref<80xi32, #tpu.memory_space<vmem>>
        %dma_wait3A_105 = tpu.memref_slice %arg3[%add3A_75] : memref<320000xi32, #tpu.memory_space<hbm>> -> memref<80xi32, #tpu.memory_space<hbm>>
        %dma_wait3A_106 = arith.constant 0 : i32
        %dma_wait3A_107 = tpu.memref_slice %arg6[%run_scoped3A_76, %dma_wait3A_106] : memref<1x80xi32, #tpu.memory_space<vmem>> -> memref<1x80xi32, #tpu.memory_space<vmem>>
        %dma_wait3A_108 = tpu.memref_squeeze %dma_wait3A_107 : memref<1x80xi32, #tpu.memory_space<vmem>> -> memref<80xi32, #tpu.memory_space<vmem>>
        %dma_wait3A_109 = tpu.memref_slice %arg3[%add3A_75] : memref<320000xi32, #tpu.memory_space<hbm>> -> memref<80xi32, #tpu.memory_space<hbm>>
        tpu.wait_dma2 semaphore(%run_scoped3A_93 : memref<!tpu.dma_semaphore, #tpu.memory_space<semaphore_mem>>) src(%dma_wait3A_109 : memref<80xi32, #tpu.memory_space<hbm>>) dst(%dma_wait3A_108 : memref<80xi32, #tpu.memory_space<vmem>>)
        tpu.yield
      }) : () -> ()
      %run_scoped3A_77 = arith.constant 0 : i32
      "tpu.region"() ({
        %run_scoped3A_93 = tpu.sem_alloc : memref<!tpu.dma_semaphore, #tpu.memory_space<semaphore_mem>>
        %dma_start3A_94 = arith.constant 0 : i32
        %dma_start3A_95 = tpu.memref_slice %arg7[%run_scoped3A_77, %dma_start3A_94] : memref<1x80xi32, #tpu.memory_space<vmem>> -> memref<1x80xi32, #tpu.memory_space<vmem>>
        %dma_start3A_96 = tpu.memref_squeeze %dma_start3A_95 : memref<1x80xi32, #tpu.memory_space<vmem>> -> memref<80xi32, #tpu.memory_space<vmem>>
        %dma_start3A_97 = tpu.memref_slice %arg4[%add3A_75] : memref<320000xi32, #tpu.memory_space<hbm>> -> memref<80xi32, #tpu.memory_space<hbm>>
        %dma_start3A_98 = arith.constant 0 : i32
        %dma_start3A_99 = tpu.memref_slice %arg7[%run_scoped3A_77, %dma_start3A_98] : memref<1x80xi32, #tpu.memory_space<vmem>> -> memref<1x80xi32, #tpu.memory_space<vmem>>
        %dma_start3A_100 = tpu.memref_squeeze %dma_start3A_99 : memref<1x80xi32, #tpu.memory_space<vmem>> -> memref<80xi32, #tpu.memory_space<vmem>>
        %dma_start3A_101 = tpu.memref_slice %arg4[%add3A_75] : memref<320000xi32, #tpu.memory_space<hbm>> -> memref<80xi32, #tpu.memory_space<hbm>>
        tpu.enqueue_dma source(%dma_start3A_101 : memref<80xi32, #tpu.memory_space<hbm>>) target(%dma_start3A_100 : memref<80xi32, #tpu.memory_space<vmem>>) target_semaphore(%run_scoped3A_93 : memref<!tpu.dma_semaphore, #tpu.memory_space<semaphore_mem>>)
        %dma_wait3A_102 = arith.constant 0 : i32
        %dma_wait3A_103 = tpu.memref_slice %arg7[%run_scoped3A_77, %dma_wait3A_102] : memref<1x80xi32, #tpu.memory_space<vmem>> -> memref<1x80xi32, #tpu.memory_space<vmem>>
        %dma_wait3A_104 = tpu.memref_squeeze %dma_wait3A_103 : memref<1x80xi32, #tpu.memory_space<vmem>> -> memref<80xi32, #tpu.memory_space<vmem>>
        %dma_wait3A_105 = tpu.memref_slice %arg4[%add3A_75] : memref<320000xi32, #tpu.memory_space<hbm>> -> memref<80xi32, #tpu.memory_space<hbm>>
        %dma_wait3A_106 = arith.constant 0 : i32
        %dma_wait3A_107 = tpu.memref_slice %arg7[%run_scoped3A_77, %dma_wait3A_106] : memref<1x80xi32, #tpu.memory_space<vmem>> -> memref<1x80xi32, #tpu.memory_space<vmem>>
        %dma_wait3A_108 = tpu.memref_squeeze %dma_wait3A_107 : memref<1x80xi32, #tpu.memory_space<vmem>> -> memref<80xi32, #tpu.memory_space<vmem>>
        %dma_wait3A_109 = tpu.memref_slice %arg4[%add3A_75] : memref<320000xi32, #tpu.memory_space<hbm>> -> memref<80xi32, #tpu.memory_space<hbm>>
        tpu.wait_dma2 semaphore(%run_scoped3A_93 : memref<!tpu.dma_semaphore, #tpu.memory_space<semaphore_mem>>) src(%dma_wait3A_109 : memref<80xi32, #tpu.memory_space<hbm>>) dst(%dma_wait3A_108 : memref<80xi32, #tpu.memory_space<vmem>>)
        tpu.yield
      }) : () -> ()
      %dma_start3A_78 = arith.constant 0 : i32
      %dma_start3A_79 = arith.constant 0 : i32
      %dma_start3A_80 = tpu.memref_slice %arg6[%dma_start3A_78, %dma_start3A_79] : memref<1x80xi32, #tpu.memory_space<vmem>> -> memref<1x80xi32, #tpu.memory_space<vmem>>
      %dma_start3A_81 = tpu.memref_squeeze %dma_start3A_80 : memref<1x80xi32, #tpu.memory_space<vmem>> -> memref<80xi32, #tpu.memory_space<vmem>>
      %dma_start3A_82 = arith.constant 0 : i32
      %dma_start3A_83 = arith.constant 0 : i32
      %dma_start3A_84 = tpu.memref_slice %arg2[%dma_start3A_82, %dma_start3A_83] : memref<10000x128xf32, #tpu.memory_space<hbm>> -> memref<10000x128xf32, #tpu.memory_space<hbm>>
      tpu.enqueue_indirect_dma source(%dma_start3A_84 : memref<10000x128xf32, #tpu.memory_space<hbm>>) target(%arg10 : memref<80x128xf32, #tpu.memory_space<vmem>>) offsets(%dma_start3A_81 : memref<80xi32, #tpu.memory_space<vmem>>) semaphore(%arg15 : memref<!tpu.dma_semaphore, #tpu.memory_space<semaphore_mem>>)
      %dma_wait3A_85 = arith.constant 0 : i32
      %dma_wait3A_86 = arith.constant 0 : i32
      %dma_wait3A_87 = tpu.memref_slice %arg8[%dma_wait3A_85, %dma_wait3A_86] : memref<1x80xi32, #tpu.memory_space<vmem>> -> memref<1x80xi32, #tpu.memory_space<vmem>>
      %dma_wait3A_88 = tpu.memref_squeeze %dma_wait3A_87 : memref<1x80xi32, #tpu.memory_space<vmem>> -> memref<80xi32, #tpu.memory_space<vmem>>
      %dma_wait3A_89 = arith.constant 0 : i32
      %dma_wait3A_90 = arith.constant 0 : i32
      %dma_wait3A_91 = tpu.memref_slice %arg2[%dma_wait3A_89, %dma_wait3A_90] : memref<10000x128xf32, #tpu.memory_space<hbm>> -> memref<10000x128xf32, #tpu.memory_space<hbm>>
      tpu.wait_indirect_dma semaphore(%arg16 : memref<!tpu.dma_semaphore, #tpu.memory_space<semaphore_mem>>) src(%dma_wait3A_91 : memref<10000x128xf32, #tpu.memory_space<hbm>>) dst(%arg11 : memref<80x128xf32, #tpu.memory_space<vmem>>)
      %run_scoped3A_92 = arith.constant 0 : i32
      "tpu.region"() ({
        %run_scoped3A_93 = tpu.sem_alloc : memref<!tpu.dma_semaphore, #tpu.memory_space<semaphore_mem>>
        %dma_start3A_94 = arith.constant 0 : i32
        %dma_start3A_95 = tpu.memref_slice %arg9[%run_scoped3A_92, %dma_start3A_94] : memref<1x80xi32, #tpu.memory_space<vmem>> -> memref<1x80xi32, #tpu.memory_space<vmem>>
        %dma_start3A_96 = tpu.memref_squeeze %dma_start3A_95 : memref<1x80xi32, #tpu.memory_space<vmem>> -> memref<80xi32, #tpu.memory_space<vmem>>
        %dma_start3A_97 = arith.constant 0 : i32
        %dma_start3A_98 = arith.constant 0 : i32
        %dma_start3A_99 = tpu.memref_slice %arg14[%dma_start3A_97, %dma_start3A_98] : memref<10240x128xf32, #tpu.memory_space<vmem_shared>> -> memref<10240x128xf32, #tpu.memory_space<vmem_shared>>
        tpu.enqueue_indirect_dma source(%arg11 : memref<80x128xf32, #tpu.memory_space<vmem>>) target(%dma_start3A_99 : memref<10240x128xf32, #tpu.memory_space<vmem_shared>>) offsets(%dma_start3A_96 : memref<80xi32, #tpu.memory_space<vmem>>) semaphore(%run_scoped3A_93 : memref<!tpu.dma_semaphore, #tpu.memory_space<semaphore_mem>>) {add = true}
        %dma_wait3A_100 = arith.constant 0 : i32
        %dma_wait3A_101 = tpu.memref_slice %arg9[%run_scoped3A_92, %dma_wait3A_100] : memref<1x80xi32, #tpu.memory_space<vmem>> -> memref<1x80xi32, #tpu.memory_space<vmem>>
        %dma_wait3A_102 = tpu.memref_squeeze %dma_wait3A_101 : memref<1x80xi32, #tpu.memory_space<vmem>> -> memref<80xi32, #tpu.memory_space<vmem>>
        %dma_wait3A_103 = arith.constant 0 : i32
        %dma_wait3A_104 = arith.constant 0 : i32
        %dma_wait3A_105 = tpu.memref_slice %arg14[%dma_wait3A_103, %dma_wait3A_104] : memref<10240x128xf32, #tpu.memory_space<vmem_shared>> -> memref<10240x128xf32, #tpu.memory_space<vmem_shared>>
        tpu.wait_indirect_dma semaphore(%run_scoped3A_93 : memref<!tpu.dma_semaphore, #tpu.memory_space<semaphore_mem>>) src(%arg11 : memref<80x128xf32, #tpu.memory_space<vmem>>) dst(%dma_wait3A_105 : memref<10240x128xf32, #tpu.memory_space<vmem_shared>>)
        tpu.yield
      }) : () -> ()
    }
    %scan3A_30 = arith.constant 62 : i32
    %dma_wait3A = arith.constant 0 : i32
    %dma_wait3A_31 = arith.constant 0 : i32
    %dma_wait3A_32 = tpu.memref_slice %arg6[%dma_wait3A, %dma_wait3A_31] : memref<1x80xi32, #tpu.memory_space<vmem>> -> memref<1x80xi32, #tpu.memory_space<vmem>>
    %dma_wait3A_33 = tpu.memref_squeeze %dma_wait3A_32 : memref<1x80xi32, #tpu.memory_space<vmem>> -> memref<80xi32, #tpu.memory_space<vmem>>
    %dma_wait3A_34 = arith.constant 0 : i32
    %dma_wait3A_35 = arith.constant 0 : i32
    %dma_wait3A_36 = tpu.memref_slice %arg2[%dma_wait3A_34, %dma_wait3A_35] : memref<10000x128xf32, #tpu.memory_space<hbm>> -> memref<10000x128xf32, #tpu.memory_space<hbm>>
    tpu.wait_indirect_dma semaphore(%arg15 : memref<!tpu.dma_semaphore, #tpu.memory_space<semaphore_mem>>) src(%dma_wait3A_36 : memref<10000x128xf32, #tpu.memory_space<hbm>>) dst(%arg10 : memref<80x128xf32, #tpu.memory_space<vmem>>)
    %run_scoped3A_37 = arith.constant 0 : i32
    "tpu.region"() ({
      %run_scoped3A_44 = tpu.sem_alloc : memref<!tpu.dma_semaphore, #tpu.memory_space<semaphore_mem>>
      %dma_start3A_45 = arith.constant 0 : i32
      %dma_start3A_46 = tpu.memref_slice %arg7[%run_scoped3A_37, %dma_start3A_45] : memref<1x80xi32, #tpu.memory_space<vmem>> -> memref<1x80xi32, #tpu.memory_space<vmem>>
      %dma_start3A_47 = tpu.memref_squeeze %dma_start3A_46 : memref<1x80xi32, #tpu.memory_space<vmem>> -> memref<80xi32, #tpu.memory_space<vmem>>
      %dma_start3A_48 = arith.constant 0 : i32
      %dma_start3A_49 = arith.constant 0 : i32
      %dma_start3A_50 = tpu.memref_slice %arg14[%dma_start3A_48, %dma_start3A_49] : memref<10240x128xf32, #tpu.memory_space<vmem_shared>> -> memref<10240x128xf32, #tpu.memory_space<vmem_shared>>
      tpu.enqueue_indirect_dma source(%arg10 : memref<80x128xf32, #tpu.memory_space<vmem>>) target(%dma_start3A_50 : memref<10240x128xf32, #tpu.memory_space<vmem_shared>>) offsets(%dma_start3A_47 : memref<80xi32, #tpu.memory_space<vmem>>) semaphore(%run_scoped3A_44 : memref<!tpu.dma_semaphore, #tpu.memory_space<semaphore_mem>>) {add = true}
      %dma_wait3A_51 = arith.constant 0 : i32
      %dma_wait3A_52 = tpu.memref_slice %arg7[%run_scoped3A_37, %dma_wait3A_51] : memref<1x80xi32, #tpu.memory_space<vmem>> -> memref<1x80xi32, #tpu.memory_space<vmem>>
      %dma_wait3A_53 = tpu.memref_squeeze %dma_wait3A_52 : memref<1x80xi32, #tpu.memory_space<vmem>> -> memref<80xi32, #tpu.memory_space<vmem>>
      %dma_wait3A_54 = arith.constant 0 : i32
      %dma_wait3A_55 = arith.constant 0 : i32
      %dma_wait3A_56 = tpu.memref_slice %arg14[%dma_wait3A_54, %dma_wait3A_55] : memref<10240x128xf32, #tpu.memory_space<vmem_shared>> -> memref<10240x128xf32, #tpu.memory_space<vmem_shared>>
      tpu.wait_indirect_dma semaphore(%run_scoped3A_44 : memref<!tpu.dma_semaphore, #tpu.memory_space<semaphore_mem>>) src(%arg10 : memref<80x128xf32, #tpu.memory_space<vmem>>) dst(%dma_wait3A_56 : memref<10240x128xf32, #tpu.memory_space<vmem_shared>>)
      tpu.yield
    }) : () -> ()
    %barrier3A_38 = arith.constant 0 : index
    tpu.barrier barrier_id(%barrier3A_38)
    %scan3A_39 = arith.constant 0 : i32
    %scan3A_40 = arith.constant 8 : i32
    %scan3A_41 = arith.addi %scan3A_39, %scan3A_40 : i32
    %scan3A_42 = arith.constant 1 : i32
    scf.for %scan3A_44 = %scan3A_39 to %scan3A_41 step %scan3A_42  : i32 {
      %mul3A_45 = arith.constant 1 : i32
      %mul3A_46 = arith.muli %scan3A_44, %mul3A_45 : i32
      %add3A_47 = arith.constant 0 : i32
      %add3A_48 = arith.addi %add3A_47, %mul3A_46 : i32
      %dma_start3A_49 = arith.constant 0 : i32
      %dma_start3A_50 = tpu.memref_slice %arg13[%add3A_48, %dma_start3A_49] : memref<8x80xi32, #tpu.memory_space<vmem>> -> memref<1x80xi32, #tpu.memory_space<vmem>>
      %dma_start3A_51 = tpu.memref_squeeze %dma_start3A_50 : memref<1x80xi32, #tpu.memory_space<vmem>> -> memref<80xi32, #tpu.memory_space<vmem>>
      %dma_start3A_52 = arith.constant 0 : i32
      %dma_start3A_53 = arith.constant 0 : i32
      %dma_start3A_54 = tpu.memref_slice %arg14[%dma_start3A_52, %dma_start3A_53] : memref<10240x128xf32, #tpu.memory_space<vmem_shared>> -> memref<10240x128xf32, #tpu.memory_space<vmem_shared>>
      tpu.enqueue_indirect_dma source(%dma_start3A_54 : memref<10240x128xf32, #tpu.memory_space<vmem_shared>>) target(%arg12 : memref<80x128xf32, #tpu.memory_space<vmem>>) offsets(%dma_start3A_51 : memref<80xi32, #tpu.memory_space<vmem>>) semaphore(%arg15 : memref<!tpu.dma_semaphore, #tpu.memory_space<semaphore_mem>>)
      %dma_wait3A_55 = arith.constant 0 : i32
      %dma_wait3A_56 = tpu.memref_slice %arg13[%add3A_48, %dma_wait3A_55] : memref<8x80xi32, #tpu.memory_space<vmem>> -> memref<1x80xi32, #tpu.memory_space<vmem>>
      %dma_wait3A_57 = tpu.memref_squeeze %dma_wait3A_56 : memref<1x80xi32, #tpu.memory_space<vmem>> -> memref<80xi32, #tpu.memory_space<vmem>>
      %dma_wait3A_58 = arith.constant 0 : i32
      %dma_wait3A_59 = arith.constant 0 : i32
      %dma_wait3A_60 = tpu.memref_slice %arg14[%dma_wait3A_58, %dma_wait3A_59] : memref<10240x128xf32, #tpu.memory_space<vmem_shared>> -> memref<10240x128xf32, #tpu.memory_space<vmem_shared>>
      tpu.wait_indirect_dma semaphore(%arg15 : memref<!tpu.dma_semaphore, #tpu.memory_space<semaphore_mem>>) src(%dma_wait3A_60 : memref<10240x128xf32, #tpu.memory_space<vmem_shared>>) dst(%arg12 : memref<80x128xf32, #tpu.memory_space<vmem>>)
      %mul3A_61 = arith.constant 80 : i32
      %mul3A_62 = arith.muli %add3A_48, %mul3A_61 : i32
      %add3A_63 = arith.addi %mul3A_2, %mul3A_62 : i32
      "tpu.region"() ({
        %run_scoped3A_64 = tpu.sem_alloc : memref<!tpu.dma_semaphore, #tpu.memory_space<semaphore_mem>>
        %dma_start3A_65 = arith.constant 0 : i32
        %dma_start3A_66 = tpu.memref_slice %arg5[%arg0, %add3A_63, %dma_start3A_65] : memref<2x10240x128xf32, #tpu.memory_space<hbm>> -> memref<1x80x128xf32, #tpu.memory_space<hbm>>
        %dma_start3A_67 = tpu.memref_squeeze %dma_start3A_66 : memref<1x80x128xf32, #tpu.memory_space<hbm>> -> memref<80x128xf32, #tpu.memory_space<hbm>>
        %dma_start3A_68 = arith.constant 0 : i32
        %dma_start3A_69 = tpu.memref_slice %arg5[%arg0, %add3A_63, %dma_start3A_68] : memref<2x10240x128xf32, #tpu.memory_space<hbm>> -> memref<1x80x128xf32, #tpu.memory_space<hbm>>
        %dma_start3A_70 = tpu.memref_squeeze %dma_start3A_69 : memref<1x80x128xf32, #tpu.memory_space<hbm>> -> memref<80x128xf32, #tpu.memory_space<hbm>>
        tpu.enqueue_dma source(%arg12 : memref<80x128xf32, #tpu.memory_space<vmem>>) target(%dma_start3A_70 : memref<80x128xf32, #tpu.memory_space<hbm>>) target_semaphore(%run_scoped3A_64 : memref<!tpu.dma_semaphore, #tpu.memory_space<semaphore_mem>>)
        %dma_wait3A_71 = arith.constant 0 : i32
        %dma_wait3A_72 = tpu.memref_slice %arg5[%arg0, %add3A_63, %dma_wait3A_71] : memref<2x10240x128xf32, #tpu.memory_space<hbm>> -> memref<1x80x128xf32, #tpu.memory_space<hbm>>
        %dma_wait3A_73 = tpu.memref_squeeze %dma_wait3A_72 : memref<1x80x128xf32, #tpu.memory_space<hbm>> -> memref<80x128xf32, #tpu.memory_space<hbm>>
        %dma_wait3A_74 = arith.constant 0 : i32
        %dma_wait3A_75 = tpu.memref_slice %arg5[%arg0, %add3A_63, %dma_wait3A_74] : memref<2x10240x128xf32, #tpu.memory_space<hbm>> -> memref<1x80x128xf32, #tpu.memory_space<hbm>>
        %dma_wait3A_76 = tpu.memref_squeeze %dma_wait3A_75 : memref<1x80x128xf32, #tpu.memory_space<hbm>> -> memref<80x128xf32, #tpu.memory_space<hbm>>
        tpu.wait_dma2 semaphore(%run_scoped3A_64 : memref<!tpu.dma_semaphore, #tpu.memory_space<semaphore_mem>>) src(%arg12 : memref<80x128xf32, #tpu.memory_space<vmem>>) dst(%dma_wait3A_76 : memref<80x128xf32, #tpu.memory_space<hbm>>)
        tpu.yield
      }) : () -> ()
    }
    %scan3A_43 = arith.constant 8 : i32
    return
  }
}

module attributes {stable_mosaic.version = 14 : i64} {
  func.func @_norms_body(%arg0: i32, %arg1: memref<2x16x10240xf32, #tpu.memory_space<vmem>>, %arg2: memref<2x16x10240xf32, #tpu.memory_space<vmem>>, %arg3: memref<10240x1xf32, #tpu.memory_space<vmem>>, %arg4: memref<10240x1xf32, #tpu.memory_space<vmem>>) attributes {dimension_semantics = [#tpu.dimension_semantics<arbitrary>], iteration_bounds = array<i64: 1>, scalar_prefetch = 0 : i64, scratch_operands = 0 : i64, tpu.core_type = #tpu.core_type<tc>, window_params = [{pipeline_mode = #tpu.pipeline_mode<synchronous>, transform_indices = @transform_0, window_bounds = array<i64: 2, 16, 10240>}, {pipeline_mode = #tpu.pipeline_mode<synchronous>, transform_indices = @transform_1, window_bounds = array<i64: 2, 16, 10240>}, {pipeline_mode = #tpu.pipeline_mode<synchronous>, transform_indices = @transform_2, window_bounds = array<i64: 10240, 1>}, {pipeline_mode = #tpu.pipeline_mode<synchronous>, transform_indices = @transform_3, window_bounds = array<i64: 10240, 1>}]} {
    %get3A = arith.constant 0 : index
    %get3A_0 = arith.constant 0 : index
    %get3A_1 = arith.constant 0 : index
    %get3A_2 = vector.load %arg1[%get3A, %get3A_0, %get3A_1] : memref<2x16x10240xf32, #tpu.memory_space<vmem>>, vector<2x16x10240xf32>
    %reduce_sum3A = arith.constant dense<0.000000e+00> : vector<10240xf32>
    %reduce_sum3A_3 = vector.multi_reduction <add>, %get3A_2, %reduce_sum3A [0, 1] : vector<2x16x10240xf32> to vector<10240xf32>
    %get3A_4 = arith.constant 0 : index
    %get3A_5 = arith.constant 0 : index
    %get3A_6 = arith.constant 0 : index
    %get3A_7 = vector.load %arg2[%get3A_4, %get3A_5, %get3A_6] : memref<2x16x10240xf32, #tpu.memory_space<vmem>>, vector<2x16x10240xf32>
    %reduce_sum3A_8 = arith.constant dense<0.000000e+00> : vector<10240xf32>
    %reduce_sum3A_9 = vector.multi_reduction <add>, %get3A_7, %reduce_sum3A_8 [0, 1] : vector<2x16x10240xf32> to vector<10240xf32>
    %gt3A = arith.constant 0.000000e+00 : f32
    %gt3A_10 = vector.broadcast %gt3A : f32 to vector<10240xf32>
    %gt3A_11 = arith.cmpf ogt, %reduce_sum3A_3, %gt3A_10 : vector<10240xf32>
    %rsqrt3A = math.rsqrt %reduce_sum3A_3 : vector<10240xf32>
    %jit3A = arith.constant 0.000000e+00 : f32
    %broadcast_in_dim3A = vector.broadcast %jit3A : f32 to vector<10240xf32>
    %select_n3A = arith.select %gt3A_11, %rsqrt3A, %broadcast_in_dim3A : vector<10240xi1>, vector<10240xf32>
    %broadcast_in_dim3A_12 = vector.shape_cast %select_n3A : vector<10240xf32> to vector<10240x1xf32>
    %swap3A = arith.constant 0 : index
    %swap3A_13 = arith.constant 0 : index
    %swap3A_14 = vector.load %arg3[%swap3A, %swap3A_13] : memref<10240x1xf32, #tpu.memory_space<vmem>>, vector<10240x1xf32>
    tpu.vector_store %arg3[%swap3A, %swap3A_13], %broadcast_in_dim3A_12 {strides = array<i32>} : memref<10240x1xf32, #tpu.memory_space<vmem>>, vector<10240x1xf32>,
    %gt3A_15 = arith.constant 0.000000e+00 : f32
    %gt3A_16 = vector.broadcast %gt3A_15 : f32 to vector<10240xf32>
    %gt3A_17 = arith.cmpf ogt, %reduce_sum3A_9, %gt3A_16 : vector<10240xf32>
    %rsqrt3A_18 = math.rsqrt %reduce_sum3A_9 : vector<10240xf32>
    %jit3A_19 = arith.constant 0.000000e+00 : f32
    %broadcast_in_dim3A_20 = vector.broadcast %jit3A_19 : f32 to vector<10240xf32>
    %select_n3A_21 = arith.select %gt3A_17, %rsqrt3A_18, %broadcast_in_dim3A_20 : vector<10240xi1>, vector<10240xf32>
    %broadcast_in_dim3A_22 = vector.shape_cast %select_n3A_21 : vector<10240xf32> to vector<10240x1xf32>
    %swap3A_23 = arith.constant 0 : index
    %swap3A_24 = arith.constant 0 : index
    %swap3A_25 = vector.load %arg4[%swap3A_23, %swap3A_24] : memref<10240x1xf32, #tpu.memory_space<vmem>>, vector<10240x1xf32>
    tpu.vector_store %arg4[%swap3A_23, %swap3A_24], %broadcast_in_dim3A_22 {strides = array<i32>} : memref<10240x1xf32, #tpu.memory_space<vmem>>, vector<10240x1xf32>,
    return
  }
  func.func @transform_0(%arg0: i32) -> (i32, i32, i32) {
    %c0_i32 = arith.constant 0 : i32
    %c0_i32_0 = arith.constant 0 : i32
    %c0_i32_1 = arith.constant 0 : i32
    %c0_i32_2 = arith.constant 0 : i32
    return %c0_i32, %c0_i32_0, %c0_i32_1 : i32, i32, i32
  }
  func.func @transform_1(%arg0: i32) -> (i32, i32, i32) {
    %c0_i32 = arith.constant 0 : i32
    %c0_i32_0 = arith.constant 0 : i32
    %c0_i32_1 = arith.constant 0 : i32
    %c0_i32_2 = arith.constant 0 : i32
    return %c0_i32, %c0_i32_0, %c0_i32_1 : i32, i32, i32
  }
  func.func @transform_2(%arg0: i32) -> (i32, i32) {
    %c0_i32 = arith.constant 0 : i32
    %c0_i32_0 = arith.constant 0 : i32
    %c0_i32_1 = arith.constant 0 : i32
    return %c0_i32, %c0_i32_0 : i32, i32
  }
  func.func @transform_3(%arg0: i32) -> (i32, i32) {
    %c0_i32 = arith.constant 0 : i32
    %c0_i32_0 = arith.constant 0 : i32
    %c0_i32_1 = arith.constant 0 : i32
    return %c0_i32, %c0_i32_0 : i32, i32
  }
}

module attributes {stable_mosaic.version = 14 : i64} {
  func.func @_mm1_body(%arg0: i32, %arg1: memref<1000x128xf32, #tpu.memory_space<vmem>>, %arg2: memref<128x128xf32, #tpu.memory_space<vmem>>, %arg3: memref<1000x128xf32, #tpu.memory_space<vmem>>) attributes {dimension_semantics = [#tpu.dimension_semantics<arbitrary>], iteration_bounds = array<i64: 10>, scalar_prefetch = 0 : i64, scratch_operands = 0 : i64, tpu.core_type = #tpu.core_type<tc>, window_params = [{transform_indices = @transform_0, window_bounds = array<i64: 1000, 128>}, {pipeline_mode = #tpu.pipeline_mode<synchronous>, transform_indices = @transform_1, window_bounds = array<i64: 128, 128>}, {transform_indices = @transform_2, window_bounds = array<i64: 1000, 128>}]} {
    %get3A = arith.constant 0 : index
    %get3A_0 = arith.constant 0 : index
    %get3A_1 = vector.load %arg1[%get3A, %get3A_0] : memref<1000x128xf32, #tpu.memory_space<vmem>>, vector<1000x128xf32>
    %get3A_2 = arith.constant 0 : index
    %get3A_3 = arith.constant 0 : index
    %get3A_4 = vector.load %arg2[%get3A_2, %get3A_3] : memref<128x128xf32, #tpu.memory_space<vmem>>, vector<128x128xf32>
    %dot_general3A = arith.constant dense<0.000000e+00> : vector<1000x128xf32>
    %dot_general3A_5 = tpu.matmul %get3A_1, %get3A_4, %dot_general3A {dimension_numbers = #tpu.dot_dimension_numbers<[1], [0], [0], [1], [0, 0, 1, 1], [], []>, transpose_lhs_hint = false} : vector<1000x128xf32>, vector<128x128xf32>, vector<1000x128xf32> -> vector<1000x128xf32>
    %swap3A = arith.constant 0 : index
    %swap3A_6 = arith.constant 0 : index
    %swap3A_7 = vector.load %arg3[%swap3A, %swap3A_6] : memref<1000x128xf32, #tpu.memory_space<vmem>>, vector<1000x128xf32>
    tpu.vector_store %arg3[%swap3A, %swap3A_6], %dot_general3A_5 {strides = array<i32>} : memref<1000x128xf32, #tpu.memory_space<vmem>>, vector<1000x128xf32>,
    return
  }
  func.func @transform_0(%arg0: i32) -> (i32, i32) {
    %c0_i32 = arith.constant 0 : i32
    %c0_i32_0 = arith.constant 0 : i32
    return %arg0, %c0_i32 : i32, i32
  }
  func.func @transform_1(%arg0: i32) -> (i32, i32) {
    %c0_i32 = arith.constant 0 : i32
    %c0_i32_0 = arith.constant 0 : i32
    %c0_i32_1 = arith.constant 0 : i32
    return %c0_i32, %c0_i32_0 : i32, i32
  }
  func.func @transform_2(%arg0: i32) -> (i32, i32) {
    %c0_i32 = arith.constant 0 : i32
    %c0_i32_0 = arith.constant 0 : i32
    return %arg0, %c0_i32 : i32, i32
  }
}

module attributes {stable_mosaic.version = 14 : i64} {
  func.func @_scale_body(%arg0: i32, %arg1: memref<1000x128xf32, #tpu.memory_space<vmem>>, %arg2: memref<1000x1xf32, #tpu.memory_space<vmem>>, %arg3: memref<1000x128xf32, #tpu.memory_space<vmem>>) attributes {dimension_semantics = [#tpu.dimension_semantics<arbitrary>], iteration_bounds = array<i64: 10>, scalar_prefetch = 0 : i64, scratch_operands = 0 : i64, tpu.core_type = #tpu.core_type<tc>, window_params = [{transform_indices = @transform_0, window_bounds = array<i64: 1000, 128>}, {transform_indices = @transform_1, window_bounds = array<i64: 1000, 1>}, {transform_indices = @transform_2, window_bounds = array<i64: 1000, 128>}]} {
    %get3A = arith.constant 0 : index
    %get3A_0 = arith.constant 0 : index
    %get3A_1 = vector.load %arg1[%get3A, %get3A_0] : memref<1000x128xf32, #tpu.memory_space<vmem>>, vector<1000x128xf32>
    %get3A_2 = arith.constant 0 : index
    %get3A_3 = arith.constant 0 : index
    %get3A_4 = vector.load %arg2[%get3A_2, %get3A_3] : memref<1000x1xf32, #tpu.memory_space<vmem>>, vector<1000x1xf32>
    %mul3A = vector.broadcast %get3A_4 : vector<1000x1xf32> to vector<1000x128xf32>
    %mul3A_5 = arith.mulf %get3A_1, %mul3A : vector<1000x128xf32>
    %swap3A = arith.constant 0 : index
    %swap3A_6 = arith.constant 0 : index
    %swap3A_7 = vector.load %arg3[%swap3A, %swap3A_6] : memref<1000x128xf32, #tpu.memory_space<vmem>>, vector<1000x128xf32>
    tpu.vector_store %arg3[%swap3A, %swap3A_6], %mul3A_5 {strides = array<i32>} : memref<1000x128xf32, #tpu.memory_space<vmem>>, vector<1000x128xf32>,
    return
  }
  func.func @transform_0(%arg0: i32) -> (i32, i32) {
    %c0_i32 = arith.constant 0 : i32
    %c0_i32_0 = arith.constant 0 : i32
    return %arg0, %c0_i32 : i32, i32
  }
  func.func @transform_1(%arg0: i32) -> (i32, i32) {
    %c0_i32 = arith.constant 0 : i32
    %c0_i32_0 = arith.constant 0 : i32
    return %arg0, %c0_i32 : i32, i32
  }
  func.func @transform_2(%arg0: i32) -> (i32, i32) {
    %c0_i32 = arith.constant 0 : i32
    %c0_i32_0 = arith.constant 0 : i32
    return %arg0, %c0_i32 : i32, i32
  }
}

module attributes {stable_mosaic.version = 14 : i64} {
  func.func @_mid_body(%arg0: i32, %arg1: memref<2x1000x128xf32, #tpu.memory_space<vmem>>, %arg2: memref<1000x1xf32, #tpu.memory_space<vmem>>, %arg3: memref<1000x1xf32, #tpu.memory_space<vmem>>, %arg4: memref<128xf32, #tpu.memory_space<vmem>>, %arg5: memref<1000x128xf32, #tpu.memory_space<vmem>>) attributes {dimension_semantics = [#tpu.dimension_semantics<arbitrary>], iteration_bounds = array<i64: 10>, scalar_prefetch = 0 : i64, scratch_operands = 0 : i64, tpu.core_type = #tpu.core_type<tc>, window_params = [{transform_indices = @transform_0, window_bounds = array<i64: 2, 1000, 128>}, {transform_indices = @transform_1, window_bounds = array<i64: 1000, 1>}, {transform_indices = @transform_2, window_bounds = array<i64: 1000, 1>}, {pipeline_mode = #tpu.pipeline_mode<synchronous>, transform_indices = @transform_3, window_bounds = array<i64: 128>}, {transform_indices = @transform_4, window_bounds = array<i64: 1000, 128>}]} {
    %get3A = arith.constant 0 : index
    %get3A_0 = arith.constant 0 : index
    %get3A_1 = arith.constant 0 : index
    %get3A_2 = vector.load %arg1[%get3A, %get3A_0, %get3A_1] : memref<2x1000x128xf32, #tpu.memory_space<vmem>>, vector<2x1000x128xf32>
    %slice3A = vector.extract_strided_slice %get3A_2 {offsets = [0, 0, 0], sizes = [1, 1000, 128], strides = [1, 1, 1]} : vector<2x1000x128xf32> to vector<1x1000x128xf32>
    %squeeze3A = vector.shape_cast %slice3A : vector<1x1000x128xf32> to vector<1000x128xf32>
    %slice3A_3 = vector.extract_strided_slice %get3A_2 {offsets = [1, 0, 0], sizes = [1, 1000, 128], strides = [1, 1, 1]} : vector<2x1000x128xf32> to vector<1x1000x128xf32>
    %squeeze3A_4 = vector.shape_cast %slice3A_3 : vector<1x1000x128xf32> to vector<1000x128xf32>
    %add3A = arith.addf %squeeze3A, %squeeze3A_4 : vector<1000x128xf32>
    %get3A_5 = arith.constant 0 : index
    %get3A_6 = arith.constant 0 : index
    %get3A_7 = vector.load %arg2[%get3A_5, %get3A_6] : memref<1000x1xf32, #tpu.memory_space<vmem>>, vector<1000x1xf32>
    %mul3A = vector.broadcast %get3A_7 : vector<1000x1xf32> to vector<1000x128xf32>
    %mul3A_8 = arith.mulf %add3A, %mul3A : vector<1000x128xf32>
    %get3A_9 = arith.constant 0 : index
    %get3A_10 = vector.load %arg4[%get3A_9] : memref<128xf32, #tpu.memory_space<vmem>>, vector<128xf32>
    %broadcast_in_dim3A = vector.shape_cast %get3A_10 : vector<128xf32> to vector<1x128xf32>
    %add3A_11 = vector.broadcast %broadcast_in_dim3A : vector<1x128xf32> to vector<1000x128xf32>
    %add3A_12 = arith.addf %mul3A_8, %add3A_11 : vector<1000x128xf32>
    %max3A = arith.constant 0.000000e+00 : f32
    %max3A_13 = vector.broadcast %max3A : f32 to vector<1000x128xf32>
    %max3A_14 = arith.maximumf %add3A_12, %max3A_13 : vector<1000x128xf32>
    %get3A_15 = arith.constant 0 : index
    %get3A_16 = arith.constant 0 : index
    %get3A_17 = vector.load %arg3[%get3A_15, %get3A_16] : memref<1000x1xf32, #tpu.memory_space<vmem>>, vector<1000x1xf32>
    %mul3A_18 = vector.broadcast %get3A_17 : vector<1000x1xf32> to vector<1000x128xf32>
    %mul3A_19 = arith.mulf %max3A_14, %mul3A_18 : vector<1000x128xf32>
    %swap3A = arith.constant 0 : index
    %swap3A_20 = arith.constant 0 : index
    %swap3A_21 = vector.load %arg5[%swap3A, %swap3A_20] : memref<1000x128xf32, #tpu.memory_space<vmem>>, vector<1000x128xf32>
    tpu.vector_store %arg5[%swap3A, %swap3A_20], %mul3A_19 {strides = array<i32>} : memref<1000x128xf32, #tpu.memory_space<vmem>>, vector<1000x128xf32>,
    return
  }
  func.func @transform_0(%arg0: i32) -> (i32, i32, i32) {
    %c0_i32 = arith.constant 0 : i32
    %c0_i32_0 = arith.constant 0 : i32
    %c0_i32_1 = arith.constant 0 : i32
    return %c0_i32, %arg0, %c0_i32_0 : i32, i32, i32
  }
  func.func @transform_1(%arg0: i32) -> (i32, i32) {
    %c0_i32 = arith.constant 0 : i32
    %c0_i32_0 = arith.constant 0 : i32
    return %arg0, %c0_i32 : i32, i32
  }
  func.func @transform_2(%arg0: i32) -> (i32, i32) {
    %c0_i32 = arith.constant 0 : i32
    %c0_i32_0 = arith.constant 0 : i32
    return %arg0, %c0_i32 : i32, i32
  }
  func.func @transform_3(%arg0: i32) -> i32 {
    %c0_i32 = arith.constant 0 : i32
    %c0_i32_0 = arith.constant 0 : i32
    return %c0_i32 : i32
  }
  func.func @transform_4(%arg0: i32) -> (i32, i32) {
    %c0_i32 = arith.constant 0 : i32
    %c0_i32_0 = arith.constant 0 : i32
    return %arg0, %c0_i32 : i32, i32
  }
}

module attributes {stable_mosaic.version = 14 : i64} {
  func.func @_fin_body(%arg0: i32, %arg1: memref<2x1000x128xf32, #tpu.memory_space<vmem>>, %arg2: memref<1000x1xf32, #tpu.memory_space<vmem>>, %arg3: memref<128x16xf32, #tpu.memory_space<vmem>>, %arg4: memref<16xf32, #tpu.memory_space<vmem>>, %arg5: memref<1000x16xf32, #tpu.memory_space<vmem>>) attributes {dimension_semantics = [#tpu.dimension_semantics<arbitrary>], iteration_bounds = array<i64: 10>, scalar_prefetch = 0 : i64, scratch_operands = 0 : i64, tpu.core_type = #tpu.core_type<tc>, window_params = [{transform_indices = @transform_0, window_bounds = array<i64: 2, 1000, 128>}, {transform_indices = @transform_1, window_bounds = array<i64: 1000, 1>}, {pipeline_mode = #tpu.pipeline_mode<synchronous>, transform_indices = @transform_2, window_bounds = array<i64: 128, 16>}, {pipeline_mode = #tpu.pipeline_mode<synchronous>, transform_indices = @transform_3, window_bounds = array<i64: 16>}, {transform_indices = @transform_4, window_bounds = array<i64: 1000, 16>}]} {
    %get3A = arith.constant 0 : index
    %get3A_0 = arith.constant 0 : index
    %get3A_1 = arith.constant 0 : index
    %get3A_2 = vector.load %arg1[%get3A, %get3A_0, %get3A_1] : memref<2x1000x128xf32, #tpu.memory_space<vmem>>, vector<2x1000x128xf32>
    %slice3A = vector.extract_strided_slice %get3A_2 {offsets = [0, 0, 0], sizes = [1, 1000, 128], strides = [1, 1, 1]} : vector<2x1000x128xf32> to vector<1x1000x128xf32>
    %squeeze3A = vector.shape_cast %slice3A : vector<1x1000x128xf32> to vector<1000x128xf32>
    %slice3A_3 = vector.extract_strided_slice %get3A_2 {offsets = [1, 0, 0], sizes = [1, 1000, 128], strides = [1, 1, 1]} : vector<2x1000x128xf32> to vector<1x1000x128xf32>
    %squeeze3A_4 = vector.shape_cast %slice3A_3 : vector<1x1000x128xf32> to vector<1000x128xf32>
    %add3A = arith.addf %squeeze3A, %squeeze3A_4 : vector<1000x128xf32>
    %get3A_5 = arith.constant 0 : index
    %get3A_6 = arith.constant 0 : index
    %get3A_7 = vector.load %arg2[%get3A_5, %get3A_6] : memref<1000x1xf32, #tpu.memory_space<vmem>>, vector<1000x1xf32>
    %mul3A = vector.broadcast %get3A_7 : vector<1000x1xf32> to vector<1000x128xf32>
    %mul3A_8 = arith.mulf %add3A, %mul3A : vector<1000x128xf32>
    %get3A_9 = arith.constant 0 : index
    %get3A_10 = arith.constant 0 : index
    %get3A_11 = vector.load %arg3[%get3A_9, %get3A_10] : memref<128x16xf32, #tpu.memory_space<vmem>>, vector<128x16xf32>
    %dot_general3A = arith.constant dense<0.000000e+00> : vector<1000x16xf32>
    %dot_general3A_12 = tpu.matmul %mul3A_8, %get3A_11, %dot_general3A {dimension_numbers = #tpu.dot_dimension_numbers<[1], [0], [0], [1], [0, 0, 1, 1], [], []>, transpose_lhs_hint = false} : vector<1000x128xf32>, vector<128x16xf32>, vector<1000x16xf32> -> vector<1000x16xf32>
    %get3A_13 = arith.constant 0 : index
    %get3A_14 = vector.load %arg4[%get3A_13] : memref<16xf32, #tpu.memory_space<vmem>>, vector<16xf32>
    %broadcast_in_dim3A = vector.shape_cast %get3A_14 : vector<16xf32> to vector<1x16xf32>
    %add3A_15 = vector.broadcast %broadcast_in_dim3A : vector<1x16xf32> to vector<1000x16xf32>
    %add3A_16 = arith.addf %dot_general3A_12, %add3A_15 : vector<1000x16xf32>
    %swap3A = arith.constant 0 : index
    %swap3A_17 = arith.constant 0 : index
    %swap3A_18 = vector.load %arg5[%swap3A, %swap3A_17] : memref<1000x16xf32, #tpu.memory_space<vmem>>, vector<1000x16xf32>
    tpu.vector_store %arg5[%swap3A, %swap3A_17], %add3A_16 {strides = array<i32>} : memref<1000x16xf32, #tpu.memory_space<vmem>>, vector<1000x16xf32>,
    return
  }
  func.func @transform_0(%arg0: i32) -> (i32, i32, i32) {
    %c0_i32 = arith.constant 0 : i32
    %c0_i32_0 = arith.constant 0 : i32
    %c0_i32_1 = arith.constant 0 : i32
    return %c0_i32, %arg0, %c0_i32_0 : i32, i32, i32
  }
  func.func @transform_1(%arg0: i32) -> (i32, i32) {
    %c0_i32 = arith.constant 0 : i32
    %c0_i32_0 = arith.constant 0 : i32
    return %arg0, %c0_i32 : i32, i32
  }
  func.func @transform_2(%arg0: i32) -> (i32, i32) {
    %c0_i32 = arith.constant 0 : i32
    %c0_i32_0 = arith.constant 0 : i32
    %c0_i32_1 = arith.constant 0 : i32
    return %c0_i32, %c0_i32_0 : i32, i32
  }
  func.func @transform_3(%arg0: i32) -> i32 {
    %c0_i32 = arith.constant 0 : i32
    %c0_i32_0 = arith.constant 0 : i32
    return %c0_i32 : i32
  }
  func.func @transform_4(%arg0: i32) -> (i32, i32) {
    %c0_i32 = arith.constant 0 : i32
    %c0_i32_0 = arith.constant 0 : i32
    return %arg0, %c0_i32 : i32, i32
  }
}

</mosaic_0001>

<sc_bundles>
// kernel: kernel.10.cloned.1.call-start
scs
__scs_entry_jumppad:
0x0: {  	(pc) =	sbr.rel $0x88, $3  }
0x1: {  	(tag) =	ssettag $0x0;
	lr =	simm.s32 $0x1  }
0x2: {  	[smem:$0x3F9B] =	sst lr;
	_ =	strace $0xD0000000  }
0x3: {  	_ = 	snop  }
0x4: {  	_ = 	snop  }
0x5: {  	_ = 	snop  }
0x6: {  	_ = 	snop  }
0x7: {  	_ = 	snop  }
__scs_overlays_trampoline_lowered:
0x8: {  	[smem:$0x3FAA] =	sst s0  }
0x9: {  	[smem:$0x3FAB] =	sst s1  }
0xa: {  	[smem:$0x3FAC] =	sst s2  }
0xb: {  	[smem:$0x3FAD] =	sst s3  }
0xc: {  	[smem:$0x3FAE] =	sst s4  }
0xd: {  	[smem:$0x3FAF] =	sst s5  }
0xe: {  	[smem:$0x3FB0] =	sst s6  }
0xf: {  	[smem:$0x3FB1] =	sst s7  }
0x10: {  	[smem:$0x3FB2] =	sst s8  }
0x11: {  	[smem:$0x3FB3] =	sst s9;
	s0 =	simm.s32 @!p0 $0x0  }
0x12: {  	s1 =	sld [smem:$0x3F99];
	s0 =	simm.s32 @p0 $0x1  }
0x13: {  	[smem:$0x3FB4] =	sst s0;
	s0 =	simm.s32 @!p1 $0x0  }
0x14: {  	s2 =	sld [smem:$0x3F98];
	s0 =	simm.s32 @p1 $0x1  }
0x15: {  	[smem:$0x3FB5] =	sst s0;
	s0 =	simm.s32 @!p2 $0x0  }
0x16: {  	s3 =	sld [smem:$0x3FDB];
	s0 =	simm.s32 @p2 $0x1  }
0x17: {  	s4 =	simm.s32 $0x1BF5;
	[smem:$0x3FB7] =	sst s0  }
0x18: {  	s0 =	sld [smem:$0x3F9A];
	_ =	swait.ge [sflag:s4], $0x0  }
0x19: {  	s7 =	sld [smem:$0x3F9B]  }
0x1a: {  	s8 =	sadd.s32 $0xFFFFE003, lr  }
0x1b: {  	s9 =	sadd.s32 $0xFFFFFEF7, lr;
	s5 =	simm.s32 $0xFFFFFFFF;
	p2 =	slt.u32 s8, $0xFFFFF086  }
0x1c: {  	p1 =	slt.u32 s9, $0xF7A;
	s5 =	simm.s32 @!p2 $0x0  }
0x1d: {  	s5 =	simm.s32 @p1 $0x1;
	p0 =	seq.s32 s7, s2  }
0x1e: {  	s7 =	smul.u32 @!p0 $0xF7A, s2;
	p2 =	seq.s32 @!p0 s5, $0x0  }
0x1f: {  	s9 =	smul.u32 $0xF7A, s1;
	s8 =	simm.s32 @!p0 $0x1BF5;
	p2 =	por !p2, p0  }
0x20: {  	[sflag:s8] =	ssyncset.s32 @!p0 $0xFFFFF086;
	s6 =	sadd.s32 @!p0 s3, s7;
	s7 =	simm.s32 @!p0 $0x108  }
0x21: {  	s3 =	sadd.s32 s3, s9;
	s6 =	sadd.s32 @!p0 $0x88, s6;
	s7 =	simm.s32 @p2 $0x1082  }
0x22: {  	[simem:s7], [sflag:s8] =	dma.local @!p0 [hbm:s6], $0xF7A  }
0x23: {  	s9 =	sor.u32 $0xD0000000, s2;
	s6 =	simm.s32 $0x108;
	_ =	swait.ge @!p0 [sflag:s8], $0x0  }
0x24: {  	s3 =	sadd.s32 $0x88, s3;
	s6 =	simm.s32 @!p1 $0x1082;
	[sflag:s4] =	ssyncset.s32 $0xFFFFF086  }
0x25: {  	[simem:s6], [sflag:s4] =	dma.local [hbm:s3], $0xF7A  }
0x26: {  	[smem:$0x3F9B] =	sst s1;
	(tag) =	ssettag s2;
	_ =	strace s9  }
0x27: {  	s1 =	sld [smem:$0x3FAB]  }
0x28: {  	s2 =	sld [smem:$0x3FAC]  }
0x29: {  	s4 =	sld [smem:$0x3FAE]  }
0x2a: {  	p0 =	seq.s32 s5, $0x0;
	s5 =	sld [smem:$0x3FAF]  }
0x2b: {  	s6 =	sld [smem:$0x3FB0]  }
0x2c: {  	s7 =	sld [smem:$0x3FB1]  }
0x2d: {  	s3 =	simm.s32 $0x108;
	s8 =	sld [smem:$0x3FB2]  }
0x2e: {  	s3 =	simm.s32 @!p0 $0x1082;
	s9 =	sld [smem:$0x3FB3]  }
0x2f: {  	lr =	sadd.s32 s0, s3;
	s0 =	sld [smem:$0x3FAA]  }
0x30: {  	s3 =	sld [smem:$0x3FAD]  }
0x31: {  	[smem:$0x3FB6] =	sst s10  }
0x32: {  	s10 =	sld [smem:$0x3FB4];
	_ =	sdelay $0x3  }
0x33: {  	p0 =	seq.s32 s10, $0x1;
	s10 =	sld [smem:$0x3FB6];
	_ =	sdelay $0x3  }
0x34: {  	[smem:$0x3FB6] =	sst s10  }
0x35: {  	s10 =	sld [smem:$0x3FB5];
	_ =	sdelay $0x3  }
0x36: {  	p1 =	seq.s32 s10, $0x1;
	s10 =	sld [smem:$0x3FB6];
	_ =	sdelay $0x3  }
0x37: {  	[smem:$0x3FB6] =	sst s10  }
0x38: {  	s10 =	sld [smem:$0x3FB7]  }
0x39: {  	_ = 	snop;
	(pc) =	sbr.ind lr, $3  }
0x3a: {  	_ = 	snop  }
0x3b: {  	_ = 	snop  }
0x3c: {  	p2 =	seq.s32 s10, $0x1;
	s10 =	sld [smem:$0x3FB6]  }
0x3d: {  	_ =	shalt  }
0x3e: {  	_ =	shalt  }
0x3f: {  	_ =	shalt  }
0x40: {  	_ =	shalt  }
0x41: {  	_ =	shalt  }
0x42: {  	_ =	shalt  }
0x43: {  	_ =	shalt  }
0x44: {  	_ =	shalt  }
0x45: {  	_ =	shalt  }
0x46: {  	_ =	shalt  }
0x47: {  	_ =	shalt  }
0x48: {  	_ =	shalt  }
0x49: {  	_ =	shalt  }
0x4a: {  	_ =	shalt  }
0x4b: {  	_ =	shalt  }
0x4c: {  	_ =	shalt  }
0x4d: {  	_ =	shalt  }
0x4e: {  	_ =	shalt  }
0x4f: {  	_ =	shalt  }
0x50: {  	_ =	shalt  }
0x51: {  	_ =	shalt  }
0x52: {  	_ =	shalt  }
0x53: {  	_ =	shalt  }
0x54: {  	_ =	shalt  }
0x55: {  	_ =	shalt  }
0x56: {  	_ =	shalt  }
0x57: {  	_ =	shalt  }
0x58: {  	_ =	shalt  }
0x59: {  	_ =	shalt  }
0x5a: {  	_ =	shalt  }
0x5b: {  	_ =	shalt  }
0x5c: {  	_ =	shalt  }
0x5d: {  	_ =	shalt  }
0x5e: {  	_ =	shalt  }
0x5f: {  	_ =	shalt  }
0x60: {  	_ =	shalt  }
0x61: {  	_ =	shalt  }
0x62: {  	_ =	shalt  }
0x63: {  	_ =	shalt  }
0x64: {  	_ =	shalt  }
0x65: {  	_ =	shalt  }
0x66: {  	_ =	shalt  }
0x67: {  	_ =	shalt  }
0x68: {  	_ =	shalt  }
0x69: {  	_ =	shalt  }
0x6a: {  	_ =	shalt  }
0x6b: {  	_ =	shalt  }
0x6c: {  	_ =	shalt  }
0x6d: {  	_ =	shalt  }
0x6e: {  	_ =	shalt  }
0x6f: {  	_ =	shalt  }
0x70: {  	_ =	shalt  }
0x71: {  	_ =	shalt  }
0x72: {  	_ =	shalt  }
0x73: {  	_ =	shalt  }
0x74: {  	_ =	shalt  }
0x75: {  	_ =	shalt  }
0x76: {  	_ =	shalt  }
0x77: {  	_ =	shalt  }
0x78: {  	_ =	shalt  }
0x79: {  	_ =	shalt  }
0x7a: {  	_ =	shalt  }
0x7b: {  	_ =	shalt  }
0x7c: {  	_ =	shalt  }
0x7d: {  	_ =	shalt  }
0x7e: {  	_ =	shalt  }
0x7f: {  	_ =	shalt  }
0x80: {  	_ =	shalt  }
0x81: {  	_ =	shalt  }
0x82: {  	_ =	shalt  }
0x83: {  	_ =	shalt  }
0x84: {  	_ =	shalt  }
0x85: {  	_ =	shalt  }
0x86: {  	_ =	shalt  }
0x87: {  	_ =	shalt  }
.Lfunc_end0:
.L_simem_size_0:
called_computation_lowered:
.L_overlay_start_0:
0x88: {  	s2 =	sld [smem:$0x3FD9]  }
0x89: {  	s3 =	sld [smem:$0x3FFE];
	_ =	sdelay $0x1  }
0x8a: {  	s1 =	srdreg.scid  }
0x8b: {  	s0 =	sand.u32 $0x1, s1  }
0x8c: {  	s16 =	sshll.u32 s0, $0xA;
	s2 =	sadd.s32 s3, s2  }
0x8d: {  	s2 =	sadd.s32 s2, s16  }
0x8e: {  	[smem:$0x3FC2] =	sst s2  }
0x8f: {  	_ = 	snop  }
0x90: {  	(tm) =	ssettm $0x1  }
0x91: {  	s17 =	sld [smem:$0x3FFB];
	_ =	sdelay $0x3  }
0x92: {  	_ =	strace s17  }
0x93: {  	s2 =	sld [smem:$0x3FFC];
	_ =	sdelay $0x3  }
0x94: {  	_ =	strace s2  }
0x95: {  	s2 =	sld [smem:$0x3FFD];
	_ =	sdelay $0x3  }
0x96: {  	_ =	strace s2  }
0x97: {  	_ =	strace $0x8FFFFFFF  }
0x98: {  	s18 =	sld [smem:$0x3FDB];
	_ =	sdelay $0x1  }
0x99: {  	s19 =	simm.s32 $_scs_section_size  }
0x9a: {  	s4 =	simm.s32 $_size__tile_overlayer_lowered;
	s5 =	simm.s32 $_tile_overlayer_lowered  }
0x9b: {  	s22 =	simm.s32 $0x1BFF;
	s21 =	sshll.u32 s5, $0x1;
	s2 =	sadd.s32 s19, s18  }
0x9c: {  	s6 =	simm.s32 $0x0;
	s20 =	sshll.u32 s4, $0x1;
	s4 =	sadd.s32 s21, s2  }
0x9d: {  	[timem:s6], [sflag:s22] =	dma.local [hbm:s4], s20  }
0x9e: {  	_ =	swait.ge [sflag:s22], s20  }
0x9f: {  	s3 =	ssub.s32 $0x0, s20;
	[sflag:s22] =	ssyncset.done $0x0  }
0xa0: {  	[sflag:s22] =	ssyncadd.s32 s3;
	_ =	sdelay $0x1  }
0xa1: {  	s23 =	simm.s32 $0x1B8B  }
0xa2: {  	_ =	swait.ge [sflag:s23], $0x1  }
0xa3: {  	[sflag:s23] =	ssyncset.done $0x0  }
0xa4: {  	s25 =	simm.s32 $0x1B8E;
	s24 =	sld [smem:$0x3FFE];
	[sflag:s23] =	ssyncadd.s32 $0xFFFFFFFF  }
0xa5: {  	s26 =	simm.s32 $execute0_lowered;
	[smem:$0x3FD2] =	sst s25  }
0xa6: {  	s4 =	sshll.u32 s26, $0x1;
	_ =	strace $0x80000046;
	[dreg:$0x1] =	wrdreg $0xFFFFFFFF  }
0xa7: {  	s28 =	simm.s32 $_size_execute0_lowered;
	s2 =	sadd.s32 s2, s4;
	[dreg:$0x0] =	wrdreg $0x0  }
0xa8: {  	s4 =	sshll.u32 s28, $0x1;
	[dreg:$0x2] =	wrdreg s2  }
0xa9: {  	[dreg:$0x3] =	wrdreg s4  }
0xaa: {  	[dreg:$0x4] =	wrdreg $0xC0  }
0xab: {  	_ =	task [dreg:s6], $0x5FFFF  }
0xac: {  	[dreg:$0x1] =	wrdreg $0xFFFFFFFF  }
0xad: {  	[dreg:$0x0] =	wrdreg $0x60  }
0xae: {  	[dreg:$0x2] =	wrdreg s24  }
0xaf: {  	[dreg:$0x3] =	wrdreg $0x9  }
0xb0: {  	_ =	task.clear_ibuf [dreg:s6], $0x4FFFF;
	_ =	strace $0x90000046  }
0xb1: {  	s29 =	simm.s32 $0x9;
	_ =	strace $0x80000048  }
0xb2: {  	_ =	swait.ge [sflag:s29], $0x1  }
0xb3: {  	[sflag:s29] =	ssyncadd.s32 $0xFFFFFFFF  }
0xb4: {  	_ =	strace $0x90000048  }
0xb5: {  	_ =	sfence  }
0xb6: {  	s30 =	sld [smem:$0x0];
	_ =	sdelay $0x2  }
0xb7: {  	s31 =	sshll.u32 s1, $0xD;
	s1 =	sshrl.u32 s1, $0x2  }
0xb8: {  	s3 =	sand.u32 $0x4000, s31;
	s1 =	sadd.s32 s1, s30  }
0xb9: {  	s0 =	sor.u32 s3, s0;
	s1 =	sshll.u32 s1, $0x11  }
0xba: {  	s0 =	sor.u32 s1, s0  }
0xbb: {  	s0 =	sadd.s32 $0x8F2B, s0  }
0xbc: {  	[sflag:s0] =	ssyncadd.remote.s32 $0x1  }
0xbd: {  	_ =	sfence.sel $0xFFFF  }
0xbe: {  	[dreg:$0x0] =	wrdreg $0xFFFFFFFF;
	(pc) =	sbr.abs _section_cstart, $3  }
0xbf: {  	[dreg:$0x1] =	wrdreg $0xFFFFFFFF  }
0xc0: {  	_ =	task.clear_ibuf [dreg:s6], $0x2FFFF;
	_ =	strace $0x9FFFFFFF  }
0xc1: {  	(tm) =	ssettm $0x7FFFFFFF  }
tec
execute0_lowered:
.L_overlay_start_1:
0x0: {  	(tag) =	ssettag $0x1  }
0x1: {  	s1 =	srdreg.scid  }
0x2: {  	s0 =	stileid.u32;
	s5 =	rddreg [dreg:$0x0]  }
0x3: {  	s10 =	simm.s32 $0x100;
	s11 =	simm.s32 $0x2900;
	s12 =	simm.s32 $0x400  }
0x4: {  	s13 =	simm.s32 $0x0;
	s3 =	sand.u32 $0x1, s1;
	s4 =	smul.u32 $0x4E20, s0  }
0x5: {  	s2 =	sshrl.u32 s0, $0x3;
	s1 =	rddreg [dreg:$0x1];
	s6 =	smul.u32 $0x28000, s3  }
0x6: {  	s9 =	sshll.u32 s0, $0x7;
	s7 =	smul.u32 $0x14000, s2;
	s2 =	simm.s32 $0x0  }
0x7: {  	s8 =	smul.u32 $0x2710, s3;
	s28 =	sand.u32 $0x380, s9;
	s3 =	ssub.s32 $0x2, s3  }
0x8: {  	s9 =	simm.s32 $0x80;
	[smem:$0x7FF] =	sst s2;
	s6 =	sadd.s32 s6, s7  }
0x9: {  	s31 =	sshrl.u32 s3, $0x1;
	s4 =	sadd.s32 s8, s4;
	s6 =	sor.u32 s28, s6  }
0xa: {  	_ =	strace $0x80000047;
	s4 =	sshrl.u32 s4, $0x3;
	s6 =	sshrl.u32 s6, $0x3  }
0xb: {  	s8 =	simm.s32 $0x1;
	s29 =	sadd.s32 s4, s5;
	s30 =	sadd.s32 s6, s5  }
0xc: {  	s5 =	ssub.s32 s3, s31;
	s6 =	sadd.s32 $0x2400, s29;
	s7 =	sadd.s32 $0xC200, s29  }
0xd: {  	v0 =	vimm.f32 $0.0e+00;
	v1 =	vimm.f32 $1.000000000e+00;
	s3 =	sadd.s32 $0x16000, s30;
	s4 =	sadd.s32 $0x20000, s30;
	s5 =	smax.u32 s5, $0x1  }
.LBB2_1:
0xe: {  	s14 =	simm.s32 $0x0  }
.LBB2_2:
0xf: {  	p0 =	sne.s32 s14, $0x9FC0  }
.Ltmp0:
0x10: {  	_ = 	snop;
	(pc) =	sbr.rel @p0 .LBB2_2-.Ltmp0, $4  }
0x11: {  	_ = 	snop  }
0x12: {  	s15 =	sshra.s32 s14, $0x2  }
0x13: {  	[tilespmem:s15+$0x100] =	vst v0  }
0x14: {  	s14 =	sadd.s32 $0x40, s14;
	[tilespmem:s15+$0x2900] =	vst v0  }
0x15: {  	s14 =	simm.s32 $0x0  }
.LBB2_4:
0x16: {  	s15 =	sadd.s32 s14, s7  }
0x17: {  	[tilespmem:s2], [sflag:$0x1] =	stream.linear.gather [hbm4b:s15+s2], $0x50, $0x38;
	[tilespmem:$0x5100] =	vst v63  }
0x18: {  	_ =	swait.ge [sflag:s8], $0x50  }
0x19: {  	[sflag:s8] =	ssyncset.done $0x0  }
0x1a: {  	s31 =	sadd.s32 s14, s6;
	[sflag:s8] =	ssyncadd.s32 $0xFFFFFFB0  }
0x1b: {  	[tilespmem:s9], [sflag:$0x1] =	stream.linear.gather [hbm4b:s31+s2], $0x50, $0x38;
	[tilespmem:$0x5100] =	vst v63  }
0x1c: {  	_ =	swait.ge [sflag:s8], $0x50  }
0x1d: {  	[sflag:s8] =	ssyncset.done $0x0  }
0x1e: {  	[sflag:s8] =	ssyncadd.s32 $0xFFFFFFB0  }
0x1f: {  	v2 =	vld [tilespmem:$0x0];
	_ =	sdelay $0x7  }
0x20: {  	[tilespmem:v2+s10+$0x0] =	vst.idx.add.f32.msk $0xffff, v1  }
0x21: {  	v2 =	vld [tilespmem:$0x80];
	_ =	sdelay $0x7  }
0x22: {  	[tilespmem:v2+s11+$0x0] =	vst.idx.add.f32.msk $0xffff, v1  }
0x23: {  	v2 =	vld [tilespmem:$0x10];
	_ =	sdelay $0x7  }
0x24: {  	[tilespmem:v2+s10+$0x0] =	vst.idx.add.f32.msk $0xffff, v1  }
0x25: {  	v2 =	vld [tilespmem:$0x90];
	_ =	sdelay $0x7  }
0x26: {  	[tilespmem:v2+s11+$0x0] =	vst.idx.add.f32.msk $0xffff, v1  }
0x27: {  	v2 =	vld [tilespmem:$0x20];
	_ =	sdelay $0x7  }
0x28: {  	[tilespmem:v2+s10+$0x0] =	vst.idx.add.f32.msk $0xffff, v1  }
0x29: {  	v2 =	vld [tilespmem:$0xA0];
	_ =	sdelay $0x7  }
0x2a: {  	[tilespmem:v2+s11+$0x0] =	vst.idx.add.f32.msk $0xffff, v1  }
0x2b: {  	v2 =	vld [tilespmem:$0x30];
	_ =	sdelay $0x7  }
0x2c: {  	[tilespmem:v2+s10+$0x0] =	vst.idx.add.f32.msk $0xffff, v1  }
0x2d: {  	v2 =	vld [tilespmem:$0xB0];
	_ =	sdelay $0x7  }
0x2e: {  	[tilespmem:v2+s11+$0x0] =	vst.idx.add.f32.msk $0xffff, v1  }
0x2f: {  	v2 =	vld [tilespmem:$0x40];
	_ =	sdelay $0x7  }
0x30: {  	[tilespmem:v2+s10+$0x0] =	vst.idx.add.f32.msk $0xffff, v1  }
0x31: {  	v2 =	vld [tilespmem:$0xC0];
	_ =	sdelay $0x2  }
0x32: {  	p0 =	sne.s32 s14, $0x4D8  }
.Ltmp1:
0x33: {  	_ = 	snop;
	(pc) =	sbr.rel @p0 .LBB2_4-.Ltmp1, $2  }
0x34: {  	_ =	sdelay $0x2  }
0x35: {  	s14 =	sadd.s32 $0xA, s14;
	[tilespmem:v2+s11+$0x0] =	vst.idx.add.f32.msk $0xffff, v1  }
0x36: {  	[hbm4b:s3+s9] =	stream.strided.scatter [tilespmem:s10], [sflag:$0x1], $0x2800, s12, s9, $0x38;
	[tilespmem:$0x5100] =	vst v63  }
0x37: {  	s13 =	sadd.s32 $0x1, s13;
	_ =	swait.ge [sflag:s8], $0x2800  }
0x38: {  	p0 =	sne.s32 s13, s5;
	[sflag:s8] =	ssyncset.done $0x0  }
.Ltmp2:
0x39: {  	[sflag:s8] =	ssyncadd.s32 $0xFFFFD800;
	(pc) =	sbr.rel @p0 .LBB2_1-.Ltmp2, $4  }
0x3a: {  	[hbm4b:s4+s9] =	stream.strided.scatter [tilespmem:s11], [sflag:$0x1], $0x2800, s12, s9, $0x38;
	[tilespmem:$0x5100] =	vst v63  }
0x3b: {  	_ =	swait.ge [sflag:s8], $0x2800  }
0x3c: {  	[sflag:s8] =	ssyncset.done $0x0  }
0x3d: {  	[sflag:s8] =	ssyncadd.s32 $0xFFFFD800  }
0x3e: {  	_ =	sfence.sel $0x180000  }
0x3f: {  	[bflag:$0x0] =	sbarrier.arrive $0xFFFF  }
0x40: {  	p0 =	sne.s32 s0, $0x0;
	_ =	strace $0x90000047  }
0x41: {  	s0 =	sadd.s32 @!p0 $0x100000, s1;
	[bflag:$0x2] =	sbarrier.arrive $0xFFFF  }
0x42: {  	[sflag:s0] =	ssyncadd.tile.s32 @!p0 $0x1;
	_ =	shalt  }
.Lfunc_end2:
_tile_overlayer_lowered:
.L_overlay_start_2:
0x43: {  	(tag) =	ssettag $0x2  }
0x44: {  	s0 =	rddreg [dreg:$0x0];
	s2 =	stileid.u32  }
0x45: {  	s1 =	rddreg [dreg:$0x1];
	p0 =	sne.s32 s2, $0x0  }
0x46: {  	s3 =	rddreg [dreg:$0x2];
	[bflag:$0x3] =	sbarrier.arrive $0xFFFF;
	s2 =	simm.s32 @!p0 $0x1C01  }
0x47: {  	[timem:s3], [sflag:s2] =	dma.local @!p0 [hbm:s0], s1  }
0x48: {  	s0 =	simm.s32 @!p0 $0x1  }
0x49: {  	_ =	swait.ge @!p0 [sflag:s0], s1  }
0x4a: {  	s1 =	ssub.s32 @!p0 $0x0, s1;
	[sflag:s0] =	ssyncset.done @!p0 $0x0  }
0x4b: {  	[sflag:s0] =	ssyncadd.s32 @!p0 s1  }
0x4c: {  	[bflag:$0x3] =	sbarrier.arrive $0xFFFF  }
0x4d: {  	_ =	shalt  }

// kernel: kernel.13.cloned.1.call-start
scs
__scs_entry_jumppad:
0x0: {  	(pc) =	sbr.rel $0x88, $3  }
0x1: {  	(tag) =	ssettag $0x0;
	lr =	simm.s32 $0x1  }
0x2: {  	[smem:$0x3F9B] =	sst lr;
	_ =	strace $0xD0000000  }
0x3: {  	_ = 	snop  }
0x4: {  	_ = 	snop  }
0x5: {  	_ = 	snop  }
0x6: {  	_ = 	snop  }
0x7: {  	_ = 	snop  }
__scs_overlays_trampoline_lowered:
0x8: {  	[smem:$0x3FAA] =	sst s0  }
0x9: {  	[smem:$0x3FAB] =	sst s1  }
0xa: {  	[smem:$0x3FAC] =	sst s2  }
0xb: {  	[smem:$0x3FAD] =	sst s3  }
0xc: {  	[smem:$0x3FAE] =	sst s4  }
0xd: {  	[smem:$0x3FAF] =	sst s5  }
0xe: {  	[smem:$0x3FB0] =	sst s6  }
0xf: {  	[smem:$0x3FB1] =	sst s7  }
0x10: {  	[smem:$0x3FB2] =	sst s8  }
0x11: {  	[smem:$0x3FB3] =	sst s9;
	s0 =	simm.s32 @!p0 $0x0  }
0x12: {  	s1 =	sld [smem:$0x3F99];
	s0 =	simm.s32 @p0 $0x1  }
0x13: {  	[smem:$0x3FB4] =	sst s0;
	s0 =	simm.s32 @!p1 $0x0  }
0x14: {  	s2 =	sld [smem:$0x3F98];
	s0 =	simm.s32 @p1 $0x1  }
0x15: {  	[smem:$0x3FB5] =	sst s0;
	s0 =	simm.s32 @!p2 $0x0  }
0x16: {  	s3 =	sld [smem:$0x3FDB];
	s0 =	simm.s32 @p2 $0x1  }
0x17: {  	s4 =	simm.s32 $0x1BF5;
	[smem:$0x3FB7] =	sst s0  }
0x18: {  	s0 =	sld [smem:$0x3F9A];
	_ =	swait.ge [sflag:s4], $0x0  }
0x19: {  	s7 =	sld [smem:$0x3F9B]  }
0x1a: {  	s8 =	sadd.s32 $0xFFFFE003, lr  }
0x1b: {  	s9 =	sadd.s32 $0xFFFFFEF7, lr;
	s5 =	simm.s32 $0xFFFFFFFF;
	p2 =	slt.u32 s8, $0xFFFFF086  }
0x1c: {  	p1 =	slt.u32 s9, $0xF7A;
	s5 =	simm.s32 @!p2 $0x0  }
0x1d: {  	s5 =	simm.s32 @p1 $0x1;
	p0 =	seq.s32 s7, s2  }
0x1e: {  	s7 =	smul.u32 @!p0 $0xF7A, s2;
	p2 =	seq.s32 @!p0 s5, $0x0  }
0x1f: {  	s9 =	smul.u32 $0xF7A, s1;
	s8 =	simm.s32 @!p0 $0x1BF5;
	p2 =	por !p2, p0  }
0x20: {  	[sflag:s8] =	ssyncset.s32 @!p0 $0xFFFFF086;
	s6 =	sadd.s32 @!p0 s3, s7;
	s7 =	simm.s32 @!p0 $0x108  }
0x21: {  	s3 =	sadd.s32 s3, s9;
	s6 =	sadd.s32 @!p0 $0x88, s6;
	s7 =	simm.s32 @p2 $0x1082  }
0x22: {  	[simem:s7], [sflag:s8] =	dma.local @!p0 [hbm:s6], $0xF7A  }
0x23: {  	s9 =	sor.u32 $0xD0000000, s2;
	s6 =	simm.s32 $0x108;
	_ =	swait.ge @!p0 [sflag:s8], $0x0  }
0x24: {  	s3 =	sadd.s32 $0x88, s3;
	s6 =	simm.s32 @!p1 $0x1082;
	[sflag:s4] =	ssyncset.s32 $0xFFFFF086  }
0x25: {  	[simem:s6], [sflag:s4] =	dma.local [hbm:s3], $0xF7A  }
0x26: {  	[smem:$0x3F9B] =	sst s1;
	(tag) =	ssettag s2;
	_ =	strace s9  }
0x27: {  	s1 =	sld [smem:$0x3FAB]  }
0x28: {  	s2 =	sld [smem:$0x3FAC]  }
0x29: {  	s4 =	sld [smem:$0x3FAE]  }
0x2a: {  	p0 =	seq.s32 s5, $0x0;
	s5 =	sld [smem:$0x3FAF]  }
0x2b: {  	s6 =	sld [smem:$0x3FB0]  }
0x2c: {  	s7 =	sld [smem:$0x3FB1]  }
0x2d: {  	s3 =	simm.s32 $0x108;
	s8 =	sld [smem:$0x3FB2]  }
0x2e: {  	s3 =	simm.s32 @!p0 $0x1082;
	s9 =	sld [smem:$0x3FB3]  }
0x2f: {  	lr =	sadd.s32 s0, s3;
	s0 =	sld [smem:$0x3FAA]  }
0x30: {  	s3 =	sld [smem:$0x3FAD]  }
0x31: {  	[smem:$0x3FB6] =	sst s10  }
0x32: {  	s10 =	sld [smem:$0x3FB4];
	_ =	sdelay $0x3  }
0x33: {  	p0 =	seq.s32 s10, $0x1;
	s10 =	sld [smem:$0x3FB6];
	_ =	sdelay $0x3  }
0x34: {  	[smem:$0x3FB6] =	sst s10  }
0x35: {  	s10 =	sld [smem:$0x3FB5];
	_ =	sdelay $0x3  }
0x36: {  	p1 =	seq.s32 s10, $0x1;
	s10 =	sld [smem:$0x3FB6];
	_ =	sdelay $0x3  }
0x37: {  	[smem:$0x3FB6] =	sst s10  }
0x38: {  	s10 =	sld [smem:$0x3FB7]  }
0x39: {  	_ = 	snop;
	(pc) =	sbr.ind lr, $3  }
0x3a: {  	_ = 	snop  }
0x3b: {  	_ = 	snop  }
0x3c: {  	p2 =	seq.s32 s10, $0x1;
	s10 =	sld [smem:$0x3FB6]  }
0x3d: {  	_ =	shalt  }
0x3e: {  	_ =	shalt  }
0x3f: {  	_ =	shalt  }
0x40: {  	_ =	shalt  }
0x41: {  	_ =	shalt  }
0x42: {  	_ =	shalt  }
0x43: {  	_ =	shalt  }
0x44: {  	_ =	shalt  }
0x45: {  	_ =	shalt  }
0x46: {  	_ =	shalt  }
0x47: {  	_ =	shalt  }
0x48: {  	_ =	shalt  }
0x49: {  	_ =	shalt  }
0x4a: {  	_ =	shalt  }
0x4b: {  	_ =	shalt  }
0x4c: {  	_ =	shalt  }
0x4d: {  	_ =	shalt  }
0x4e: {  	_ =	shalt  }
0x4f: {  	_ =	shalt  }
0x50: {  	_ =	shalt  }
0x51: {  	_ =	shalt  }
0x52: {  	_ =	shalt  }
0x53: {  	_ =	shalt  }
0x54: {  	_ =	shalt  }
0x55: {  	_ =	shalt  }
0x56: {  	_ =	shalt  }
0x57: {  	_ =	shalt  }
0x58: {  	_ =	shalt  }
0x59: {  	_ =	shalt  }
0x5a: {  	_ =	shalt  }
0x5b: {  	_ =	shalt  }
0x5c: {  	_ =	shalt  }
0x5d: {  	_ =	shalt  }
0x5e: {  	_ =	shalt  }
0x5f: {  	_ =	shalt  }
0x60: {  	_ =	shalt  }
0x61: {  	_ =	shalt  }
0x62: {  	_ =	shalt  }
0x63: {  	_ =	shalt  }
0x64: {  	_ =	shalt  }
0x65: {  	_ =	shalt  }
0x66: {  	_ =	shalt  }
0x67: {  	_ =	shalt  }
0x68: {  	_ =	shalt  }
0x69: {  	_ =	shalt  }
0x6a: {  	_ =	shalt  }
0x6b: {  	_ =	shalt  }
0x6c: {  	_ =	shalt  }
0x6d: {  	_ =	shalt  }
0x6e: {  	_ =	shalt  }
0x6f: {  	_ =	shalt  }
0x70: {  	_ =	shalt  }
0x71: {  	_ =	shalt  }
0x72: {  	_ =	shalt  }
0x73: {  	_ =	shalt  }
0x74: {  	_ =	shalt  }
0x75: {  	_ =	shalt  }
0x76: {  	_ =	shalt  }
0x77: {  	_ =	shalt  }
0x78: {  	_ =	shalt  }
0x79: {  	_ =	shalt  }
0x7a: {  	_ =	shalt  }
0x7b: {  	_ =	shalt  }
0x7c: {  	_ =	shalt  }
0x7d: {  	_ =	shalt  }
0x7e: {  	_ =	shalt  }
0x7f: {  	_ =	shalt  }
0x80: {  	_ =	shalt  }
0x81: {  	_ =	shalt  }
0x82: {  	_ =	shalt  }
0x83: {  	_ =	shalt  }
0x84: {  	_ =	shalt  }
0x85: {  	_ =	shalt  }
0x86: {  	_ =	shalt  }
0x87: {  	_ =	shalt  }
.Lfunc_end0:
.L_simem_size_0:
called_computation.1_lowered:
.L_overlay_start_0:
0x88: {  	s2 =	sld [smem:$0x3FD9]  }
0x89: {  	s3 =	sld [smem:$0x3FFE];
	_ =	sdelay $0x1  }
0x8a: {  	s1 =	srdreg.scid  }
0x8b: {  	s0 =	sand.u32 $0x1, s1  }
0x8c: {  	s16 =	sshll.u32 s0, $0xA;
	s2 =	sadd.s32 s3, s2  }
0x8d: {  	s2 =	sadd.s32 s2, s16  }
0x8e: {  	[smem:$0x3FC2] =	sst s2  }
0x8f: {  	_ = 	snop  }
0x90: {  	(tm) =	ssettm $0x1  }
0x91: {  	s17 =	sld [smem:$0x3FFB];
	_ =	sdelay $0x3  }
0x92: {  	_ =	strace s17  }
0x93: {  	s2 =	sld [smem:$0x3FFC];
	_ =	sdelay $0x3  }
0x94: {  	_ =	strace s2  }
0x95: {  	s2 =	sld [smem:$0x3FFD];
	_ =	sdelay $0x3  }
0x96: {  	_ =	strace s2  }
0x97: {  	_ =	strace $0x8FFFFFFF  }
0x98: {  	s18 =	sld [smem:$0x3FDB];
	_ =	sdelay $0x1  }
0x99: {  	s19 =	simm.s32 $_scs_section_size  }
0x9a: {  	s4 =	simm.s32 $_size__tile_overlayer_lowered;
	s5 =	simm.s32 $_tile_overlayer_lowered  }
0x9b: {  	s22 =	simm.s32 $0x1BFF;
	s21 =	sshll.u32 s5, $0x1;
	s2 =	sadd.s32 s19, s18  }
0x9c: {  	s6 =	simm.s32 $0x0;
	s20 =	sshll.u32 s4, $0x1;
	s4 =	sadd.s32 s21, s2  }
0x9d: {  	[timem:s6], [sflag:s22] =	dma.local [hbm:s4], s20  }
0x9e: {  	_ =	swait.ge [sflag:s22], s20  }
0x9f: {  	s3 =	ssub.s32 $0x0, s20;
	[sflag:s22] =	ssyncset.done $0x0  }
0xa0: {  	[sflag:s22] =	ssyncadd.s32 s3;
	_ =	sdelay $0x1  }
0xa1: {  	s23 =	simm.s32 $0x1B8B  }
0xa2: {  	_ =	swait.ge [sflag:s23], $0x1  }
0xa3: {  	[sflag:s23] =	ssyncset.done $0x0  }
0xa4: {  	s25 =	simm.s32 $0x1B8E;
	s24 =	sld [smem:$0x3FFE];
	[sflag:s23] =	ssyncadd.s32 $0xFFFFFFFF  }
0xa5: {  	s26 =	simm.s32 $execute0_lowered;
	[smem:$0x3FD2] =	sst s25  }
0xa6: {  	s4 =	sshll.u32 s26, $0x1;
	_ =	strace $0x80000049;
	[dreg:$0x1] =	wrdreg $0xFFFFFFFF  }
0xa7: {  	s28 =	simm.s32 $_size_execute0_lowered;
	s2 =	sadd.s32 s2, s4;
	[dreg:$0x0] =	wrdreg $0x0  }
0xa8: {  	s4 =	sshll.u32 s28, $0x1;
	[dreg:$0x2] =	wrdreg s2  }
0xa9: {  	[dreg:$0x3] =	wrdreg s4  }
0xaa: {  	[dreg:$0x4] =	wrdreg $0xC0  }
0xab: {  	_ =	task [dreg:s6], $0x5FFFF  }
0xac: {  	[dreg:$0x1] =	wrdreg $0xFFFFFFFF  }
0xad: {  	[dreg:$0x0] =	wrdreg $0x60  }
0xae: {  	[dreg:$0x2] =	wrdreg s24  }
0xaf: {  	[dreg:$0x3] =	wrdreg $0x7E000  }
0xb0: {  	[dreg:$0x4] =	wrdreg $0x9  }
0xb1: {  	_ =	task.clear_ibuf [dreg:s6], $0x5FFFF;
	_ =	strace $0x90000049  }
0xb2: {  	s29 =	simm.s32 $0x9;
	_ =	strace $0x8000004B  }
0xb3: {  	_ =	swait.ge [sflag:s29], $0x1  }
0xb4: {  	[sflag:s29] =	ssyncadd.s32 $0xFFFFFFFF  }
0xb5: {  	_ =	strace $0x9000004B  }
0xb6: {  	_ =	sfence  }
0xb7: {  	s30 =	sld [smem:$0x0];
	_ =	sdelay $0x2  }
0xb8: {  	s31 =	sshll.u32 s1, $0xD;
	s1 =	sshrl.u32 s1, $0x2  }
0xb9: {  	s3 =	sand.u32 $0x4000, s31;
	s1 =	sadd.s32 s1, s30  }
0xba: {  	s0 =	sor.u32 s3, s0;
	s1 =	sshll.u32 s1, $0x11  }
0xbb: {  	s0 =	sor.u32 s1, s0  }
0xbc: {  	s0 =	sadd.s32 $0x8F2B, s0  }
0xbd: {  	[sflag:s0] =	ssyncadd.remote.s32 $0x1  }
0xbe: {  	_ =	sfence.sel $0xFFFF  }
0xbf: {  	[dreg:$0x0] =	wrdreg $0xFFFFFFFF;
	(pc) =	sbr.abs _section_cstart, $3  }
0xc0: {  	[dreg:$0x1] =	wrdreg $0xFFFFFFFF  }
0xc1: {  	_ =	task.clear_ibuf [dreg:s6], $0x2FFFF;
	_ =	strace $0x9FFFFFFF  }
0xc2: {  	(tm) =	ssettm $0x7FFFFFFF  }
0xc3: {  	_ =	shalt  }
tec
execute0_lowered:
.L_overlay_start_1:
0x0: {  	(tag) =	ssettag $0x1  }
0x1: {  	s0 =	rddreg [dreg:$0x0]  }
0x2: {  	s2 =	rddreg [dreg:$0x1];
	s3 =	simm.s32 $0x0;
	s1 =	srdreg.scid  }
0x3: {  	s13 =	stileid.u32;
	s30 =	simm.s32 $0x7C00;
	s31 =	simm.s32 $0x7C80  }
0x4: {  	s14 =	simm.s32 $0x1;
	s15 =	simm.s32 $0x2;
	s11 =	smul.u32 $0x14000, s13  }
0x5: {  	[smem:$0x7FF] =	sst s3;
	s1 =	sand.u32 $0x1, s1;
	s18 =	smul.u32 $0x4E20, s13  }
0x6: {  	s4 =	sshll.u32 s13, $0x1;
	s5 =	sadd.s32 $0xC200, s0;
	s9 =	smul.u32 $0x140000, s1  }
0x7: {  	s6 =	sor.u32 s1, s4;
	s7 =	ssub.s32 $0x2, s1;
	s1 =	smul.u32 $0x2710, s1  }
0x8: {  	_ =	strace $0x8000004A;
	s4 =	sadd.s32 $0x16000, s0;
	s8 =	smul.u32 $0x2710, s6  }
0x9: {  	s6 =	sadd.s32 $0x2400, s0;
	s0 =	sadd.s32 $0x3D200, s0;
	s10 =	sshrl.u32 s7, $0x1  }
0xa: {  	s12 =	ssub.s32 s7, s10;
	s7 =	smul.u32 $0x280, s13;
	s17 =	sadd.s32 s9, s11  }
0xb: {  	s23 =	sadd.s32 s1, s18;
	s1 =	simm.s32 $0x7D80;
	s11 =	simm.s32 $0x100  }
0xc: {  	s13 =	simm.s32 $0x2A00;
	s8 =	sshrl.u32 s8, $0x3;
	s19 =	smax.u32 s12, $0x1  }
0xd: {  	s9 =	sshrl.u32 s17, $0x3;
	s16 =	sadd.s32 s5, s8;
	[dreg:$0x5] =	wrdreg s19  }
0xe: {  	s8 =	sadd.s32 s6, s8;
	s10 =	sadd.s32 s0, s9;
	[dreg:$0x3] =	wrdreg s16  }
0xf: {  	s26 =	sadd.s32 $0x50, s23;
	[dreg:$0x4] =	wrdreg s8;
	s20 =	sadd.s32 $0xA00, s10  }
0x10: {  	s12 =	simm.s32 $0x180;
	s21 =	sadd.s32 $0xF00, s10;
	[dreg:$0x7] =	wrdreg s20  }
0x11: {  	s19 =	sadd.s32 $0xA0, s23;
	s22 =	sadd.s32 $0x1400, s10;
	[dreg:$0x8] =	wrdreg s21  }
0x12: {  	s29 =	sshrl.u32 s26, $0x3;
	s24 =	sadd.s32 $0x1900, s10;
	[dreg:$0x9] =	wrdreg s22  }
0x13: {  	s9 =	simm.s32 $0x200;
	s25 =	sadd.s32 $0x1E00, s10;
	[dreg:$0xa] =	wrdreg s24  }
0x14: {  	s8 =	sor.u32 $0x2800, s17;
	s28 =	sadd.s32 $0x2300, s10;
	[dreg:$0xb] =	wrdreg s25  }
0x15: {  	s16 =	simm.s32 $0x0;
	s8 =	sshrl.u32 s8, $0x3;
	[dreg:$0xc] =	wrdreg s28  }
0x16: {  	s20 =	sadd.s32 s29, s6;
	s21 =	sadd.s32 s29, s5;
	s22 =	simm.s32 $0x50  }
0x17: {  	s24 =	simm.s32 $0x5200;
	s25 =	simm.s32 $0x3;
	s0 =	sadd.s32 s0, s8  }
0x18: {  	v0 =	vimm.f32 $0.0e+00;
	v1 =	vlaneseq.u32;
	s8 =	simm.s32 $0x80;
	[dreg:$0x6] =	wrdreg s0;
	s0 =	simm.s32 $0x7D00  }
.LBB2_1:
0x19: {  	s17 =	simm.s32 $0x70;
	s18 =	simm.s32 $0x3C0  }
.LBB2_2:
0x1a: {  	p0 =	sne.s32 s18, $0x9FC0;
	[tilespmem:s17+$0x5200] =	vst v0  }
0x1b: {  	[tilespmem:s17+$0x5190] =	vst v0  }
0x1c: {  	[tilespmem:s17+$0x51A0] =	vst v0  }
.Ltmp0:
0x1d: {  	[tilespmem:s17+$0x51B0] =	vst v0;
	(pc) =	sbr.rel @p0 .LBB2_2-.Ltmp0, $4  }
0x1e: {  	[tilespmem:s17+$0x51C0] =	vst v0  }
0x1f: {  	[tilespmem:s17+$0x51D0] =	vst v0  }
0x20: {  	[tilespmem:s17+$0x51E0] =	vst v0  }
0x21: {  	[tilespmem:s17+$0x51F0] =	vst v0;
	s17 =	sshra.s32 s18, $0x2;
	s18 =	sadd.s32 $0x200, s18  }
0x22: {  	[tilespmem:s17+$0x5200] =	vst v0  }
0x23: {  	[tilespmem:s17+$0x5190] =	vst v0  }
0x24: {  	[tilespmem:s17+$0x51A0] =	vst v0  }
0x25: {  	[tilespmem:s17+$0x51B0] =	vst v0  }
0x26: {  	[tilespmem:s17+$0x51C0] =	vst v0  }
0x27: {  	[tilespmem:s17+$0x51D0] =	vst v0;
	s23 =	sadd.s32 $0x0, s7  }
0x28: {  	[tilespmem:s17+$0x51E0] =	vst v0;
	s18 =	sadd.s32 $0x40, s23  }
0x29: {  	[tilespmem:s17+$0x51F0] =	vst v0;
	s17 =	simm.s32 $0x7A20;
	s26 =	sadd.s32 $0x10, s23;
	v2 =	vor.u32 s18, v1  }
0x2a: {  	s28 =	sadd.s32 $0x20, s23;
	v3 =	vor.u32 s26, v1;
	[tilespmem:s17+$0x20] =	vst v2  }
0x2b: {  	s29 =	sadd.s32 $0x30, s23;
	v4 =	vor.u32 s28, v1;
	[tilespmem:s17+$0xFFFFFFF0] =	vst v3  }
0x2c: {  	s18 =	simm.s32 $0x50;
	v2 =	vor.u32 s23, v1;
	v3 =	vor.u32 s29, v1;
	[tilespmem:s17+$0x0] =	vst v4  }
.LBB2_4:
0x2d: {  	s23 =	sadd.s32 s18, s7  }
0x2e: {  	p0 =	sne.s32 s18, $0x230;
	s18 =	sadd.s32 $0x50, s18;
	[tilespmem:s17+$0x10] =	vst v3;
	s26 =	sadd.s32 $0x10, s23  }
.Ltmp1:
0x2f: {  	s28 =	sadd.s32 $0x20, s23;
	s29 =	sadd.s32 $0x40, s23;
	[tilespmem:s17+$0xFFFFFFE0] =	vst v2;
	v2 =	vor.u32 s23, v1;
	(pc) =	sbr.rel @p0 .LBB2_4-.Ltmp1, $4  }
0x30: {  	s23 =	sadd.s32 $0x30, s23;
	s17 =	sadd.s32 $0x80, s17;
	v4 =	vor.u32 s26, v1;
	v5 =	vor.u32 s28, v1;
	v6 =	vor.u32 s29, v1  }
0x31: {  	v3 =	vor.u32 s23, v1;
	[tilespmem:s17+$0x20] =	vst v6  }
0x32: {  	[tilespmem:s17+$0xFFFFFFF0] =	vst v4  }
0x33: {  	[tilespmem:s17+$0x0] =	vst v5  }
0x34: {  	[tilespmem:s17+$0x10] =	vst v3  }
0x35: {  	[tilespmem:s17+$0xFFFFFFE0] =	vst v2;
	s29 =	simm.s32 $0x7A00  }
0x36: {  	[spmem:s2] =	stream.indirect.scatter [tilespmem:s24], [sflag:$0x3], $0x80, s29, s22, $0xb8;
	[tilespmem:$0x1BE00] =	vst v63  }
0x37: {  	_ =	swait.ge [sflag:s25], $0x2800  }
0x38: {  	[sflag:s25] =	ssyncset.done $0x0  }
0x39: {  	s18 =	simm.s32 $0x7A80;
	[sflag:s25] =	ssyncadd.s32 $0xFFFFD800  }
0x3a: {  	[spmem:s2] =	stream.indirect.scatter [tilespmem:s24], [sflag:$0x3], $0x80, s18, s22, $0xb8;
	[tilespmem:$0x1BE00] =	vst v63  }
0x3b: {  	_ =	swait.ge [sflag:s25], $0x2800  }
0x3c: {  	[sflag:s25] =	ssyncset.done $0x0  }
0x3d: {  	s23 =	simm.s32 $0x7B00;
	[sflag:s25] =	ssyncadd.s32 $0xFFFFD800  }
0x3e: {  	[spmem:s2] =	stream.indirect.scatter [tilespmem:s24], [sflag:$0x3], $0x80, s23, s22, $0xb8;
	[tilespmem:$0x1BE00] =	vst v63  }
0x3f: {  	_ =	swait.ge [sflag:s25], $0x2800  }
0x40: {  	[sflag:s25] =	ssyncset.done $0x0  }
0x41: {  	s26 =	simm.s32 $0x7B80;
	[sflag:s25] =	ssyncadd.s32 $0xFFFFD800  }
0x42: {  	[spmem:s2] =	stream.indirect.scatter [tilespmem:s24], [sflag:$0x3], $0x80, s26, s22, $0xb8;
	[tilespmem:$0x1BE00] =	vst v63  }
0x43: {  	_ =	swait.ge [sflag:s25], $0x2800  }
0x44: {  	[sflag:s25] =	ssyncset.done $0x0  }
0x45: {  	[sflag:s25] =	ssyncadd.s32 $0xFFFFD800  }
0x46: {  	[spmem:s2] =	stream.indirect.scatter [tilespmem:s24], [sflag:$0x3], $0x80, s30, s22, $0xb8;
	[tilespmem:$0x1BE00] =	vst v63  }
0x47: {  	_ =	swait.ge [sflag:s25], $0x2800  }
0x48: {  	[sflag:s25] =	ssyncset.done $0x0  }
0x49: {  	[sflag:s25] =	ssyncadd.s32 $0xFFFFD800  }
0x4a: {  	[spmem:s2] =	stream.indirect.scatter [tilespmem:s24], [sflag:$0x3], $0x80, s31, s22, $0xb8;
	[tilespmem:$0x1BE00] =	vst v63  }
0x4b: {  	_ =	swait.ge [sflag:s25], $0x2800  }
0x4c: {  	[sflag:s25] =	ssyncset.done $0x0  }
0x4d: {  	[sflag:s25] =	ssyncadd.s32 $0xFFFFD800  }
0x4e: {  	[spmem:s2] =	stream.indirect.scatter [tilespmem:s24], [sflag:$0x3], $0x80, s0, s22, $0xb8;
	[tilespmem:$0x1BE00] =	vst v63  }
0x4f: {  	_ =	swait.ge [sflag:s25], $0x2800  }
0x50: {  	[sflag:s25] =	ssyncset.done $0x0  }
0x51: {  	[sflag:s25] =	ssyncadd.s32 $0xFFFFD800  }
0x52: {  	[spmem:s2] =	stream.indirect.scatter [tilespmem:s24], [sflag:$0x3], $0x80, s1, s22, $0xb8;
	[tilespmem:$0x1BE00] =	vst v63  }
0x53: {  	_ =	swait.ge [sflag:s25], $0x2800  }
0x54: {  	[sflag:s25] =	ssyncset.done $0x0  }
0x55: {  	[sflag:s25] =	ssyncadd.s32 $0xFFFFD800  }
0x56: {  	[bflag:$0x0] =	sbarrier.arrive $0xFFFF  }
0x57: {  	s28 =	simm.s32 $0x0;
	s18 =	rddreg [dreg:$0x3]  }
0x58: {  	[tilespmem:s28], [sflag:$0x3] =	stream.linear.gather [hbm4b:s18+s28], $0x50, $0x38;
	[tilespmem:$0x1BE00] =	vst v63  }
0x59: {  	_ =	swait.ge [sflag:s25], $0x50  }
0x5a: {  	[sflag:s25] =	ssyncset.done $0x0  }
0x5b: {  	s29 =	rddreg [dreg:$0x4];
	[sflag:s25] =	ssyncadd.s32 $0xFFFFFFB0  }
0x5c: {  	[tilespmem:s8], [sflag:$0x3] =	stream.linear.gather [hbm4b:s29+s28], $0x50, $0x38;
	[tilespmem:$0x1BE00] =	vst v63  }
0x5d: {  	_ =	swait.ge [sflag:s25], $0x50  }
0x5e: {  	[sflag:s25] =	ssyncset.done $0x0  }
0x5f: {  	[sflag:s25] =	ssyncadd.s32 $0xFFFFFFB0  }
0x60: {  	[tilespmem:s9], [sflag:$0x1] =	stream.indirect.gather [hbm4b:s4+s22], $0x80, s28, s22, $0xb8;
	[tilespmem:$0x1BE00] =	vst v63  }
0x61: {  	s23 =	sadd.s32 $0x0, s21  }
0x62: {  	[tilespmem:s11], [sflag:$0x3] =	stream.linear.gather [hbm4b:s23+s3], $0x50, $0x38;
	[tilespmem:$0x1BE00] =	vst v63  }
0x63: {  	_ =	swait.ge [sflag:s25], $0x50  }
0x64: {  	[sflag:s25] =	ssyncset.done $0x0  }
0x65: {  	s26 =	sadd.s32 $0x0, s20;
	[sflag:s25] =	ssyncadd.s32 $0xFFFFFFB0  }
0x66: {  	[tilespmem:s12], [sflag:$0x3] =	stream.linear.gather [hbm4b:s26+s3], $0x50, $0x38;
	[tilespmem:$0x1BE00] =	vst v63  }
0x67: {  	_ =	swait.ge [sflag:s25], $0x50  }
0x68: {  	[sflag:s25] =	ssyncset.done $0x0  }
0x69: {  	[sflag:s25] =	ssyncadd.s32 $0xFFFFFFB0  }
0x6a: {  	[tilespmem:s13], [sflag:$0x2] =	stream.indirect.gather [hbm4b:s4+s22], $0x80, s11, s22, $0xb8;
	[tilespmem:$0x1BE00] =	vst v63  }
0x6b: {  	_ =	swait.ge [sflag:s14], $0x2800  }
0x6c: {  	[sflag:s14] =	ssyncset.done $0x0  }
0x6d: {  	[sflag:s14] =	ssyncadd.s32 $0xFFFFD800  }
0x6e: {  	[spmem:s2] =	stream.indirect.scatter.add.f32 [tilespmem:s9], [sflag:$0x3], $0x80, s8, s22, $0xb8;
	[tilespmem:$0x1BE00] =	vst v63  }
0x6f: {  	_ =	swait.ge [sflag:s25], $0x2800  }
0x70: {  	s28 =	sshrl.u32 s19, $0x3;
	[sflag:s25] =	ssyncset.done $0x0  }
0x71: {  	s29 =	sadd.s32 s5, s28;
	[sflag:s25] =	ssyncadd.s32 $0xFFFFD800  }
0x72: {  	[tilespmem:s3], [sflag:$0x3] =	stream.linear.gather [hbm4b:s29+s3], $0x50, $0x38;
	[tilespmem:$0x1BE00] =	vst v63  }
0x73: {  	_ =	swait.ge [sflag:s25], $0x50  }
0x74: {  	[sflag:s25] =	ssyncset.done $0x0  }
0x75: {  	s17 =	sadd.s32 s6, s28;
	[sflag:s25] =	ssyncadd.s32 $0xFFFFFFB0  }
0x76: {  	[tilespmem:s8], [sflag:$0x3] =	stream.linear.gather [hbm4b:s17+s3], $0x50, $0x38;
	[tilespmem:$0x1BE00] =	vst v63  }
0x77: {  	_ =	swait.ge [sflag:s25], $0x50  }
0x78: {  	[sflag:s25] =	ssyncset.done $0x0  }
0x79: {  	[sflag:s25] =	ssyncadd.s32 $0xFFFFFFB0  }
0x7a: {  	[tilespmem:s9], [sflag:$0x1] =	stream.indirect.gather [hbm4b:s4+s22], $0x80, s3, s22, $0xb8;
	[tilespmem:$0x1BE00] =	vst v63  }
0x7b: {  	_ =	swait.ge [sflag:s15], $0x2800  }
0x7c: {  	[sflag:s15] =	ssyncset.done $0x0  }
0x7d: {  	[sflag:s15] =	ssyncadd.s32 $0xFFFFD800  }
0x7e: {  	[spmem:s2] =	stream.indirect.scatter.add.f32 [tilespmem:s13], [sflag:$0x3], $0x80, s12, s22, $0xb8;
	[tilespmem:$0x1BE00] =	vst v63  }
0x7f: {  	s18 =	simm.s32 $0x28;
	_ =	swait.ge [sflag:s25], $0x2800  }
0x80: {  	s23 =	simm.s32 $0x14;
	s17 =	sadd.s32 $0xA0, s19;
	[sflag:s25] =	ssyncset.done $0x0  }
.LBB2_6:
0x81: {  	s28 =	sadd.s32 s23, s21  }
0x82: {  	[sflag:s25] =	ssyncadd.s32 $0xFFFFD800;
	s29 =	smov.u32 s18;
	s26 =	sadd.s32 $0x14, s18  }
0x83: {  	[tilespmem:s11], [sflag:$0x3] =	stream.linear.gather [hbm4b:s28+s3], $0x50, $0x38;
	[tilespmem:$0x1BE00] =	vst v63  }
0x84: {  	p0 =	sne.s32 s18, $0x4C4;
	_ =	swait.ge [sflag:s25], $0x50  }
0x85: {  	[sflag:s25] =	ssyncset.done $0x0  }
0x86: {  	s18 =	sadd.s32 s23, s20;
	s23 =	smov.u32 s29;
	[sflag:s25] =	ssyncadd.s32 $0xFFFFFFB0  }
0x87: {  	[tilespmem:s12], [sflag:$0x3] =	stream.linear.gather [hbm4b:s18+s3], $0x50, $0x38;
	[tilespmem:$0x1BE00] =	vst v63  }
0x88: {  	_ =	swait.ge [sflag:s25], $0x50  }
0x89: {  	[sflag:s25] =	ssyncset.done $0x0  }
0x8a: {  	[sflag:s25] =	ssyncadd.s32 $0xFFFFFFB0  }
0x8b: {  	[tilespmem:s13], [sflag:$0x2] =	stream.indirect.gather [hbm4b:s4+s22], $0x80, s11, s22, $0xb8;
	[tilespmem:$0x1BE00] =	vst v63  }
0x8c: {  	_ =	swait.ge [sflag:s14], $0x2800  }
0x8d: {  	[sflag:s14] =	ssyncset.done $0x0  }
0x8e: {  	[sflag:s14] =	ssyncadd.s32 $0xFFFFD800  }
0x8f: {  	[spmem:s2] =	stream.indirect.scatter.add.f32 [tilespmem:s9], [sflag:$0x3], $0x80, s8, s22, $0xb8;
	[tilespmem:$0x1BE00] =	vst v63  }
0x90: {  	_ =	swait.ge [sflag:s25], $0x2800  }
0x91: {  	s18 =	sshrl.u32 s17, $0x3;
	[sflag:s25] =	ssyncset.done $0x0  }
0x92: {  	s28 =	sadd.s32 s5, s18;
	[sflag:s25] =	ssyncadd.s32 $0xFFFFD800  }
0x93: {  	[tilespmem:s3], [sflag:$0x3] =	stream.linear.gather [hbm4b:s28+s3], $0x50, $0x38;
	[tilespmem:$0x1BE00] =	vst v63  }
0x94: {  	_ =	swait.ge [sflag:s25], $0x50  }
0x95: {  	[sflag:s25] =	ssyncset.done $0x0  }
0x96: {  	s18 =	sadd.s32 s6, s18;
	[sflag:s25] =	ssyncadd.s32 $0xFFFFFFB0  }
0x97: {  	[tilespmem:s8], [sflag:$0x3] =	stream.linear.gather [hbm4b:s18+s3], $0x50, $0x38;
	[tilespmem:$0x1BE00] =	vst v63  }
0x98: {  	_ =	swait.ge [sflag:s25], $0x50  }
0x99: {  	[sflag:s25] =	ssyncset.done $0x0  }
0x9a: {  	[sflag:s25] =	ssyncadd.s32 $0xFFFFFFB0  }
0x9b: {  	[tilespmem:s9], [sflag:$0x1] =	stream.indirect.gather [hbm4b:s4+s22], $0x80, s3, s22, $0xb8;
	[tilespmem:$0x1BE00] =	vst v63  }
0x9c: {  	_ =	swait.ge [sflag:s15], $0x2800  }
.Ltmp2:
0x9d: {  	[sflag:s15] =	ssyncset.done $0x0;
	(pc) =	sbr.rel @p0 .LBB2_6-.Ltmp2, $4  }
0x9e: {  	[sflag:s15] =	ssyncadd.s32 $0xFFFFD800  }
0x9f: {  	[spmem:s2] =	stream.indirect.scatter.add.f32 [tilespmem:s13], [sflag:$0x3], $0x80, s12, s22, $0xb8;
	[tilespmem:$0x1BE00] =	vst v63  }
0xa0: {  	_ =	swait.ge [sflag:s25], $0x2800  }
0xa1: {  	s17 =	sadd.s32 $0xA0, s17;
	s18 =	smov.u32 s26;
	[sflag:s25] =	ssyncset.done $0x0  }
0xa2: {  	s18 =	sadd.s32 s23, s21;
	[sflag:s25] =	ssyncadd.s32 $0xFFFFD800  }
0xa3: {  	[tilespmem:s11], [sflag:$0x3] =	stream.linear.gather [hbm4b:s18+s3], $0x50, $0x38;
	[tilespmem:$0x1BE00] =	vst v63  }
0xa4: {  	_ =	swait.ge [sflag:s25], $0x50  }
0xa5: {  	[sflag:s25] =	ssyncset.done $0x0  }
0xa6: {  	s23 =	sadd.s32 s23, s20;
	[sflag:s25] =	ssyncadd.s32 $0xFFFFFFB0  }
0xa7: {  	[tilespmem:s12], [sflag:$0x3] =	stream.linear.gather [hbm4b:s23+s3], $0x50, $0x38;
	[tilespmem:$0x1BE00] =	vst v63  }
0xa8: {  	_ =	swait.ge [sflag:s25], $0x50  }
0xa9: {  	[sflag:s25] =	ssyncset.done $0x0  }
0xaa: {  	[sflag:s25] =	ssyncadd.s32 $0xFFFFFFB0  }
0xab: {  	[tilespmem:s13], [sflag:$0x2] =	stream.indirect.gather [hbm4b:s4+s22], $0x80, s11, s22, $0xb8;
	[tilespmem:$0x1BE00] =	vst v63  }
0xac: {  	_ =	swait.ge [sflag:s14], $0x2800  }
0xad: {  	[sflag:s14] =	ssyncset.done $0x0  }
0xae: {  	[sflag:s14] =	ssyncadd.s32 $0xFFFFD800  }
0xaf: {  	[spmem:s2] =	stream.indirect.scatter.add.f32 [tilespmem:s9], [sflag:$0x3], $0x80, s8, s22, $0xb8;
	[tilespmem:$0x1BE00] =	vst v63  }
0xb0: {  	_ =	swait.ge [sflag:s25], $0x2800  }
0xb1: {  	s17 =	sshrl.u32 s17, $0x3;
	[sflag:s25] =	ssyncset.done $0x0  }
0xb2: {  	s26 =	sadd.s32 s5, s17;
	[sflag:s25] =	ssyncadd.s32 $0xFFFFD800  }
0xb3: {  	[tilespmem:s3], [sflag:$0x3] =	stream.linear.gather [hbm4b:s26+s3], $0x50, $0x38;
	[tilespmem:$0x1BE00] =	vst v63  }
0xb4: {  	_ =	swait.ge [sflag:s25], $0x50  }
0xb5: {  	[sflag:s25] =	ssyncset.done $0x0  }
0xb6: {  	s17 =	sadd.s32 s6, s17;
	[sflag:s25] =	ssyncadd.s32 $0xFFFFFFB0  }
0xb7: {  	[tilespmem:s8], [sflag:$0x3] =	stream.linear.gather [hbm4b:s17+s3], $0x50, $0x38;
	[tilespmem:$0x1BE00] =	vst v63  }
0xb8: {  	_ =	swait.ge [sflag:s25], $0x50  }
0xb9: {  	[sflag:s25] =	ssyncset.done $0x0  }
0xba: {  	[sflag:s25] =	ssyncadd.s32 $0xFFFFFFB0  }
0xbb: {  	[tilespmem:s9], [sflag:$0x1] =	stream.indirect.gather [hbm4b:s4+s22], $0x80, s3, s22, $0xb8;
	[tilespmem:$0x1BE00] =	vst v63  }
0xbc: {  	_ =	swait.ge [sflag:s15], $0x2800  }
0xbd: {  	[sflag:s15] =	ssyncset.done $0x0  }
0xbe: {  	[sflag:s15] =	ssyncadd.s32 $0xFFFFD800  }
0xbf: {  	[spmem:s2] =	stream.indirect.scatter.add.f32 [tilespmem:s13], [sflag:$0x3], $0x80, s12, s22, $0xb8;
	[tilespmem:$0x1BE00] =	vst v63  }
0xc0: {  	_ =	swait.ge [sflag:s25], $0x2800  }
0xc1: {  	[sflag:s25] =	ssyncset.done $0x0  }
0xc2: {  	[sflag:s25] =	ssyncadd.s32 $0xFFFFD800  }
0xc3: {  	_ =	swait.ge [sflag:s14], $0x2800  }
0xc4: {  	[sflag:s14] =	ssyncset.done $0x0  }
0xc5: {  	[sflag:s14] =	ssyncadd.s32 $0xFFFFD800  }
0xc6: {  	[spmem:s2] =	stream.indirect.scatter.add.f32 [tilespmem:s9], [sflag:$0x3], $0x80, s8, s22, $0xb8;
	[tilespmem:$0x1BE00] =	vst v63  }
0xc7: {  	_ =	swait.ge [sflag:s25], $0x2800  }
0xc8: {  	[sflag:s25] =	ssyncset.done $0x0  }
0xc9: {  	[sflag:s25] =	ssyncadd.s32 $0xFFFFD800  }
0xca: {  	s28 =	simm.s32 $0x7A00;
	[bflag:$0x0] =	sbarrier.arrive $0xFFFF  }
0xcb: {  	[tilespmem:s24], [sflag:$0x1] =	stream.indirect.gather [spmem:s2], $0x80, s28, s22, $0xb8;
	[tilespmem:$0x1BE00] =	vst v63  }
0xcc: {  	_ =	swait.ge [sflag:s14], $0x2800  }
0xcd: {  	[sflag:s14] =	ssyncset.done $0x0  }
0xce: {  	[sflag:s14] =	ssyncadd.s32 $0xFFFFD800  }
0xcf: {  	[hbm4b:s10+s3] =	stream.linear.scatter [tilespmem:s24], [sflag:$0x3], $0x2800, $0x38;
	[tilespmem:$0x1BE00] =	vst v63  }
0xd0: {  	_ =	swait.ge [sflag:s25], $0x2800  }
0xd1: {  	[sflag:s25] =	ssyncset.done $0x0  }
0xd2: {  	s29 =	simm.s32 $0x7A80;
	[sflag:s25] =	ssyncadd.s32 $0xFFFFD800  }
0xd3: {  	[tilespmem:s24], [sflag:$0x1] =	stream.indirect.gather [spmem:s2], $0x80, s29, s22, $0xb8;
	[tilespmem:$0x1BE00] =	vst v63  }
0xd4: {  	_ =	swait.ge [sflag:s14], $0x2800  }
0xd5: {  	[sflag:s14] =	ssyncset.done $0x0  }
0xd6: {  	s18 =	rddreg [dreg:$0x6];
	[sflag:s14] =	ssyncadd.s32 $0xFFFFD800  }
0xd7: {  	[hbm4b:s18+s3] =	stream.linear.scatter [tilespmem:s24], [sflag:$0x3], $0x2800, $0x38;
	[tilespmem:$0x1BE00] =	vst v63  }
0xd8: {  	_ =	swait.ge [sflag:s25], $0x2800  }
0xd9: {  	[sflag:s25] =	ssyncset.done $0x0  }
0xda: {  	s23 =	simm.s32 $0x7B00;
	[sflag:s25] =	ssyncadd.s32 $0xFFFFD800  }
0xdb: {  	[tilespmem:s24], [sflag:$0x1] =	stream.indirect.gather [spmem:s2], $0x80, s23, s22, $0xb8;
	[tilespmem:$0x1BE00] =	vst v63  }
0xdc: {  	_ =	swait.ge [sflag:s14], $0x2800  }
0xdd: {  	[sflag:s14] =	ssyncset.done $0x0  }
0xde: {  	s26 =	rddreg [dreg:$0x7];
	[sflag:s14] =	ssyncadd.s32 $0xFFFFD800  }
0xdf: {  	[hbm4b:s26+s3] =	stream.linear.scatter [tilespmem:s24], [sflag:$0x3], $0x2800, $0x38;
	[tilespmem:$0x1BE00] =	vst v63  }
0xe0: {  	_ =	swait.ge [sflag:s25], $0x2800  }
0xe1: {  	[sflag:s25] =	ssyncset.done $0x0  }
0xe2: {  	s28 =	simm.s32 $0x7B80;
	[sflag:s25] =	ssyncadd.s32 $0xFFFFD800  }
0xe3: {  	[tilespmem:s24], [sflag:$0x1] =	stream.indirect.gather [spmem:s2], $0x80, s28, s22, $0xb8;
	[tilespmem:$0x1BE00] =	vst v63  }
0xe4: {  	_ =	swait.ge [sflag:s14], $0x2800  }
0xe5: {  	[sflag:s14] =	ssyncset.done $0x0  }
0xe6: {  	s29 =	rddreg [dreg:$0x8];
	[sflag:s14] =	ssyncadd.s32 $0xFFFFD800  }
0xe7: {  	[hbm4b:s29+s3] =	stream.linear.scatter [tilespmem:s24], [sflag:$0x3], $0x2800, $0x38;
	[tilespmem:$0x1BE00] =	vst v63  }
0xe8: {  	_ =	swait.ge [sflag:s25], $0x2800  }
0xe9: {  	[sflag:s25] =	ssyncset.done $0x0  }
0xea: {  	[sflag:s25] =	ssyncadd.s32 $0xFFFFD800  }
0xeb: {  	[tilespmem:s24], [sflag:$0x1] =	stream.indirect.gather [spmem:s2], $0x80, s30, s22, $0xb8;
	[tilespmem:$0x1BE00] =	vst v63  }
0xec: {  	_ =	swait.ge [sflag:s14], $0x2800  }
0xed: {  	[sflag:s14] =	ssyncset.done $0x0  }
0xee: {  	s18 =	rddreg [dreg:$0x9];
	[sflag:s14] =	ssyncadd.s32 $0xFFFFD800  }
0xef: {  	[hbm4b:s18+s3] =	stream.linear.scatter [tilespmem:s24], [sflag:$0x3], $0x2800, $0x38;
	[tilespmem:$0x1BE00] =	vst v63  }
0xf0: {  	_ =	swait.ge [sflag:s25], $0x2800  }
0xf1: {  	[sflag:s25] =	ssyncset.done $0x0  }
0xf2: {  	[sflag:s25] =	ssyncadd.s32 $0xFFFFD800  }
0xf3: {  	[tilespmem:s24], [sflag:$0x1] =	stream.indirect.gather [spmem:s2], $0x80, s31, s22, $0xb8;
	[tilespmem:$0x1BE00] =	vst v63  }
0xf4: {  	_ =	swait.ge [sflag:s14], $0x2800  }
0xf5: {  	[sflag:s14] =	ssyncset.done $0x0  }
0xf6: {  	s23 =	rddreg [dreg:$0xa];
	[sflag:s14] =	ssyncadd.s32 $0xFFFFD800  }
0xf7: {  	[hbm4b:s23+s3] =	stream.linear.scatter [tilespmem:s24], [sflag:$0x3], $0x2800, $0x38;
	[tilespmem:$0x1BE00] =	vst v63  }
0xf8: {  	_ =	swait.ge [sflag:s25], $0x2800  }
0xf9: {  	[sflag:s25] =	ssyncset.done $0x0  }
0xfa: {  	[sflag:s25] =	ssyncadd.s32 $0xFFFFD800  }
0xfb: {  	[tilespmem:s24], [sflag:$0x1] =	stream.indirect.gather [spmem:s2], $0x80, s0, s22, $0xb8;
	[tilespmem:$0x1BE00] =	vst v63  }
0xfc: {  	_ =	swait.ge [sflag:s14], $0x2800  }
0xfd: {  	[sflag:s14] =	ssyncset.done $0x0  }
0xfe: {  	s26 =	rddreg [dreg:$0xb];
	[sflag:s14] =	ssyncadd.s32 $0xFFFFD800  }
0xff: {  	[hbm4b:s26+s3] =	stream.linear.scatter [tilespmem:s24], [sflag:$0x3], $0x2800, $0x38;
	[tilespmem:$0x1BE00] =	vst v63  }
0x100: {  	_ =	swait.ge [sflag:s25], $0x2800  }
0x101: {  	[sflag:s25] =	ssyncset.done $0x0  }
0x102: {  	[sflag:s25] =	ssyncadd.s32 $0xFFFFD800  }
0x103: {  	[tilespmem:s24], [sflag:$0x1] =	stream.indirect.gather [spmem:s2], $0x80, s1, s22, $0xb8;
	[tilespmem:$0x1BE00] =	vst v63  }
0x104: {  	_ =	swait.ge [sflag:s14], $0x2800  }
0x105: {  	[sflag:s14] =	ssyncset.done $0x0  }
0x106: {  	s28 =	rddreg [dreg:$0xc];
	[sflag:s14] =	ssyncadd.s32 $0xFFFFD800  }
0x107: {  	[hbm4b:s28+s3] =	stream.linear.scatter [tilespmem:s24], [sflag:$0x3], $0x2800, $0x38;
	[tilespmem:$0x1BE00] =	vst v63  }
0x108: {  	_ =	swait.ge [sflag:s25], $0x2800  }
0x109: {  	s16 =	sadd.s32 $0x1, s16;
	s29 =	rddreg [dreg:$0x5]  }
0x10a: {  	p0 =	sne.s32 s16, s29  }
.Ltmp3:
0x10b: {  	_ = 	snop;
	(pc) =	sbr.rel @p0 .LBB2_1-.Ltmp3, $3  }
0x10c: {  	_ =	sdelay $0x1  }
0x10d: {  	[sflag:s25] =	ssyncset.done $0x0  }
0x10e: {  	[sflag:s25] =	ssyncadd.s32 $0xFFFFD800  }
0x10f: {  	_ =	sfence.sel $0x180000  }
0x110: {  	[bflag:$0x0] =	sbarrier.arrive $0xFFFF  }
0x111: {  	_ =	strace $0x9000004A  }
0x112: {  	s0 =	stileid.u32;
	[bflag:$0x2] =	sbarrier.arrive $0xFFFF  }
0x113: {  	p0 =	sne.s32 s0, $0x0;
	s0 =	rddreg [dreg:$0x2]  }
0x114: {  	s0 =	sadd.s32 @!p0 $0x100000, s0  }
0x115: {  	[sflag:s0] =	ssyncadd.tile.s32 @!p0 $0x1;
	_ =	shalt  }
.Lfunc_end2:
_tile_overlayer_lowered:
.L_overlay_start_2:
0x116: {  	(tag) =	ssettag $0x2  }
0x117: {  	s0 =	rddreg [dreg:$0x0];
	s2 =	stileid.u32  }
0x118: {  	s1 =	rddreg [dreg:$0x1];
	p0 =	sne.s32 s2, $0x0  }
0x119: {  	s3 =	rddreg [dreg:$0x2];
	[bflag:$0x3] =	sbarrier.arrive $0xFFFF;
	s2 =	simm.s32 @!p0 $0x1C03  }
0x11a: {  	[timem:s3], [sflag:s2] =	dma.local @!p0 [hbm:s0], s1  }
0x11b: {  	s0 =	simm.s32 @!p0 $0x3  }
0x11c: {  	_ =	swait.ge @!p0 [sflag:s0], s1  }
0x11d: {  	s1 =	ssub.s32 @!p0 $0x0, s1;
	[sflag:s0] =	ssyncset.done @!p0 $0x0  }
0x11e: {  	[sflag:s0] =	ssyncadd.s32 @!p0 s1  }
0x11f: {  	[bflag:$0x3] =	sbarrier.arrive $0xFFFF  }
0x120: {  	_ =	shalt  }

// kernel: kernel.16.cloned.1.call-start
scs
__scs_entry_jumppad:
0x0: {  	(pc) =	sbr.rel $0x88, $3  }
0x1: {  	(tag) =	ssettag $0x0;
	lr =	simm.s32 $0x1  }
0x2: {  	[smem:$0x3F9B] =	sst lr;
	_ =	strace $0xD0000000  }
0x3: {  	_ = 	snop  }
0x4: {  	_ = 	snop  }
0x5: {  	_ = 	snop  }
0x6: {  	_ = 	snop  }
0x7: {  	_ = 	snop  }
__scs_overlays_trampoline_lowered:
0x8: {  	[smem:$0x3FAA] =	sst s0  }
0x9: {  	[smem:$0x3FAB] =	sst s1  }
0xa: {  	[smem:$0x3FAC] =	sst s2  }
0xb: {  	[smem:$0x3FAD] =	sst s3  }
0xc: {  	[smem:$0x3FAE] =	sst s4  }
0xd: {  	[smem:$0x3FAF] =	sst s5  }
0xe: {  	[smem:$0x3FB0] =	sst s6  }
0xf: {  	[smem:$0x3FB1] =	sst s7  }
0x10: {  	[smem:$0x3FB2] =	sst s8  }
0x11: {  	[smem:$0x3FB3] =	sst s9;
	s0 =	simm.s32 @!p0 $0x0  }
0x12: {  	s1 =	sld [smem:$0x3F99];
	s0 =	simm.s32 @p0 $0x1  }
0x13: {  	[smem:$0x3FB4] =	sst s0;
	s0 =	simm.s32 @!p1 $0x0  }
0x14: {  	s2 =	sld [smem:$0x3F98];
	s0 =	simm.s32 @p1 $0x1  }
0x15: {  	[smem:$0x3FB5] =	sst s0;
	s0 =	simm.s32 @!p2 $0x0  }
0x16: {  	s3 =	sld [smem:$0x3FDB];
	s0 =	simm.s32 @p2 $0x1  }
0x17: {  	s4 =	simm.s32 $0x1BF5;
	[smem:$0x3FB7] =	sst s0  }
0x18: {  	s0 =	sld [smem:$0x3F9A];
	_ =	swait.ge [sflag:s4], $0x0  }
0x19: {  	s7 =	sld [smem:$0x3F9B]  }
0x1a: {  	s8 =	sadd.s32 $0xFFFFE003, lr  }
0x1b: {  	s9 =	sadd.s32 $0xFFFFFEF7, lr;
	s5 =	simm.s32 $0xFFFFFFFF;
	p2 =	slt.u32 s8, $0xFFFFF086  }
0x1c: {  	p1 =	slt.u32 s9, $0xF7A;
	s5 =	simm.s32 @!p2 $0x0  }
0x1d: {  	s5 =	simm.s32 @p1 $0x1;
	p0 =	seq.s32 s7, s2  }
0x1e: {  	s7 =	smul.u32 @!p0 $0xF7A, s2;
	p2 =	seq.s32 @!p0 s5, $0x0  }
0x1f: {  	s9 =	smul.u32 $0xF7A, s1;
	s8 =	simm.s32 @!p0 $0x1BF5;
	p2 =	por !p2, p0  }
0x20: {  	[sflag:s8] =	ssyncset.s32 @!p0 $0xFFFFF086;
	s6 =	sadd.s32 @!p0 s3, s7;
	s7 =	simm.s32 @!p0 $0x108  }
0x21: {  	s3 =	sadd.s32 s3, s9;
	s6 =	sadd.s32 @!p0 $0x88, s6;
	s7 =	simm.s32 @p2 $0x1082  }
0x22: {  	[simem:s7], [sflag:s8] =	dma.local @!p0 [hbm:s6], $0xF7A  }
0x23: {  	s9 =	sor.u32 $0xD0000000, s2;
	s6 =	simm.s32 $0x108;
	_ =	swait.ge @!p0 [sflag:s8], $0x0  }
0x24: {  	s3 =	sadd.s32 $0x88, s3;
	s6 =	simm.s32 @!p1 $0x1082;
	[sflag:s4] =	ssyncset.s32 $0xFFFFF086  }
0x25: {  	[simem:s6], [sflag:s4] =	dma.local [hbm:s3], $0xF7A  }
0x26: {  	[smem:$0x3F9B] =	sst s1;
	(tag) =	ssettag s2;
	_ =	strace s9  }
0x27: {  	s1 =	sld [smem:$0x3FAB]  }
0x28: {  	s2 =	sld [smem:$0x3FAC]  }
0x29: {  	s4 =	sld [smem:$0x3FAE]  }
0x2a: {  	p0 =	seq.s32 s5, $0x0;
	s5 =	sld [smem:$0x3FAF]  }
0x2b: {  	s6 =	sld [smem:$0x3FB0]  }
0x2c: {  	s7 =	sld [smem:$0x3FB1]  }
0x2d: {  	s3 =	simm.s32 $0x108;
	s8 =	sld [smem:$0x3FB2]  }
0x2e: {  	s3 =	simm.s32 @!p0 $0x1082;
	s9 =	sld [smem:$0x3FB3]  }
0x2f: {  	lr =	sadd.s32 s0, s3;
	s0 =	sld [smem:$0x3FAA]  }
0x30: {  	s3 =	sld [smem:$0x3FAD]  }
0x31: {  	[smem:$0x3FB6] =	sst s10  }
0x32: {  	s10 =	sld [smem:$0x3FB4];
	_ =	sdelay $0x3  }
0x33: {  	p0 =	seq.s32 s10, $0x1;
	s10 =	sld [smem:$0x3FB6];
	_ =	sdelay $0x3  }
0x34: {  	[smem:$0x3FB6] =	sst s10  }
0x35: {  	s10 =	sld [smem:$0x3FB5];
	_ =	sdelay $0x3  }
0x36: {  	p1 =	seq.s32 s10, $0x1;
	s10 =	sld [smem:$0x3FB6];
	_ =	sdelay $0x3  }
0x37: {  	[smem:$0x3FB6] =	sst s10  }
0x38: {  	s10 =	sld [smem:$0x3FB7]  }
0x39: {  	_ = 	snop;
	(pc) =	sbr.ind lr, $3  }
0x3a: {  	_ = 	snop  }
0x3b: {  	_ = 	snop  }
0x3c: {  	p2 =	seq.s32 s10, $0x1;
	s10 =	sld [smem:$0x3FB6]  }
0x3d: {  	_ =	shalt  }
0x3e: {  	_ =	shalt  }
0x3f: {  	_ =	shalt  }
0x40: {  	_ =	shalt  }
0x41: {  	_ =	shalt  }
0x42: {  	_ =	shalt  }
0x43: {  	_ =	shalt  }
0x44: {  	_ =	shalt  }
0x45: {  	_ =	shalt  }
0x46: {  	_ =	shalt  }
0x47: {  	_ =	shalt  }
0x48: {  	_ =	shalt  }
0x49: {  	_ =	shalt  }
0x4a: {  	_ =	shalt  }
0x4b: {  	_ =	shalt  }
0x4c: {  	_ =	shalt  }
0x4d: {  	_ =	shalt  }
0x4e: {  	_ =	shalt  }
0x4f: {  	_ =	shalt  }
0x50: {  	_ =	shalt  }
0x51: {  	_ =	shalt  }
0x52: {  	_ =	shalt  }
0x53: {  	_ =	shalt  }
0x54: {  	_ =	shalt  }
0x55: {  	_ =	shalt  }
0x56: {  	_ =	shalt  }
0x57: {  	_ =	shalt  }
0x58: {  	_ =	shalt  }
0x59: {  	_ =	shalt  }
0x5a: {  	_ =	shalt  }
0x5b: {  	_ =	shalt  }
0x5c: {  	_ =	shalt  }
0x5d: {  	_ =	shalt  }
0x5e: {  	_ =	shalt  }
0x5f: {  	_ =	shalt  }
0x60: {  	_ =	shalt  }
0x61: {  	_ =	shalt  }
0x62: {  	_ =	shalt  }
0x63: {  	_ =	shalt  }
0x64: {  	_ =	shalt  }
0x65: {  	_ =	shalt  }
0x66: {  	_ =	shalt  }
0x67: {  	_ =	shalt  }
0x68: {  	_ =	shalt  }
0x69: {  	_ =	shalt  }
0x6a: {  	_ =	shalt  }
0x6b: {  	_ =	shalt  }
0x6c: {  	_ =	shalt  }
0x6d: {  	_ =	shalt  }
0x6e: {  	_ =	shalt  }
0x6f: {  	_ =	shalt  }
0x70: {  	_ =	shalt  }
0x71: {  	_ =	shalt  }
0x72: {  	_ =	shalt  }
0x73: {  	_ =	shalt  }
0x74: {  	_ =	shalt  }
0x75: {  	_ =	shalt  }
0x76: {  	_ =	shalt  }
0x77: {  	_ =	shalt  }
0x78: {  	_ =	shalt  }
0x79: {  	_ =	shalt  }
0x7a: {  	_ =	shalt  }
0x7b: {  	_ =	shalt  }
0x7c: {  	_ =	shalt  }
0x7d: {  	_ =	shalt  }
0x7e: {  	_ =	shalt  }
0x7f: {  	_ =	shalt  }
0x80: {  	_ =	shalt  }
0x81: {  	_ =	shalt  }
0x82: {  	_ =	shalt  }
0x83: {  	_ =	shalt  }
0x84: {  	_ =	shalt  }
0x85: {  	_ =	shalt  }
0x86: {  	_ =	shalt  }
0x87: {  	_ =	shalt  }
.Lfunc_end0:
.L_simem_size_0:
called_computation.2_lowered:
.L_overlay_start_0:
0x88: {  	s2 =	sld [smem:$0x3FD9]  }
0x89: {  	s3 =	sld [smem:$0x3FFE];
	_ =	sdelay $0x1  }
0x8a: {  	s1 =	srdreg.scid  }
0x8b: {  	s0 =	sand.u32 $0x1, s1  }
0x8c: {  	s16 =	sshll.u32 s0, $0xA;
	s2 =	sadd.s32 s3, s2  }
0x8d: {  	s2 =	sadd.s32 s2, s16  }
0x8e: {  	[smem:$0x3FC2] =	sst s2  }
0x8f: {  	_ = 	snop  }
0x90: {  	(tm) =	ssettm $0x1  }
0x91: {  	s17 =	sld [smem:$0x3FFB];
	_ =	sdelay $0x3  }
0x92: {  	_ =	strace s17  }
0x93: {  	s2 =	sld [smem:$0x3FFC];
	_ =	sdelay $0x3  }
0x94: {  	_ =	strace s2  }
0x95: {  	s2 =	sld [smem:$0x3FFD];
	_ =	sdelay $0x3  }
0x96: {  	_ =	strace s2  }
0x97: {  	_ =	strace $0x8FFFFFFF  }
0x98: {  	s18 =	sld [smem:$0x3FDB];
	_ =	sdelay $0x1  }
0x99: {  	s19 =	simm.s32 $_scs_section_size  }
0x9a: {  	s4 =	simm.s32 $_size__tile_overlayer_lowered;
	s5 =	simm.s32 $_tile_overlayer_lowered  }
0x9b: {  	s22 =	simm.s32 $0x1BFF;
	s21 =	sshll.u32 s5, $0x1;
	s2 =	sadd.s32 s19, s18  }
0x9c: {  	s6 =	simm.s32 $0x0;
	s20 =	sshll.u32 s4, $0x1;
	s4 =	sadd.s32 s21, s2  }
0x9d: {  	[timem:s6], [sflag:s22] =	dma.local [hbm:s4], s20  }
0x9e: {  	_ =	swait.ge [sflag:s22], s20  }
0x9f: {  	s3 =	ssub.s32 $0x0, s20;
	[sflag:s22] =	ssyncset.done $0x0  }
0xa0: {  	[sflag:s22] =	ssyncadd.s32 s3;
	_ =	sdelay $0x1  }
0xa1: {  	s23 =	simm.s32 $0x1B8B  }
0xa2: {  	_ =	swait.ge [sflag:s23], $0x1  }
0xa3: {  	[sflag:s23] =	ssyncset.done $0x0  }
0xa4: {  	s25 =	simm.s32 $0x1B8E;
	s24 =	sld [smem:$0x3FFE];
	[sflag:s23] =	ssyncadd.s32 $0xFFFFFFFF  }
0xa5: {  	s26 =	simm.s32 $execute0_lowered;
	[smem:$0x3FD2] =	sst s25  }
0xa6: {  	s4 =	sshll.u32 s26, $0x1;
	_ =	strace $0x8000004C;
	[dreg:$0x1] =	wrdreg $0xFFFFFFFF  }
0xa7: {  	s28 =	simm.s32 $_size_execute0_lowered;
	s2 =	sadd.s32 s2, s4;
	[dreg:$0x0] =	wrdreg $0x0  }
0xa8: {  	s4 =	sshll.u32 s28, $0x1;
	[dreg:$0x2] =	wrdreg s2  }
0xa9: {  	[dreg:$0x3] =	wrdreg s4  }
0xaa: {  	[dreg:$0x4] =	wrdreg $0xC0  }
0xab: {  	_ =	task [dreg:s6], $0x5FFFF  }
0xac: {  	[dreg:$0x1] =	wrdreg $0xFFFFFFFF  }
0xad: {  	[dreg:$0x0] =	wrdreg $0x60  }
0xae: {  	[dreg:$0x2] =	wrdreg s24  }
0xaf: {  	[dreg:$0x3] =	wrdreg $0x7E000  }
0xb0: {  	[dreg:$0x4] =	wrdreg $0x9  }
0xb1: {  	_ =	task.clear_ibuf [dreg:s6], $0x5FFFF;
	_ =	strace $0x9000004C  }
0xb2: {  	s29 =	simm.s32 $0x9;
	_ =	strace $0x8000004E  }
0xb3: {  	_ =	swait.ge [sflag:s29], $0x1  }
0xb4: {  	[sflag:s29] =	ssyncadd.s32 $0xFFFFFFFF  }
0xb5: {  	_ =	strace $0x9000004E  }
0xb6: {  	_ =	sfence  }
0xb7: {  	s30 =	sld [smem:$0x0];
	_ =	sdelay $0x2  }
0xb8: {  	s31 =	sshll.u32 s1, $0xD;
	s1 =	sshrl.u32 s1, $0x2  }
0xb9: {  	s3 =	sand.u32 $0x4000, s31;
	s1 =	sadd.s32 s1, s30  }
0xba: {  	s0 =	sor.u32 s3, s0;
	s1 =	sshll.u32 s1, $0x11  }
0xbb: {  	s0 =	sor.u32 s1, s0  }
0xbc: {  	s0 =	sadd.s32 $0x8F2B, s0  }
0xbd: {  	[sflag:s0] =	ssyncadd.remote.s32 $0x1  }
0xbe: {  	_ =	sfence.sel $0xFFFF  }
0xbf: {  	[dreg:$0x0] =	wrdreg $0xFFFFFFFF;
	(pc) =	sbr.abs _section_cstart, $3  }
0xc0: {  	[dreg:$0x1] =	wrdreg $0xFFFFFFFF  }
0xc1: {  	_ =	task.clear_ibuf [dreg:s6], $0x2FFFF;
	_ =	strace $0x9FFFFFFF  }
0xc2: {  	(tm) =	ssettm $0x7FFFFFFF  }
0xc3: {  	_ =	shalt  }
tec
execute0_lowered:
.L_overlay_start_1:
0x0: {  	(tag) =	ssettag $0x1  }
0x1: {  	s0 =	rddreg [dreg:$0x0]  }
0x2: {  	s2 =	rddreg [dreg:$0x1];
	s3 =	simm.s32 $0x0;
	s1 =	srdreg.scid  }
0x3: {  	s13 =	stileid.u32;
	s30 =	simm.s32 $0x7C00;
	s31 =	simm.s32 $0x7C80  }
0x4: {  	s14 =	simm.s32 $0x1;
	s15 =	simm.s32 $0x2;
	s11 =	smul.u32 $0x14000, s13  }
0x5: {  	[smem:$0x7FF] =	sst s3;
	s1 =	sand.u32 $0x1, s1;
	s18 =	smul.u32 $0x4E20, s13  }
0x6: {  	s4 =	sshll.u32 s13, $0x1;
	s5 =	sadd.s32 $0xC200, s0;
	s9 =	smul.u32 $0x140000, s1  }
0x7: {  	s6 =	sor.u32 s1, s4;
	s7 =	ssub.s32 $0x2, s1;
	s1 =	smul.u32 $0x2710, s1  }
0x8: {  	_ =	strace $0x8000004D;
	s4 =	sadd.s32 $0x16000, s0;
	s8 =	smul.u32 $0x2710, s6  }
0x9: {  	s6 =	sadd.s32 $0x2400, s0;
	s0 =	sadd.s32 $0x3D200, s0;
	s10 =	sshrl.u32 s7, $0x1  }
0xa: {  	s12 =	ssub.s32 s7, s10;
	s7 =	smul.u32 $0x280, s13;
	s17 =	sadd.s32 s9, s11  }
0xb: {  	s23 =	sadd.s32 s1, s18;
	s1 =	simm.s32 $0x7D80;
	s11 =	simm.s32 $0x100  }
0xc: {  	s13 =	simm.s32 $0x2A00;
	s8 =	sshrl.u32 s8, $0x3;
	s19 =	smax.u32 s12, $0x1  }
0xd: {  	s9 =	sshrl.u32 s17, $0x3;
	s16 =	sadd.s32 s5, s8;
	[dreg:$0x5] =	wrdreg s19  }
0xe: {  	s8 =	sadd.s32 s6, s8;
	s10 =	sadd.s32 s0, s9;
	[dreg:$0x3] =	wrdreg s16  }
0xf: {  	s26 =	sadd.s32 $0x50, s23;
	[dreg:$0x4] =	wrdreg s8;
	s20 =	sadd.s32 $0xA00, s10  }
0x10: {  	s12 =	simm.s32 $0x180;
	s21 =	sadd.s32 $0xF00, s10;
	[dreg:$0x7] =	wrdreg s20  }
0x11: {  	s19 =	sadd.s32 $0xA0, s23;
	s22 =	sadd.s32 $0x1400, s10;
	[dreg:$0x8] =	wrdreg s21  }
0x12: {  	s29 =	sshrl.u32 s26, $0x3;
	s24 =	sadd.s32 $0x1900, s10;
	[dreg:$0x9] =	wrdreg s22  }
0x13: {  	s9 =	simm.s32 $0x200;
	s25 =	sadd.s32 $0x1E00, s10;
	[dreg:$0xa] =	wrdreg s24  }
0x14: {  	s8 =	sor.u32 $0x2800, s17;
	s28 =	sadd.s32 $0x2300, s10;
	[dreg:$0xb] =	wrdreg s25  }
0x15: {  	s16 =	simm.s32 $0x0;
	s8 =	sshrl.u32 s8, $0x3;
	[dreg:$0xc] =	wrdreg s28  }
0x16: {  	s20 =	sadd.s32 s29, s6;
	s21 =	sadd.s32 s29, s5;
	s22 =	simm.s32 $0x50  }
0x17: {  	s24 =	simm.s32 $0x5200;
	s25 =	simm.s32 $0x3;
	s0 =	sadd.s32 s0, s8  }
0x18: {  	v0 =	vimm.f32 $0.0e+00;
	v1 =	vlaneseq.u32;
	s8 =	simm.s32 $0x80;
	[dreg:$0x6] =	wrdreg s0;
	s0 =	simm.s32 $0x7D00  }
.LBB2_1:
0x19: {  	s17 =	simm.s32 $0x70;
	s18 =	simm.s32 $0x3C0  }
.LBB2_2:
0x1a: {  	p0 =	sne.s32 s18, $0x9FC0;
	[tilespmem:s17+$0x5200] =	vst v0  }
0x1b: {  	[tilespmem:s17+$0x5190] =	vst v0  }
0x1c: {  	[tilespmem:s17+$0x51A0] =	vst v0  }
.Ltmp0:
0x1d: {  	[tilespmem:s17+$0x51B0] =	vst v0;
	(pc) =	sbr.rel @p0 .LBB2_2-.Ltmp0, $4  }
0x1e: {  	[tilespmem:s17+$0x51C0] =	vst v0  }
0x1f: {  	[tilespmem:s17+$0x51D0] =	vst v0  }
0x20: {  	[tilespmem:s17+$0x51E0] =	vst v0  }
0x21: {  	[tilespmem:s17+$0x51F0] =	vst v0;
	s17 =	sshra.s32 s18, $0x2;
	s18 =	sadd.s32 $0x200, s18  }
0x22: {  	[tilespmem:s17+$0x5200] =	vst v0  }
0x23: {  	[tilespmem:s17+$0x5190] =	vst v0  }
0x24: {  	[tilespmem:s17+$0x51A0] =	vst v0  }
0x25: {  	[tilespmem:s17+$0x51B0] =	vst v0  }
0x26: {  	[tilespmem:s17+$0x51C0] =	vst v0  }
0x27: {  	[tilespmem:s17+$0x51D0] =	vst v0;
	s23 =	sadd.s32 $0x0, s7  }
0x28: {  	[tilespmem:s17+$0x51E0] =	vst v0;
	s18 =	sadd.s32 $0x40, s23  }
0x29: {  	[tilespmem:s17+$0x51F0] =	vst v0;
	s17 =	simm.s32 $0x7A20;
	s26 =	sadd.s32 $0x10, s23;
	v2 =	vor.u32 s18, v1  }
0x2a: {  	s28 =	sadd.s32 $0x20, s23;
	v3 =	vor.u32 s26, v1;
	[tilespmem:s17+$0x20] =	vst v2  }
0x2b: {  	s29 =	sadd.s32 $0x30, s23;
	v4 =	vor.u32 s28, v1;
	[tilespmem:s17+$0xFFFFFFF0] =	vst v3  }
0x2c: {  	s18 =	simm.s32 $0x50;
	v2 =	vor.u32 s23, v1;
	v3 =	vor.u32 s29, v1;
	[tilespmem:s17+$0x0] =	vst v4  }
.LBB2_4:
0x2d: {  	s23 =	sadd.s32 s18, s7  }
0x2e: {  	p0 =	sne.s32 s18, $0x230;
	s18 =	sadd.s32 $0x50, s18;
	[tilespmem:s17+$0x10] =	vst v3;
	s26 =	sadd.s32 $0x10, s23  }
.Ltmp1:
0x2f: {  	s28 =	sadd.s32 $0x20, s23;
	s29 =	sadd.s32 $0x40, s23;
	[tilespmem:s17+$0xFFFFFFE0] =	vst v2;
	v2 =	vor.u32 s23, v1;
	(pc) =	sbr.rel @p0 .LBB2_4-.Ltmp1, $4  }
0x30: {  	s23 =	sadd.s32 $0x30, s23;
	s17 =	sadd.s32 $0x80, s17;
	v4 =	vor.u32 s26, v1;
	v5 =	vor.u32 s28, v1;
	v6 =	vor.u32 s29, v1  }
0x31: {  	v3 =	vor.u32 s23, v1;
	[tilespmem:s17+$0x20] =	vst v6  }
0x32: {  	[tilespmem:s17+$0xFFFFFFF0] =	vst v4  }
0x33: {  	[tilespmem:s17+$0x0] =	vst v5  }
0x34: {  	[tilespmem:s17+$0x10] =	vst v3  }
0x35: {  	[tilespmem:s17+$0xFFFFFFE0] =	vst v2;
	s29 =	simm.s32 $0x7A00  }
0x36: {  	[spmem:s2] =	stream.indirect.scatter [tilespmem:s24], [sflag:$0x3], $0x80, s29, s22, $0xb8;
	[tilespmem:$0x1BE00] =	vst v63  }
0x37: {  	_ =	swait.ge [sflag:s25], $0x2800  }
0x38: {  	[sflag:s25] =	ssyncset.done $0x0  }
0x39: {  	s18 =	simm.s32 $0x7A80;
	[sflag:s25] =	ssyncadd.s32 $0xFFFFD800  }
0x3a: {  	[spmem:s2] =	stream.indirect.scatter [tilespmem:s24], [sflag:$0x3], $0x80, s18, s22, $0xb8;
	[tilespmem:$0x1BE00] =	vst v63  }
0x3b: {  	_ =	swait.ge [sflag:s25], $0x2800  }
0x3c: {  	[sflag:s25] =	ssyncset.done $0x0  }
0x3d: {  	s23 =	simm.s32 $0x7B00;
	[sflag:s25] =	ssyncadd.s32 $0xFFFFD800  }
0x3e: {  	[spmem:s2] =	stream.indirect.scatter [tilespmem:s24], [sflag:$0x3], $0x80, s23, s22, $0xb8;
	[tilespmem:$0x1BE00] =	vst v63  }
0x3f: {  	_ =	swait.ge [sflag:s25], $0x2800  }
0x40: {  	[sflag:s25] =	ssyncset.done $0x0  }
0x41: {  	s26 =	simm.s32 $0x7B80;
	[sflag:s25] =	ssyncadd.s32 $0xFFFFD800  }
0x42: {  	[spmem:s2] =	stream.indirect.scatter [tilespmem:s24], [sflag:$0x3], $0x80, s26, s22, $0xb8;
	[tilespmem:$0x1BE00] =	vst v63  }
0x43: {  	_ =	swait.ge [sflag:s25], $0x2800  }
0x44: {  	[sflag:s25] =	ssyncset.done $0x0  }
0x45: {  	[sflag:s25] =	ssyncadd.s32 $0xFFFFD800  }
0x46: {  	[spmem:s2] =	stream.indirect.scatter [tilespmem:s24], [sflag:$0x3], $0x80, s30, s22, $0xb8;
	[tilespmem:$0x1BE00] =	vst v63  }
0x47: {  	_ =	swait.ge [sflag:s25], $0x2800  }
0x48: {  	[sflag:s25] =	ssyncset.done $0x0  }
0x49: {  	[sflag:s25] =	ssyncadd.s32 $0xFFFFD800  }
0x4a: {  	[spmem:s2] =	stream.indirect.scatter [tilespmem:s24], [sflag:$0x3], $0x80, s31, s22, $0xb8;
	[tilespmem:$0x1BE00] =	vst v63  }
0x4b: {  	_ =	swait.ge [sflag:s25], $0x2800  }
0x4c: {  	[sflag:s25] =	ssyncset.done $0x0  }
0x4d: {  	[sflag:s25] =	ssyncadd.s32 $0xFFFFD800  }
0x4e: {  	[spmem:s2] =	stream.indirect.scatter [tilespmem:s24], [sflag:$0x3], $0x80, s0, s22, $0xb8;
	[tilespmem:$0x1BE00] =	vst v63  }
0x4f: {  	_ =	swait.ge [sflag:s25], $0x2800  }
0x50: {  	[sflag:s25] =	ssyncset.done $0x0  }
0x51: {  	[sflag:s25] =	ssyncadd.s32 $0xFFFFD800  }
0x52: {  	[spmem:s2] =	stream.indirect.scatter [tilespmem:s24], [sflag:$0x3], $0x80, s1, s22, $0xb8;
	[tilespmem:$0x1BE00] =	vst v63  }
0x53: {  	_ =	swait.ge [sflag:s25], $0x2800  }
0x54: {  	[sflag:s25] =	ssyncset.done $0x0  }
0x55: {  	[sflag:s25] =	ssyncadd.s32 $0xFFFFD800  }
0x56: {  	[bflag:$0x0] =	sbarrier.arrive $0xFFFF  }
0x57: {  	s28 =	simm.s32 $0x0;
	s18 =	rddreg [dreg:$0x3]  }
0x58: {  	[tilespmem:s28], [sflag:$0x3] =	stream.linear.gather [hbm4b:s18+s28], $0x50, $0x38;
	[tilespmem:$0x1BE00] =	vst v63  }
0x59: {  	_ =	swait.ge [sflag:s25], $0x50  }
0x5a: {  	[sflag:s25] =	ssyncset.done $0x0  }
0x5b: {  	s29 =	rddreg [dreg:$0x4];
	[sflag:s25] =	ssyncadd.s32 $0xFFFFFFB0  }
0x5c: {  	[tilespmem:s8], [sflag:$0x3] =	stream.linear.gather [hbm4b:s29+s28], $0x50, $0x38;
	[tilespmem:$0x1BE00] =	vst v63  }
0x5d: {  	_ =	swait.ge [sflag:s25], $0x50  }
0x5e: {  	[sflag:s25] =	ssyncset.done $0x0  }
0x5f: {  	[sflag:s25] =	ssyncadd.s32 $0xFFFFFFB0  }
0x60: {  	[tilespmem:s9], [sflag:$0x1] =	stream.indirect.gather [hbm4b:s4+s22], $0x80, s28, s22, $0xb8;
	[tilespmem:$0x1BE00] =	vst v63  }
0x61: {  	s23 =	sadd.s32 $0x0, s21  }
0x62: {  	[tilespmem:s11], [sflag:$0x3] =	stream.linear.gather [hbm4b:s23+s3], $0x50, $0x38;
	[tilespmem:$0x1BE00] =	vst v63  }
0x63: {  	_ =	swait.ge [sflag:s25], $0x50  }
0x64: {  	[sflag:s25] =	ssyncset.done $0x0  }
0x65: {  	s26 =	sadd.s32 $0x0, s20;
	[sflag:s25] =	ssyncadd.s32 $0xFFFFFFB0  }
0x66: {  	[tilespmem:s12], [sflag:$0x3] =	stream.linear.gather [hbm4b:s26+s3], $0x50, $0x38;
	[tilespmem:$0x1BE00] =	vst v63  }
0x67: {  	_ =	swait.ge [sflag:s25], $0x50  }
0x68: {  	[sflag:s25] =	ssyncset.done $0x0  }
0x69: {  	[sflag:s25] =	ssyncadd.s32 $0xFFFFFFB0  }
0x6a: {  	[tilespmem:s13], [sflag:$0x2] =	stream.indirect.gather [hbm4b:s4+s22], $0x80, s11, s22, $0xb8;
	[tilespmem:$0x1BE00] =	vst v63  }
0x6b: {  	_ =	swait.ge [sflag:s14], $0x2800  }
0x6c: {  	[sflag:s14] =	ssyncset.done $0x0  }
0x6d: {  	[sflag:s14] =	ssyncadd.s32 $0xFFFFD800  }
0x6e: {  	[spmem:s2] =	stream.indirect.scatter.add.f32 [tilespmem:s9], [sflag:$0x3], $0x80, s8, s22, $0xb8;
	[tilespmem:$0x1BE00] =	vst v63  }
0x6f: {  	_ =	swait.ge [sflag:s25], $0x2800  }
0x70: {  	s28 =	sshrl.u32 s19, $0x3;
	[sflag:s25] =	ssyncset.done $0x0  }
0x71: {  	s29 =	sadd.s32 s5, s28;
	[sflag:s25] =	ssyncadd.s32 $0xFFFFD800  }
0x72: {  	[tilespmem:s3], [sflag:$0x3] =	stream.linear.gather [hbm4b:s29+s3], $0x50, $0x38;
	[tilespmem:$0x1BE00] =	vst v63  }
0x73: {  	_ =	swait.ge [sflag:s25], $0x50  }
0x74: {  	[sflag:s25] =	ssyncset.done $0x0  }
0x75: {  	s17 =	sadd.s32 s6, s28;
	[sflag:s25] =	ssyncadd.s32 $0xFFFFFFB0  }
0x76: {  	[tilespmem:s8], [sflag:$0x3] =	stream.linear.gather [hbm4b:s17+s3], $0x50, $0x38;
	[tilespmem:$0x1BE00] =	vst v63  }
0x77: {  	_ =	swait.ge [sflag:s25], $0x50  }
0x78: {  	[sflag:s25] =	ssyncset.done $0x0  }
0x79: {  	[sflag:s25] =	ssyncadd.s32 $0xFFFFFFB0  }
0x7a: {  	[tilespmem:s9], [sflag:$0x1] =	stream.indirect.gather [hbm4b:s4+s22], $0x80, s3, s22, $0xb8;
	[tilespmem:$0x1BE00] =	vst v63  }
0x7b: {  	_ =	swait.ge [sflag:s15], $0x2800  }
0x7c: {  	[sflag:s15] =	ssyncset.done $0x0  }
0x7d: {  	[sflag:s15] =	ssyncadd.s32 $0xFFFFD800  }
0x7e: {  	[spmem:s2] =	stream.indirect.scatter.add.f32 [tilespmem:s13], [sflag:$0x3], $0x80, s12, s22, $0xb8;
	[tilespmem:$0x1BE00] =	vst v63  }
0x7f: {  	s18 =	simm.s32 $0x28;
	_ =	swait.ge [sflag:s25], $0x2800  }
0x80: {  	s23 =	simm.s32 $0x14;
	s17 =	sadd.s32 $0xA0, s19;
	[sflag:s25] =	ssyncset.done $0x0  }
.LBB2_6:
0x81: {  	s28 =	sadd.s32 s23, s21  }
0x82: {  	[sflag:s25] =	ssyncadd.s32 $0xFFFFD800;
	s29 =	smov.u32 s18;
	s26 =	sadd.s32 $0x14, s18  }
0x83: {  	[tilespmem:s11], [sflag:$0x3] =	stream.linear.gather [hbm4b:s28+s3], $0x50, $0x38;
	[tilespmem:$0x1BE00] =	vst v63  }
0x84: {  	p0 =	sne.s32 s18, $0x4C4;
	_ =	swait.ge [sflag:s25], $0x50  }
0x85: {  	[sflag:s25] =	ssyncset.done $0x0  }
0x86: {  	s18 =	sadd.s32 s23, s20;
	s23 =	smov.u32 s29;
	[sflag:s25] =	ssyncadd.s32 $0xFFFFFFB0  }
0x87: {  	[tilespmem:s12], [sflag:$0x3] =	stream.linear.gather [hbm4b:s18+s3], $0x50, $0x38;
	[tilespmem:$0x1BE00] =	vst v63  }
0x88: {  	_ =	swait.ge [sflag:s25], $0x50  }
0x89: {  	[sflag:s25] =	ssyncset.done $0x0  }
0x8a: {  	[sflag:s25] =	ssyncadd.s32 $0xFFFFFFB0  }
0x8b: {  	[tilespmem:s13], [sflag:$0x2] =	stream.indirect.gather [hbm4b:s4+s22], $0x80, s11, s22, $0xb8;
	[tilespmem:$0x1BE00] =	vst v63  }
0x8c: {  	_ =	swait.ge [sflag:s14], $0x2800  }
0x8d: {  	[sflag:s14] =	ssyncset.done $0x0  }
0x8e: {  	[sflag:s14] =	ssyncadd.s32 $0xFFFFD800  }
0x8f: {  	[spmem:s2] =	stream.indirect.scatter.add.f32 [tilespmem:s9], [sflag:$0x3], $0x80, s8, s22, $0xb8;
	[tilespmem:$0x1BE00] =	vst v63  }
0x90: {  	_ =	swait.ge [sflag:s25], $0x2800  }
0x91: {  	s18 =	sshrl.u32 s17, $0x3;
	[sflag:s25] =	ssyncset.done $0x0  }
0x92: {  	s28 =	sadd.s32 s5, s18;
	[sflag:s25] =	ssyncadd.s32 $0xFFFFD800  }
0x93: {  	[tilespmem:s3], [sflag:$0x3] =	stream.linear.gather [hbm4b:s28+s3], $0x50, $0x38;
	[tilespmem:$0x1BE00] =	vst v63  }
0x94: {  	_ =	swait.ge [sflag:s25], $0x50  }
0x95: {  	[sflag:s25] =	ssyncset.done $0x0  }
0x96: {  	s18 =	sadd.s32 s6, s18;
	[sflag:s25] =	ssyncadd.s32 $0xFFFFFFB0  }
0x97: {  	[tilespmem:s8], [sflag:$0x3] =	stream.linear.gather [hbm4b:s18+s3], $0x50, $0x38;
	[tilespmem:$0x1BE00] =	vst v63  }
0x98: {  	_ =	swait.ge [sflag:s25], $0x50  }
0x99: {  	[sflag:s25] =	ssyncset.done $0x0  }
0x9a: {  	[sflag:s25] =	ssyncadd.s32 $0xFFFFFFB0  }
0x9b: {  	[tilespmem:s9], [sflag:$0x1] =	stream.indirect.gather [hbm4b:s4+s22], $0x80, s3, s22, $0xb8;
	[tilespmem:$0x1BE00] =	vst v63  }
0x9c: {  	_ =	swait.ge [sflag:s15], $0x2800  }
.Ltmp2:
0x9d: {  	[sflag:s15] =	ssyncset.done $0x0;
	(pc) =	sbr.rel @p0 .LBB2_6-.Ltmp2, $4  }
0x9e: {  	[sflag:s15] =	ssyncadd.s32 $0xFFFFD800  }
0x9f: {  	[spmem:s2] =	stream.indirect.scatter.add.f32 [tilespmem:s13], [sflag:$0x3], $0x80, s12, s22, $0xb8;
	[tilespmem:$0x1BE00] =	vst v63  }
0xa0: {  	_ =	swait.ge [sflag:s25], $0x2800  }
0xa1: {  	s17 =	sadd.s32 $0xA0, s17;
	s18 =	smov.u32 s26;
	[sflag:s25] =	ssyncset.done $0x0  }
0xa2: {  	s18 =	sadd.s32 s23, s21;
	[sflag:s25] =	ssyncadd.s32 $0xFFFFD800  }
0xa3: {  	[tilespmem:s11], [sflag:$0x3] =	stream.linear.gather [hbm4b:s18+s3], $0x50, $0x38;
	[tilespmem:$0x1BE00] =	vst v63  }
0xa4: {  	_ =	swait.ge [sflag:s25], $0x50  }
0xa5: {  	[sflag:s25] =	ssyncset.done $0x0  }
0xa6: {  	s23 =	sadd.s32 s23, s20;
	[sflag:s25] =	ssyncadd.s32 $0xFFFFFFB0  }
0xa7: {  	[tilespmem:s12], [sflag:$0x3] =	stream.linear.gather [hbm4b:s23+s3], $0x50, $0x38;
	[tilespmem:$0x1BE00] =	vst v63  }
0xa8: {  	_ =	swait.ge [sflag:s25], $0x50  }
0xa9: {  	[sflag:s25] =	ssyncset.done $0x0  }
0xaa: {  	[sflag:s25] =	ssyncadd.s32 $0xFFFFFFB0  }
0xab: {  	[tilespmem:s13], [sflag:$0x2] =	stream.indirect.gather [hbm4b:s4+s22], $0x80, s11, s22, $0xb8;
	[tilespmem:$0x1BE00] =	vst v63  }
0xac: {  	_ =	swait.ge [sflag:s14], $0x2800  }
0xad: {  	[sflag:s14] =	ssyncset.done $0x0  }
0xae: {  	[sflag:s14] =	ssyncadd.s32 $0xFFFFD800  }
0xaf: {  	[spmem:s2] =	stream.indirect.scatter.add.f32 [tilespmem:s9], [sflag:$0x3], $0x80, s8, s22, $0xb8;
	[tilespmem:$0x1BE00] =	vst v63  }
0xb0: {  	_ =	swait.ge [sflag:s25], $0x2800  }
0xb1: {  	s17 =	sshrl.u32 s17, $0x3;
	[sflag:s25] =	ssyncset.done $0x0  }
0xb2: {  	s26 =	sadd.s32 s5, s17;
	[sflag:s25] =	ssyncadd.s32 $0xFFFFD800  }
0xb3: {  	[tilespmem:s3], [sflag:$0x3] =	stream.linear.gather [hbm4b:s26+s3], $0x50, $0x38;
	[tilespmem:$0x1BE00] =	vst v63  }
0xb4: {  	_ =	swait.ge [sflag:s25], $0x50  }
0xb5: {  	[sflag:s25] =	ssyncset.done $0x0  }
0xb6: {  	s17 =	sadd.s32 s6, s17;
	[sflag:s25] =	ssyncadd.s32 $0xFFFFFFB0  }
0xb7: {  	[tilespmem:s8], [sflag:$0x3] =	stream.linear.gather [hbm4b:s17+s3], $0x50, $0x38;
	[tilespmem:$0x1BE00] =	vst v63  }
0xb8: {  	_ =	swait.ge [sflag:s25], $0x50  }
0xb9: {  	[sflag:s25] =	ssyncset.done $0x0  }
0xba: {  	[sflag:s25] =	ssyncadd.s32 $0xFFFFFFB0  }
0xbb: {  	[tilespmem:s9], [sflag:$0x1] =	stream.indirect.gather [hbm4b:s4+s22], $0x80, s3, s22, $0xb8;
	[tilespmem:$0x1BE00] =	vst v63  }
0xbc: {  	_ =	swait.ge [sflag:s15], $0x2800  }
0xbd: {  	[sflag:s15] =	ssyncset.done $0x0  }
0xbe: {  	[sflag:s15] =	ssyncadd.s32 $0xFFFFD800  }
0xbf: {  	[spmem:s2] =	stream.indirect.scatter.add.f32 [tilespmem:s13], [sflag:$0x3], $0x80, s12, s22, $0xb8;
	[tilespmem:$0x1BE00] =	vst v63  }
0xc0: {  	_ =	swait.ge [sflag:s25], $0x2800  }
0xc1: {  	[sflag:s25] =	ssyncset.done $0x0  }
0xc2: {  	[sflag:s25] =	ssyncadd.s32 $0xFFFFD800  }
0xc3: {  	_ =	swait.ge [sflag:s14], $0x2800  }
0xc4: {  	[sflag:s14] =	ssyncset.done $0x0  }
0xc5: {  	[sflag:s14] =	ssyncadd.s32 $0xFFFFD800  }
0xc6: {  	[spmem:s2] =	stream.indirect.scatter.add.f32 [tilespmem:s9], [sflag:$0x3], $0x80, s8, s22, $0xb8;
	[tilespmem:$0x1BE00] =	vst v63  }
0xc7: {  	_ =	swait.ge [sflag:s25], $0x2800  }
0xc8: {  	[sflag:s25] =	ssyncset.done $0x0  }
0xc9: {  	[sflag:s25] =	ssyncadd.s32 $0xFFFFD800  }
0xca: {  	s28 =	simm.s32 $0x7A00;
	[bflag:$0x0] =	sbarrier.arrive $0xFFFF  }
0xcb: {  	[tilespmem:s24], [sflag:$0x1] =	stream.indirect.gather [spmem:s2], $0x80, s28, s22, $0xb8;
	[tilespmem:$0x1BE00] =	vst v63  }
0xcc: {  	_ =	swait.ge [sflag:s14], $0x2800  }
0xcd: {  	[sflag:s14] =	ssyncset.done $0x0  }
0xce: {  	[sflag:s14] =	ssyncadd.s32 $0xFFFFD800  }
0xcf: {  	[hbm4b:s10+s3] =	stream.linear.scatter [tilespmem:s24], [sflag:$0x3], $0x2800, $0x38;
	[tilespmem:$0x1BE00] =	vst v63  }
0xd0: {  	_ =	swait.ge [sflag:s25], $0x2800  }
0xd1: {  	[sflag:s25] =	ssyncset.done $0x0  }
0xd2: {  	s29 =	simm.s32 $0x7A80;
	[sflag:s25] =	ssyncadd.s32 $0xFFFFD800  }
0xd3: {  	[tilespmem:s24], [sflag:$0x1] =	stream.indirect.gather [spmem:s2], $0x80, s29, s22, $0xb8;
	[tilespmem:$0x1BE00] =	vst v63  }
0xd4: {  	_ =	swait.ge [sflag:s14], $0x2800  }
0xd5: {  	[sflag:s14] =	ssyncset.done $0x0  }
0xd6: {  	s18 =	rddreg [dreg:$0x6];
	[sflag:s14] =	ssyncadd.s32 $0xFFFFD800  }
0xd7: {  	[hbm4b:s18+s3] =	stream.linear.scatter [tilespmem:s24], [sflag:$0x3], $0x2800, $0x38;
	[tilespmem:$0x1BE00] =	vst v63  }
0xd8: {  	_ =	swait.ge [sflag:s25], $0x2800  }
0xd9: {  	[sflag:s25] =	ssyncset.done $0x0  }
0xda: {  	s23 =	simm.s32 $0x7B00;
	[sflag:s25] =	ssyncadd.s32 $0xFFFFD800  }
0xdb: {  	[tilespmem:s24], [sflag:$0x1] =	stream.indirect.gather [spmem:s2], $0x80, s23, s22, $0xb8;
	[tilespmem:$0x1BE00] =	vst v63  }
0xdc: {  	_ =	swait.ge [sflag:s14], $0x2800  }
0xdd: {  	[sflag:s14] =	ssyncset.done $0x0  }
0xde: {  	s26 =	rddreg [dreg:$0x7];
	[sflag:s14] =	ssyncadd.s32 $0xFFFFD800  }
0xdf: {  	[hbm4b:s26+s3] =	stream.linear.scatter [tilespmem:s24], [sflag:$0x3], $0x2800, $0x38;
	[tilespmem:$0x1BE00] =	vst v63  }
0xe0: {  	_ =	swait.ge [sflag:s25], $0x2800  }
0xe1: {  	[sflag:s25] =	ssyncset.done $0x0  }
0xe2: {  	s28 =	simm.s32 $0x7B80;
	[sflag:s25] =	ssyncadd.s32 $0xFFFFD800  }
0xe3: {  	[tilespmem:s24], [sflag:$0x1] =	stream.indirect.gather [spmem:s2], $0x80, s28, s22, $0xb8;
	[tilespmem:$0x1BE00] =	vst v63  }
0xe4: {  	_ =	swait.ge [sflag:s14], $0x2800  }
0xe5: {  	[sflag:s14] =	ssyncset.done $0x0  }
0xe6: {  	s29 =	rddreg [dreg:$0x8];
	[sflag:s14] =	ssyncadd.s32 $0xFFFFD800  }
0xe7: {  	[hbm4b:s29+s3] =	stream.linear.scatter [tilespmem:s24], [sflag:$0x3], $0x2800, $0x38;
	[tilespmem:$0x1BE00] =	vst v63  }
0xe8: {  	_ =	swait.ge [sflag:s25], $0x2800  }
0xe9: {  	[sflag:s25] =	ssyncset.done $0x0  }
0xea: {  	[sflag:s25] =	ssyncadd.s32 $0xFFFFD800  }
0xeb: {  	[tilespmem:s24], [sflag:$0x1] =	stream.indirect.gather [spmem:s2], $0x80, s30, s22, $0xb8;
	[tilespmem:$0x1BE00] =	vst v63  }
0xec: {  	_ =	swait.ge [sflag:s14], $0x2800  }
0xed: {  	[sflag:s14] =	ssyncset.done $0x0  }
0xee: {  	s18 =	rddreg [dreg:$0x9];
	[sflag:s14] =	ssyncadd.s32 $0xFFFFD800  }
0xef: {  	[hbm4b:s18+s3] =	stream.linear.scatter [tilespmem:s24], [sflag:$0x3], $0x2800, $0x38;
	[tilespmem:$0x1BE00] =	vst v63  }
0xf0: {  	_ =	swait.ge [sflag:s25], $0x2800  }
0xf1: {  	[sflag:s25] =	ssyncset.done $0x0  }
0xf2: {  	[sflag:s25] =	ssyncadd.s32 $0xFFFFD800  }
0xf3: {  	[tilespmem:s24], [sflag:$0x1] =	stream.indirect.gather [spmem:s2], $0x80, s31, s22, $0xb8;
	[tilespmem:$0x1BE00] =	vst v63  }
0xf4: {  	_ =	swait.ge [sflag:s14], $0x2800  }
0xf5: {  	[sflag:s14] =	ssyncset.done $0x0  }
0xf6: {  	s23 =	rddreg [dreg:$0xa];
	[sflag:s14] =	ssyncadd.s32 $0xFFFFD800  }
0xf7: {  	[hbm4b:s23+s3] =	stream.linear.scatter [tilespmem:s24], [sflag:$0x3], $0x2800, $0x38;
	[tilespmem:$0x1BE00] =	vst v63  }
0xf8: {  	_ =	swait.ge [sflag:s25], $0x2800  }
0xf9: {  	[sflag:s25] =	ssyncset.done $0x0  }
0xfa: {  	[sflag:s25] =	ssyncadd.s32 $0xFFFFD800  }
0xfb: {  	[tilespmem:s24], [sflag:$0x1] =	stream.indirect.gather [spmem:s2], $0x80, s0, s22, $0xb8;
	[tilespmem:$0x1BE00] =	vst v63  }
0xfc: {  	_ =	swait.ge [sflag:s14], $0x2800  }
0xfd: {  	[sflag:s14] =	ssyncset.done $0x0  }
0xfe: {  	s26 =	rddreg [dreg:$0xb];
	[sflag:s14] =	ssyncadd.s32 $0xFFFFD800  }
0xff: {  	[hbm4b:s26+s3] =	stream.linear.scatter [tilespmem:s24], [sflag:$0x3], $0x2800, $0x38;
	[tilespmem:$0x1BE00] =	vst v63  }
0x100: {  	_ =	swait.ge [sflag:s25], $0x2800  }
0x101: {  	[sflag:s25] =	ssyncset.done $0x0  }
0x102: {  	[sflag:s25] =	ssyncadd.s32 $0xFFFFD800  }
0x103: {  	[tilespmem:s24], [sflag:$0x1] =	stream.indirect.gather [spmem:s2], $0x80, s1, s22, $0xb8;
	[tilespmem:$0x1BE00] =	vst v63  }
0x104: {  	_ =	swait.ge [sflag:s14], $0x2800  }
0x105: {  	[sflag:s14] =	ssyncset.done $0x0  }
0x106: {  	s28 =	rddreg [dreg:$0xc];
	[sflag:s14] =	ssyncadd.s32 $0xFFFFD800  }
0x107: {  	[hbm4b:s28+s3] =	stream.linear.scatter [tilespmem:s24], [sflag:$0x3], $0x2800, $0x38;
	[tilespmem:$0x1BE00] =	vst v63  }
0x108: {  	_ =	swait.ge [sflag:s25], $0x2800  }
0x109: {  	s16 =	sadd.s32 $0x1, s16;
	s29 =	rddreg [dreg:$0x5]  }
0x10a: {  	p0 =	sne.s32 s16, s29  }
.Ltmp3:
0x10b: {  	_ = 	snop;
	(pc) =	sbr.rel @p0 .LBB2_1-.Ltmp3, $3  }
0x10c: {  	_ =	sdelay $0x1  }
0x10d: {  	[sflag:s25] =	ssyncset.done $0x0  }
0x10e: {  	[sflag:s25] =	ssyncadd.s32 $0xFFFFD800  }
0x10f: {  	_ =	sfence.sel $0x180000  }
0x110: {  	[bflag:$0x0] =	sbarrier.arrive $0xFFFF  }
0x111: {  	_ =	strace $0x9000004D  }
0x112: {  	s0 =	stileid.u32;
	[bflag:$0x2] =	sbarrier.arrive $0xFFFF  }
0x113: {  	p0 =	sne.s32 s0, $0x0;
	s0 =	rddreg [dreg:$0x2]  }
0x114: {  	s0 =	sadd.s32 @!p0 $0x100000, s0  }
0x115: {  	[sflag:s0] =	ssyncadd.tile.s32 @!p0 $0x1;
	_ =	shalt  }
.Lfunc_end2:
_tile_overlayer_lowered:
.L_overlay_start_2:
0x116: {  	(tag) =	ssettag $0x2  }
0x117: {  	s0 =	rddreg [dreg:$0x0];
	s2 =	stileid.u32  }
0x118: {  	s1 =	rddreg [dreg:$0x1];
	p0 =	sne.s32 s2, $0x0  }
0x119: {  	s3 =	rddreg [dreg:$0x2];
	[bflag:$0x3] =	sbarrier.arrive $0xFFFF;
	s2 =	simm.s32 @!p0 $0x1C03  }
0x11a: {  	[timem:s3], [sflag:s2] =	dma.local @!p0 [hbm:s0], s1  }
0x11b: {  	s0 =	simm.s32 @!p0 $0x3  }
0x11c: {  	_ =	swait.ge @!p0 [sflag:s0], s1  }
0x11d: {  	s1 =	ssub.s32 @!p0 $0x0, s1;
	[sflag:s0] =	ssyncset.done @!p0 $0x0  }
0x11e: {  	[sflag:s0] =	ssyncadd.s32 @!p0 s1  }
0x11f: {  	[bflag:$0x3] =	sbarrier.arrive $0xFFFF  }
0x120: {  	_ =	shalt  }

</sc_bundles>
